<compile_context>
chip_gen: v7x
topology: tpu7x:2x2x1
jax: 0.10.2.dev20260603
libtpu: 0.0.44.dev20260713+nightly
codegen_flags: <defaults>
</compile_context>

<pallas_src>
import functools

import jax
import jax.numpy as jnp
from jax import lax
from jax.experimental import pallas as pl
from jax.experimental.pallas import tpu as pltpu
from jax.experimental.pallas import tpu_sc as plsc

N_NODES = 10000
IN_CH = 128
OUT_CH = 128

NC = 2
NS = 16
NW = NC * NS
CHUNK = 128
NPAD = 10240
ROWS_PER_TILE = NPAD // NS

N_EDGES = 320000
N_CHUNKS_W = 80
E_PER_W = N_CHUNKS_W * CHUNK
EPAD = E_PER_W * NW
E_PER_C = EPAD // NC

N_CHUNKS_PAIR = 160
NCH0 = 118
NCH1 = N_CHUNKS_PAIR - NCH0

BLK = 1024
GRID = NPAD // BLK

_mesh = lambda: plsc.VectorSubcoreMesh(
    core_axis_name="c", subcore_axis_name="s", num_cores=NC, num_subcores=NS)


@functools.partial(
    pl.kernel,
    out_type=jax.ShapeDtypeStruct((NC, NPAD), jnp.float32),
    mesh=_mesh(),
    scratch_types=[
        pltpu.VMEM((N_CHUNKS_W, CHUNK), jnp.int32),
        pltpu.VMEM((CHUNK,), jnp.float32),
        pltpu.VMEM_SHARED((NPAD,), jnp.float32),
        pltpu.SemaphoreType.DMA,
    ],
)
def _deg_kernel(row_hbm, hist_hbm, rowst, onesv, acc, sem):
    c = lax.axis_index("c")
    s = lax.axis_index("s")
    wid = c * NS + s

    for k in range(CHUNK // 16):
        onesv[pl.ds(k * 16, 16)] = jnp.zeros((16,), jnp.float32)
    base_r = s * ROWS_PER_TILE
    @pl.loop(0, ROWS_PER_TILE // CHUNK)
    def _zero(i):
        pltpu.sync_copy(onesv, acc.at[pl.ds(base_r + i * CHUNK, CHUNK)])
    pltpu.sync_copy(row_hbm.at[wid], rowst)
    for k in range(CHUNK // 16):
        onesv[pl.ds(k * 16, 16)] = jnp.ones((16,), jnp.float32)
    plsc.subcore_barrier()

    @pl.loop(0, N_CHUNKS_W // 8)
    def _hist(g):
        for k in range(8):
            pltpu.async_copy(onesv, acc.at[rowst.at[g * 8 + k]], sem, add=True)
        for k in range(8):
            pltpu.make_async_copy(onesv, acc.at[rowst.at[0]], sem).wait()
    plsc.subcore_barrier()

    @pl.loop(0, ROWS_PER_TILE // CHUNK)
    def _wb(i):
        off = base_r + i * CHUNK
        pltpu.sync_copy(acc.at[pl.ds(off, CHUNK)], onesv)
        pltpu.sync_copy(onesv, hist_hbm.at[c, pl.ds(off, CHUNK)])


@functools.partial(
    pl.kernel,
    out_type=jax.ShapeDtypeStruct((NC, NPAD, OUT_CH), jnp.float32),
    mesh=_mesh(),
    scratch_types=[
        pltpu.VMEM((CHUNK,), jnp.int32),
        pltpu.VMEM((CHUNK,), jnp.int32),
        pltpu.VMEM((2, CHUNK), jnp.int32),
        pltpu.VMEM((CHUNK, OUT_CH), jnp.float32),
        pltpu.VMEM((CHUNK, OUT_CH), jnp.float32),
        pltpu.VMEM((8, OUT_CH), jnp.float32),
        pltpu.VMEM_SHARED((NPAD, OUT_CH), jnp.float32),
        pltpu.SemaphoreType.DMA,
        pltpu.SemaphoreType.DMA,
    ],
)
def _edge_kernel(sup_hbm, col_hbm, row_hbm, out_hbm,
                 colv0, colv1, rowv, buf0, buf1, ztile, acc, sem0, sem1):
    c = lax.axis_index("c")
    s = lax.axis_index("s")

    for r in range(8):
        for k in range(OUT_CH // 16):
            ztile[r, pl.ds(k * 16, 16)] = jnp.zeros((16,), jnp.float32)
    base_r = s * ROWS_PER_TILE
    @pl.loop(0, ROWS_PER_TILE // 8)
    def _zero(i):
        pltpu.sync_copy(ztile, acc.at[pl.ds(base_r + i * 8, 8)])
    plsc.subcore_barrier()

    n_my = jnp.where(c == 0, NCH0, NCH1)
    base_e = jnp.where(c == 0, s * NCH0, NS * NCH0 + s * NCH1) * CHUNK

    colvs = (colv0, colv1)
    bufs = (buf0, buf1)
    sems = (sem0, sem1)
    pltpu.sync_copy(col_hbm.at[pl.ds(base_e, CHUNK)], colv0)
    pltpu.async_copy(sup_hbm.at[colv0], buf0, sem0)
    @pl.loop(0, n_my // 2)
    def _pair(i):
        j0 = 2 * i
        for p in range(2):
            j = j0 + p
            jn = lax.rem(j + 1, n_my)
            pltpu.sync_copy(col_hbm.at[pl.ds(base_e + jn * CHUNK, CHUNK)],
                            colvs[1 - p])
            pltpu.async_copy(sup_hbm.at[colvs[1 - p]], bufs[1 - p], sems[1 - p])
            pltpu.sync_copy(row_hbm.at[pl.ds(base_e + j * CHUNK, CHUNK)],
                            rowv.at[p])
            pltpu.make_async_copy(sup_hbm.at[colvs[p]], bufs[p], sems[p]).wait()
            pltpu.sync_copy(bufs[p], acc.at[rowv.at[p]], add=True)
    pltpu.make_async_copy(sup_hbm.at[colv0], buf0, sem0).wait()
    plsc.subcore_barrier()

    @pl.loop(0, ROWS_PER_TILE // CHUNK)
    def _wb(i):
        off = base_r + i * CHUNK
        pltpu.sync_copy(acc.at[pl.ds(off, CHUNK)], buf0)
        pltpu.sync_copy(buf0, out_hbm.at[c, pl.ds(off, CHUNK)])


HCH = OUT_CH // NC
N_CHUNKS_T = EPAD // (NS * CHUNK)
GRP = 8
N_GRP = N_CHUNKS_T // GRP


@functools.partial(
    pl.kernel,
    out_type=jax.ShapeDtypeStruct((NC, NPAD, HCH), jnp.float32),
    mesh=_mesh(),
    compiler_params=pltpu.CompilerParams(use_tc_tiling_on_sc=False),
    scratch_types=[
        pltpu.VMEM((2, GRP, CHUNK), jnp.int32),
        pltpu.VMEM((2, GRP, CHUNK), jnp.int32),
        pltpu.VMEM((CHUNK, HCH), jnp.float32),
        pltpu.VMEM((CHUNK, HCH), jnp.float32),
        pltpu.VMEM((8, HCH), jnp.float32),
        pltpu.VMEM_SHARED((NPAD, HCH), jnp.float32),
        pltpu.VMEM_SHARED((NPAD, HCH), jnp.float32),
        pltpu.SemaphoreType.DMA,
        pltpu.SemaphoreType.DMA,
        pltpu.SemaphoreType.DMA,
    ],
)
def _edge_kernel_cs(sup_hbm, col_hbm, row_hbm, out_hbm,
                    colg, rowg, buf0, buf1, ztile, acc, supc,
                    sem0, sem1, semi):
    c = lax.axis_index("c")
    s = lax.axis_index("s")

    for r in range(8):
        for k in range(HCH // 16):
            ztile[r, pl.ds(k * 16, 16)] = jnp.zeros((16,), jnp.float32)
    base_r = s * ROWS_PER_TILE
    @pl.loop(0, ROWS_PER_TILE // 8)
    def _zero(i):
        pltpu.sync_copy(ztile, acc.at[pl.ds(base_r + i * 8, 8)])

    @pl.loop(0, ROWS_PER_TILE // CHUNK)
    def _stage(i):
        off = base_r + i * CHUNK
        pltpu.sync_copy(sup_hbm.at[c, pl.ds(off, CHUNK)], buf0)
        pltpu.sync_copy(buf0, supc.at[pl.ds(off, CHUNK)])
    plsc.subcore_barrier()

    bufs = (buf0, buf1)
    sems = (sem0, sem1)
    pltpu.sync_copy(col_hbm.at[s, pl.ds(0, GRP)], colg.at[0])
    pltpu.sync_copy(row_hbm.at[s, pl.ds(0, GRP)], rowg.at[0])
    pltpu.async_copy(supc.at[colg.at[0, 0]], buf0, sem0)
    @pl.loop(0, N_GRP)
    def _grp(g):
        q = lax.rem(g, 2)
        qn = 1 - q
        gn = lax.rem(g + 1, N_GRP)
        pltpu.async_copy(col_hbm.at[s, pl.ds(gn * GRP, GRP)], colg.at[qn], semi)
        pltpu.async_copy(row_hbm.at[s, pl.ds(gn * GRP, GRP)], rowg.at[qn], semi)
        for k in range(GRP):
            p = k % 2
            if k < GRP - 1:
                pltpu.async_copy(supc.at[colg.at[q, k + 1]],
                                 bufs[1 - p], sems[1 - p])
            else:
                pltpu.make_async_copy(col_hbm.at[s, pl.ds(0, GRP)],
                                      colg.at[qn], semi).wait()
                pltpu.make_async_copy(row_hbm.at[s, pl.ds(0, GRP)],
                                      rowg.at[qn], semi).wait()
                pltpu.async_copy(supc.at[colg.at[qn, 0]],
                                 bufs[1 - p], sems[1 - p])
            pltpu.make_async_copy(supc.at[colg.at[q, k]],
                                  bufs[p], sems[p]).wait()
            pltpu.sync_copy(bufs[p], acc.at[rowg.at[q, k]], add=True)
    pltpu.make_async_copy(supc.at[colg.at[0, 0]], buf0, sem0).wait()
    plsc.subcore_barrier()

    @pl.loop(0, ROWS_PER_TILE // CHUNK)
    def _wb(i):
        off = base_r + i * CHUNK
        pltpu.sync_copy(acc.at[pl.ds(off, CHUNK)], buf0)
        pltpu.sync_copy(buf0, out_hbm.at[c, pl.ds(off, CHUNK)])


def _combine_cs_body(p_ref, sup_ref, dis_ref, out_ref):
    p = jnp.concatenate([p_ref[0] + sup_ref[0], p_ref[1] + sup_ref[1]], axis=1)
    out_ref[...] = dis_ref[...] * p


def _combine_cs_call(p, supT, dis):
    return pl.pallas_call(
        _combine_cs_body,
        grid=(GRID,),
        in_specs=[
            pl.BlockSpec((NC, BLK, HCH), lambda i: (0, i, 0)),
            pl.BlockSpec((NC, BLK, HCH), lambda i: (0, i, 0)),
            pl.BlockSpec((BLK, 1), lambda i: (i, 0)),
        ],
        out_specs=pl.BlockSpec((BLK, OUT_CH), lambda i: (i, 0)),
        out_shape=jax.ShapeDtypeStruct((NPAD, OUT_CH), jnp.float32),
    )(p, supT, dis)


def _support_body(x_ref, wt_ref, b_ref, h0_ref, h1_ref, sup_ref, dis_ref):
    deg = 1.0 + h0_ref[...] + h1_ref[...]
    dis = lax.rsqrt(deg)
    s = jnp.dot(x_ref[...], wt_ref[...],
                preferred_element_type=jnp.float32) + b_ref[...]
    s2 = dis * s
    sup_ref[0] = s2[:, :HCH]
    sup_ref[1] = s2[:, HCH:]
    dis_ref[...] = dis


def _support_call(x_pad, wt, b2, h0, h1):
    return pl.pallas_call(
        _support_body,
        grid=(GRID,),
        in_specs=[
            pl.BlockSpec((BLK, IN_CH), lambda i: (i, 0)),
            pl.BlockSpec((IN_CH, OUT_CH), lambda i: (0, 0)),
            pl.BlockSpec((1, OUT_CH), lambda i: (0, 0)),
            pl.BlockSpec((BLK, 1), lambda i: (i, 0)),
            pl.BlockSpec((BLK, 1), lambda i: (i, 0)),
        ],
        out_specs=[
            pl.BlockSpec((NC, BLK, HCH), lambda i: (0, i, 0)),
            pl.BlockSpec((BLK, 1), lambda i: (i, 0)),
        ],
        out_shape=[
            jax.ShapeDtypeStruct((NC, NPAD, HCH), jnp.float32),
            jax.ShapeDtypeStruct((NPAD, 1), jnp.float32),
        ],
    )(x_pad, wt, b2, h0, h1)


def _combine_body(p0_ref, p1_ref, sup_ref, dis_ref, out_ref):
    out_ref[...] = dis_ref[...] * (p0_ref[...] + p1_ref[...] + sup_ref[...])


def _combine_call(p0, p1, sup, dis):
    return pl.pallas_call(
        _combine_body,
        grid=(GRID,),
        in_specs=[
            pl.BlockSpec((BLK, OUT_CH), lambda i: (i, 0)),
            pl.BlockSpec((BLK, OUT_CH), lambda i: (i, 0)),
            pl.BlockSpec((BLK, OUT_CH), lambda i: (i, 0)),
            pl.BlockSpec((BLK, 1), lambda i: (i, 0)),
        ],
        out_specs=pl.BlockSpec((BLK, OUT_CH), lambda i: (i, 0)),
        out_shape=jax.ShapeDtypeStruct((NPAD, OUT_CH), jnp.float32),
    )(p0, p1, sup, dis)


def kernel(x, edge_index, W, b):
    ei = edge_index.astype(jnp.int32)
    row = jnp.pad(ei[0], (0, EPAD - N_EDGES), constant_values=N_NODES)
    col = jnp.pad(ei[1], (0, EPAD - N_EDGES), constant_values=0)

    hist = _deg_kernel(row.reshape(NW, N_CHUNKS_W, CHUNK))
    h0 = hist[0].reshape(NPAD, 1)
    h1 = hist[1].reshape(NPAD, 1)

    x_pad = jnp.pad(x, ((0, NPAD - N_NODES), (0, 0)))
    wt = W.T
    b2 = b.reshape(1, OUT_CH)
    supT, dis = _support_call(x_pad, wt, b2, h0, h1)

    col3 = col.reshape(NS, N_CHUNKS_T, CHUNK)
    row3 = row.reshape(NS, N_CHUNKS_T, CHUNK)
    partials = _edge_kernel_cs(supT, col3, row3)
    out = _combine_cs_call(partials, supT, dis)
    return out[:N_NODES]

# --- scband reference (transcript-rebuilt; emitter-appended) ---
"""Pipeline reference for scband-graph-convolution-34557306864322 (READ-ONLY COPY).

The authoritative reference and input builder live on the scoring server;
editing this copy changes nothing except your own understanding.
"""

import jax, jax.numpy as jnp
import numpy as np

N_NODES = 10000
N_EDGES = 320000
IN_CH = 128
OUT_CH = 128


def setup_inputs(seed: int = 0) -> dict:
    key = jax.random.key(seed)
    k_x, k_ei, k_w, k_b = jax.random.split(key, 4)
    x = jax.random.normal(k_x, (N_NODES, IN_CH), dtype=jnp.float32)
    edge_index = jax.random.randint(k_ei, (2, N_EDGES), 0, N_NODES, dtype=jnp.int64)
    # nn.Linear default init: U(-1/sqrt(fan_in), 1/sqrt(fan_in))
    bound = 1.0 / np.sqrt(IN_CH)
    W = jax.random.uniform(k_w, (OUT_CH, IN_CH), dtype=jnp.float32, minval=-bound, maxval=bound)
    b = jax.random.uniform(k_b, (OUT_CH,), dtype=jnp.float32, minval=-bound, maxval=bound)
    return {"x": x, "edge_index": edge_index, "W": W, "b": b}


def reference(x, edge_index, W, b):
    num_nodes = x.shape[0]
    # add self loops
    self_loops = jnp.arange(num_nodes, dtype=edge_index.dtype)
    loop_index = jnp.stack([self_loops, self_loops], axis=0)
    ei = jnp.concatenate([edge_index, loop_index], axis=1)
    row, col = ei[0], ei[1]
    values = jnp.ones(row.shape[0], dtype=jnp.float32)
    # degree via scatter-add
    deg = jnp.zeros((num_nodes,), dtype=jnp.float32).at[row].add(values)
    deg_inv_sqrt = jnp.where(deg > 0, deg ** -0.5, 0.0)
    norm_values = deg_inv_sqrt[row] * values * deg_inv_sqrt[col]
    # dropout with p=0.0 is identity
    support = x @ W.T + b
    # sparse.mm(adj, support): out[row] += norm * support[col]
    # (coalesce in torch sums duplicate (row,col) values; scatter-add is equivalent)
    out = jnp.zeros((num_nodes, W.shape[0]), dtype=jnp.float32).at[row].add(norm_values[:, None] * support[col])
    return out

if __name__ == "__main__":
    import jax
    _d = setup_inputs()
    print(jax.jit(kernel)(*tuple(_d.values())))

</pallas_src>

<mosaic_0001>
#map = affine_map<(d0, d1) -> (0, 0, 0)>
module attributes {stable_mosaic.version = 14 : i64} {
  func.func @_edge_kernel_cs(%arg0: i32, %arg1: i32, %arg2: memref<2x10240x64xf32, #tpu.memory_space<hbm>>, %arg3: memref<16x160x128xi32, #tpu.memory_space<hbm>>, %arg4: memref<16x160x128xi32, #tpu.memory_space<hbm>>, %arg5: memref<2x10240x64xf32, #tpu.memory_space<hbm>>, %arg6: memref<2x8x128xi32, #tpu.memory_space<vmem>>, %arg7: memref<2x8x128xi32, #tpu.memory_space<vmem>>, %arg8: memref<128x64xf32, #tpu.memory_space<vmem>>, %arg9: memref<128x64xf32, #tpu.memory_space<vmem>>, %arg10: memref<8x64xf32, #tpu.memory_space<vmem>>, %arg11: memref<10240x64xf32, #tpu.memory_space<vmem_shared>>, %arg12: memref<10240x64xf32, #tpu.memory_space<vmem_shared>>, %arg13: memref<!tpu.dma_semaphore, #tpu.memory_space<semaphore_mem>>, %arg14: memref<!tpu.dma_semaphore, #tpu.memory_space<semaphore_mem>>, %arg15: memref<!tpu.dma_semaphore, #tpu.memory_space<semaphore_mem>>) attributes {dimension_semantics = [#tpu.dimension_semantics<core_parallel>, #tpu.dimension_semantics<subcore_parallel>], iteration_bounds = array<i64: 2, 16>, scalar_prefetch = 0 : i64, scratch_operands = 10 : i64, tpu.core_type = #tpu.core_type<sc_vector_subcore>, window_params = [{transform_indices = #map}, {transform_indices = #map}, {transform_indices = #map}, {transform_indices = #map}]} {
    %broadcast_in_dim3A = arith.constant 0.000000e+00 : f32
    %broadcast_in_dim3A_0 = vector.broadcast %broadcast_in_dim3A : f32 to vector<16xf32>
    %swap3A = arith.constant 0 : i32
    %swap3A_1 = arith.index_cast %swap3A : i32 to index
    %swap3A_2 = arith.constant 0 : index
    %swap3A_3 = tpu.vector_load %arg10[%swap3A_1, %swap3A_2] {strides = array<i32>} : memref<8x64xf32, #tpu.memory_space<vmem>>, vector<1x16xf32>,
    %swap3A_4 = vector.shape_cast %swap3A_3 : vector<1x16xf32> to vector<16xf32>
    %swap3A_5 = vector.shape_cast %broadcast_in_dim3A_0 : vector<16xf32> to vector<1x16xf32>
    tpu.vector_store %arg10[%swap3A_1, %swap3A_2], %swap3A_5 {strides = array<i32>} : memref<8x64xf32, #tpu.memory_space<vmem>>, vector<1x16xf32>,
    %broadcast_in_dim3A_6 = arith.constant 0.000000e+00 : f32
    %broadcast_in_dim3A_7 = vector.broadcast %broadcast_in_dim3A_6 : f32 to vector<16xf32>
    %swap3A_8 = arith.constant 0 : i32
    %swap3A_9 = arith.index_cast %swap3A_8 : i32 to index
    %swap3A_10 = arith.constant 16 : index
    %swap3A_11 = tpu.vector_load %arg10[%swap3A_9, %swap3A_10] {strides = array<i32>} : memref<8x64xf32, #tpu.memory_space<vmem>>, vector<1x16xf32>,
    %swap3A_12 = vector.shape_cast %swap3A_11 : vector<1x16xf32> to vector<16xf32>
    %swap3A_13 = vector.shape_cast %broadcast_in_dim3A_7 : vector<16xf32> to vector<1x16xf32>
    tpu.vector_store %arg10[%swap3A_9, %swap3A_10], %swap3A_13 {strides = array<i32>} : memref<8x64xf32, #tpu.memory_space<vmem>>, vector<1x16xf32>,
    %broadcast_in_dim3A_14 = arith.constant 0.000000e+00 : f32
    %broadcast_in_dim3A_15 = vector.broadcast %broadcast_in_dim3A_14 : f32 to vector<16xf32>
    %swap3A_16 = arith.constant 0 : i32
    %swap3A_17 = arith.index_cast %swap3A_16 : i32 to index
    %swap3A_18 = arith.constant 32 : index
    %swap3A_19 = tpu.vector_load %arg10[%swap3A_17, %swap3A_18] {strides = array<i32>} : memref<8x64xf32, #tpu.memory_space<vmem>>, vector<1x16xf32>,
    %swap3A_20 = vector.shape_cast %swap3A_19 : vector<1x16xf32> to vector<16xf32>
    %swap3A_21 = vector.shape_cast %broadcast_in_dim3A_15 : vector<16xf32> to vector<1x16xf32>
    tpu.vector_store %arg10[%swap3A_17, %swap3A_18], %swap3A_21 {strides = array<i32>} : memref<8x64xf32, #tpu.memory_space<vmem>>, vector<1x16xf32>,
    %broadcast_in_dim3A_22 = arith.constant 0.000000e+00 : f32
    %broadcast_in_dim3A_23 = vector.broadcast %broadcast_in_dim3A_22 : f32 to vector<16xf32>
    %swap3A_24 = arith.constant 0 : i32
    %swap3A_25 = arith.index_cast %swap3A_24 : i32 to index
    %swap3A_26 = arith.constant 48 : index
    %swap3A_27 = tpu.vector_load %arg10[%swap3A_25, %swap3A_26] {strides = array<i32>} : memref<8x64xf32, #tpu.memory_space<vmem>>, vector<1x16xf32>,
    %swap3A_28 = vector.shape_cast %swap3A_27 : vector<1x16xf32> to vector<16xf32>
    %swap3A_29 = vector.shape_cast %broadcast_in_dim3A_23 : vector<16xf32> to vector<1x16xf32>
    tpu.vector_store %arg10[%swap3A_25, %swap3A_26], %swap3A_29 {strides = array<i32>} : memref<8x64xf32, #tpu.memory_space<vmem>>, vector<1x16xf32>,
    %broadcast_in_dim3A_30 = arith.constant 0.000000e+00 : f32
    %broadcast_in_dim3A_31 = vector.broadcast %broadcast_in_dim3A_30 : f32 to vector<16xf32>
    %swap3A_32 = arith.constant 1 : i32
    %swap3A_33 = arith.index_cast %swap3A_32 : i32 to index
    %swap3A_34 = arith.constant 0 : index
    %swap3A_35 = tpu.vector_load %arg10[%swap3A_33, %swap3A_34] {strides = array<i32>} : memref<8x64xf32, #tpu.memory_space<vmem>>, vector<1x16xf32>,
    %swap3A_36 = vector.shape_cast %swap3A_35 : vector<1x16xf32> to vector<16xf32>
    %swap3A_37 = vector.shape_cast %broadcast_in_dim3A_31 : vector<16xf32> to vector<1x16xf32>
    tpu.vector_store %arg10[%swap3A_33, %swap3A_34], %swap3A_37 {strides = array<i32>} : memref<8x64xf32, #tpu.memory_space<vmem>>, vector<1x16xf32>,
    %broadcast_in_dim3A_38 = arith.constant 0.000000e+00 : f32
    %broadcast_in_dim3A_39 = vector.broadcast %broadcast_in_dim3A_38 : f32 to vector<16xf32>
    %swap3A_40 = arith.constant 1 : i32
    %swap3A_41 = arith.index_cast %swap3A_40 : i32 to index
    %swap3A_42 = arith.constant 16 : index
    %swap3A_43 = tpu.vector_load %arg10[%swap3A_41, %swap3A_42] {strides = array<i32>} : memref<8x64xf32, #tpu.memory_space<vmem>>, vector<1x16xf32>,
    %swap3A_44 = vector.shape_cast %swap3A_43 : vector<1x16xf32> to vector<16xf32>
    %swap3A_45 = vector.shape_cast %broadcast_in_dim3A_39 : vector<16xf32> to vector<1x16xf32>
    tpu.vector_store %arg10[%swap3A_41, %swap3A_42], %swap3A_45 {strides = array<i32>} : memref<8x64xf32, #tpu.memory_space<vmem>>, vector<1x16xf32>,
    %broadcast_in_dim3A_46 = arith.constant 0.000000e+00 : f32
    %broadcast_in_dim3A_47 = vector.broadcast %broadcast_in_dim3A_46 : f32 to vector<16xf32>
    %swap3A_48 = arith.constant 1 : i32
    %swap3A_49 = arith.index_cast %swap3A_48 : i32 to index
    %swap3A_50 = arith.constant 32 : index
    %swap3A_51 = tpu.vector_load %arg10[%swap3A_49, %swap3A_50] {strides = array<i32>} : memref<8x64xf32, #tpu.memory_space<vmem>>, vector<1x16xf32>,
    %swap3A_52 = vector.shape_cast %swap3A_51 : vector<1x16xf32> to vector<16xf32>
    %swap3A_53 = vector.shape_cast %broadcast_in_dim3A_47 : vector<16xf32> to vector<1x16xf32>
    tpu.vector_store %arg10[%swap3A_49, %swap3A_50], %swap3A_53 {strides = array<i32>} : memref<8x64xf32, #tpu.memory_space<vmem>>, vector<1x16xf32>,
    %broadcast_in_dim3A_54 = arith.constant 0.000000e+00 : f32
    %broadcast_in_dim3A_55 = vector.broadcast %broadcast_in_dim3A_54 : f32 to vector<16xf32>
    %swap3A_56 = arith.constant 1 : i32
    %swap3A_57 = arith.index_cast %swap3A_56 : i32 to index
    %swap3A_58 = arith.constant 48 : index
    %swap3A_59 = tpu.vector_load %arg10[%swap3A_57, %swap3A_58] {strides = array<i32>} : memref<8x64xf32, #tpu.memory_space<vmem>>, vector<1x16xf32>,
    %swap3A_60 = vector.shape_cast %swap3A_59 : vector<1x16xf32> to vector<16xf32>
    %swap3A_61 = vector.shape_cast %broadcast_in_dim3A_55 : vector<16xf32> to vector<1x16xf32>
    tpu.vector_store %arg10[%swap3A_57, %swap3A_58], %swap3A_61 {strides = array<i32>} : memref<8x64xf32, #tpu.memory_space<vmem>>, vector<1x16xf32>,
    %broadcast_in_dim3A_62 = arith.constant 0.000000e+00 : f32
    %broadcast_in_dim3A_63 = vector.broadcast %broadcast_in_dim3A_62 : f32 to vector<16xf32>
    %swap3A_64 = arith.constant 2 : i32
    %swap3A_65 = arith.index_cast %swap3A_64 : i32 to index
    %swap3A_66 = arith.constant 0 : index
    %swap3A_67 = tpu.vector_load %arg10[%swap3A_65, %swap3A_66] {strides = array<i32>} : memref<8x64xf32, #tpu.memory_space<vmem>>, vector<1x16xf32>,
    %swap3A_68 = vector.shape_cast %swap3A_67 : vector<1x16xf32> to vector<16xf32>
    %swap3A_69 = vector.shape_cast %broadcast_in_dim3A_63 : vector<16xf32> to vector<1x16xf32>
    tpu.vector_store %arg10[%swap3A_65, %swap3A_66], %swap3A_69 {strides = array<i32>} : memref<8x64xf32, #tpu.memory_space<vmem>>, vector<1x16xf32>,
    %broadcast_in_dim3A_70 = arith.constant 0.000000e+00 : f32
    %broadcast_in_dim3A_71 = vector.broadcast %broadcast_in_dim3A_70 : f32 to vector<16xf32>
    %swap3A_72 = arith.constant 2 : i32
    %swap3A_73 = arith.index_cast %swap3A_72 : i32 to index
    %swap3A_74 = arith.constant 16 : index
    %swap3A_75 = tpu.vector_load %arg10[%swap3A_73, %swap3A_74] {strides = array<i32>} : memref<8x64xf32, #tpu.memory_space<vmem>>, vector<1x16xf32>,
    %swap3A_76 = vector.shape_cast %swap3A_75 : vector<1x16xf32> to vector<16xf32>
    %swap3A_77 = vector.shape_cast %broadcast_in_dim3A_71 : vector<16xf32> to vector<1x16xf32>
    tpu.vector_store %arg10[%swap3A_73, %swap3A_74], %swap3A_77 {strides = array<i32>} : memref<8x64xf32, #tpu.memory_space<vmem>>, vector<1x16xf32>,
    %broadcast_in_dim3A_78 = arith.constant 0.000000e+00 : f32
    %broadcast_in_dim3A_79 = vector.broadcast %broadcast_in_dim3A_78 : f32 to vector<16xf32>
    %swap3A_80 = arith.constant 2 : i32
    %swap3A_81 = arith.index_cast %swap3A_80 : i32 to index
    %swap3A_82 = arith.constant 32 : index
    %swap3A_83 = tpu.vector_load %arg10[%swap3A_81, %swap3A_82] {strides = array<i32>} : memref<8x64xf32, #tpu.memory_space<vmem>>, vector<1x16xf32>,
    %swap3A_84 = vector.shape_cast %swap3A_83 : vector<1x16xf32> to vector<16xf32>
    %swap3A_85 = vector.shape_cast %broadcast_in_dim3A_79 : vector<16xf32> to vector<1x16xf32>
    tpu.vector_store %arg10[%swap3A_81, %swap3A_82], %swap3A_85 {strides = array<i32>} : memref<8x64xf32, #tpu.memory_space<vmem>>, vector<1x16xf32>,
    %broadcast_in_dim3A_86 = arith.constant 0.000000e+00 : f32
    %broadcast_in_dim3A_87 = vector.broadcast %broadcast_in_dim3A_86 : f32 to vector<16xf32>
    %swap3A_88 = arith.constant 2 : i32
    %swap3A_89 = arith.index_cast %swap3A_88 : i32 to index
    %swap3A_90 = arith.constant 48 : index
    %swap3A_91 = tpu.vector_load %arg10[%swap3A_89, %swap3A_90] {strides = array<i32>} : memref<8x64xf32, #tpu.memory_space<vmem>>, vector<1x16xf32>,
    %swap3A_92 = vector.shape_cast %swap3A_91 : vector<1x16xf32> to vector<16xf32>
    %swap3A_93 = vector.shape_cast %broadcast_in_dim3A_87 : vector<16xf32> to vector<1x16xf32>
    tpu.vector_store %arg10[%swap3A_89, %swap3A_90], %swap3A_93 {strides = array<i32>} : memref<8x64xf32, #tpu.memory_space<vmem>>, vector<1x16xf32>,
    %broadcast_in_dim3A_94 = arith.constant 0.000000e+00 : f32
    %broadcast_in_dim3A_95 = vector.broadcast %broadcast_in_dim3A_94 : f32 to vector<16xf32>
    %swap3A_96 = arith.constant 3 : i32
    %swap3A_97 = arith.index_cast %swap3A_96 : i32 to index
    %swap3A_98 = arith.constant 0 : index
    %swap3A_99 = tpu.vector_load %arg10[%swap3A_97, %swap3A_98] {strides = array<i32>} : memref<8x64xf32, #tpu.memory_space<vmem>>, vector<1x16xf32>,
    %swap3A_100 = vector.shape_cast %swap3A_99 : vector<1x16xf32> to vector<16xf32>
    %swap3A_101 = vector.shape_cast %broadcast_in_dim3A_95 : vector<16xf32> to vector<1x16xf32>
    tpu.vector_store %arg10[%swap3A_97, %swap3A_98], %swap3A_101 {strides = array<i32>} : memref<8x64xf32, #tpu.memory_space<vmem>>, vector<1x16xf32>,
    %broadcast_in_dim3A_102 = arith.constant 0.000000e+00 : f32
    %broadcast_in_dim3A_103 = vector.broadcast %broadcast_in_dim3A_102 : f32 to vector<16xf32>
    %swap3A_104 = arith.constant 3 : i32
    %swap3A_105 = arith.index_cast %swap3A_104 : i32 to index
    %swap3A_106 = arith.constant 16 : index
    %swap3A_107 = tpu.vector_load %arg10[%swap3A_105, %swap3A_106] {strides = array<i32>} : memref<8x64xf32, #tpu.memory_space<vmem>>, vector<1x16xf32>,
    %swap3A_108 = vector.shape_cast %swap3A_107 : vector<1x16xf32> to vector<16xf32>
    %swap3A_109 = vector.shape_cast %broadcast_in_dim3A_103 : vector<16xf32> to vector<1x16xf32>
    tpu.vector_store %arg10[%swap3A_105, %swap3A_106], %swap3A_109 {strides = array<i32>} : memref<8x64xf32, #tpu.memory_space<vmem>>, vector<1x16xf32>,
    %broadcast_in_dim3A_110 = arith.constant 0.000000e+00 : f32
    %broadcast_in_dim3A_111 = vector.broadcast %broadcast_in_dim3A_110 : f32 to vector<16xf32>
    %swap3A_112 = arith.constant 3 : i32
    %swap3A_113 = arith.index_cast %swap3A_112 : i32 to index
    %swap3A_114 = arith.constant 32 : index
    %swap3A_115 = tpu.vector_load %arg10[%swap3A_113, %swap3A_114] {strides = array<i32>} : memref<8x64xf32, #tpu.memory_space<vmem>>, vector<1x16xf32>,
    %swap3A_116 = vector.shape_cast %swap3A_115 : vector<1x16xf32> to vector<16xf32>
    %swap3A_117 = vector.shape_cast %broadcast_in_dim3A_111 : vector<16xf32> to vector<1x16xf32>
    tpu.vector_store %arg10[%swap3A_113, %swap3A_114], %swap3A_117 {strides = array<i32>} : memref<8x64xf32, #tpu.memory_space<vmem>>, vector<1x16xf32>,
    %broadcast_in_dim3A_118 = arith.constant 0.000000e+00 : f32
    %broadcast_in_dim3A_119 = vector.broadcast %broadcast_in_dim3A_118 : f32 to vector<16xf32>
    %swap3A_120 = arith.constant 3 : i32
    %swap3A_121 = arith.index_cast %swap3A_120 : i32 to index
    %swap3A_122 = arith.constant 48 : index
    %swap3A_123 = tpu.vector_load %arg10[%swap3A_121, %swap3A_122] {strides = array<i32>} : memref<8x64xf32, #tpu.memory_space<vmem>>, vector<1x16xf32>,
    %swap3A_124 = vector.shape_cast %swap3A_123 : vector<1x16xf32> to vector<16xf32>
    %swap3A_125 = vector.shape_cast %broadcast_in_dim3A_119 : vector<16xf32> to vector<1x16xf32>
    tpu.vector_store %arg10[%swap3A_121, %swap3A_122], %swap3A_125 {strides = array<i32>} : memref<8x64xf32, #tpu.memory_space<vmem>>, vector<1x16xf32>,
    %broadcast_in_dim3A_126 = arith.constant 0.000000e+00 : f32
    %broadcast_in_dim3A_127 = vector.broadcast %broadcast_in_dim3A_126 : f32 to vector<16xf32>
    %swap3A_128 = arith.constant 4 : i32
    %swap3A_129 = arith.index_cast %swap3A_128 : i32 to index
    %swap3A_130 = arith.constant 0 : index
    %swap3A_131 = tpu.vector_load %arg10[%swap3A_129, %swap3A_130] {strides = array<i32>} : memref<8x64xf32, #tpu.memory_space<vmem>>, vector<1x16xf32>,
    %swap3A_132 = vector.shape_cast %swap3A_131 : vector<1x16xf32> to vector<16xf32>
    %swap3A_133 = vector.shape_cast %broadcast_in_dim3A_127 : vector<16xf32> to vector<1x16xf32>
    tpu.vector_store %arg10[%swap3A_129, %swap3A_130], %swap3A_133 {strides = array<i32>} : memref<8x64xf32, #tpu.memory_space<vmem>>, vector<1x16xf32>,
    %broadcast_in_dim3A_134 = arith.constant 0.000000e+00 : f32
    %broadcast_in_dim3A_135 = vector.broadcast %broadcast_in_dim3A_134 : f32 to vector<16xf32>
    %swap3A_136 = arith.constant 4 : i32
    %swap3A_137 = arith.index_cast %swap3A_136 : i32 to index
    %swap3A_138 = arith.constant 16 : index
    %swap3A_139 = tpu.vector_load %arg10[%swap3A_137, %swap3A_138] {strides = array<i32>} : memref<8x64xf32, #tpu.memory_space<vmem>>, vector<1x16xf32>,
    %swap3A_140 = vector.shape_cast %swap3A_139 : vector<1x16xf32> to vector<16xf32>
    %swap3A_141 = vector.shape_cast %broadcast_in_dim3A_135 : vector<16xf32> to vector<1x16xf32>
    tpu.vector_store %arg10[%swap3A_137, %swap3A_138], %swap3A_141 {strides = array<i32>} : memref<8x64xf32, #tpu.memory_space<vmem>>, vector<1x16xf32>,
    %broadcast_in_dim3A_142 = arith.constant 0.000000e+00 : f32
    %broadcast_in_dim3A_143 = vector.broadcast %broadcast_in_dim3A_142 : f32 to vector<16xf32>
    %swap3A_144 = arith.constant 4 : i32
    %swap3A_145 = arith.index_cast %swap3A_144 : i32 to index
    %swap3A_146 = arith.constant 32 : index
    %swap3A_147 = tpu.vector_load %arg10[%swap3A_145, %swap3A_146] {strides = array<i32>} : memref<8x64xf32, #tpu.memory_space<vmem>>, vector<1x16xf32>,
    %swap3A_148 = vector.shape_cast %swap3A_147 : vector<1x16xf32> to vector<16xf32>
    %swap3A_149 = vector.shape_cast %broadcast_in_dim3A_143 : vector<16xf32> to vector<1x16xf32>
    tpu.vector_store %arg10[%swap3A_145, %swap3A_146], %swap3A_149 {strides = array<i32>} : memref<8x64xf32, #tpu.memory_space<vmem>>, vector<1x16xf32>,
    %broadcast_in_dim3A_150 = arith.constant 0.000000e+00 : f32
    %broadcast_in_dim3A_151 = vector.broadcast %broadcast_in_dim3A_150 : f32 to vector<16xf32>
    %swap3A_152 = arith.constant 4 : i32
    %swap3A_153 = arith.index_cast %swap3A_152 : i32 to index
    %swap3A_154 = arith.constant 48 : index
    %swap3A_155 = tpu.vector_load %arg10[%swap3A_153, %swap3A_154] {strides = array<i32>} : memref<8x64xf32, #tpu.memory_space<vmem>>, vector<1x16xf32>,
    %swap3A_156 = vector.shape_cast %swap3A_155 : vector<1x16xf32> to vector<16xf32>
    %swap3A_157 = vector.shape_cast %broadcast_in_dim3A_151 : vector<16xf32> to vector<1x16xf32>
    tpu.vector_store %arg10[%swap3A_153, %swap3A_154], %swap3A_157 {strides = array<i32>} : memref<8x64xf32, #tpu.memory_space<vmem>>, vector<1x16xf32>,
    %broadcast_in_dim3A_158 = arith.constant 0.000000e+00 : f32
    %broadcast_in_dim3A_159 = vector.broadcast %broadcast_in_dim3A_158 : f32 to vector<16xf32>
    %swap3A_160 = arith.constant 5 : i32
    %swap3A_161 = arith.index_cast %swap3A_160 : i32 to index
    %swap3A_162 = arith.constant 0 : index
    %swap3A_163 = tpu.vector_load %arg10[%swap3A_161, %swap3A_162] {strides = array<i32>} : memref<8x64xf32, #tpu.memory_space<vmem>>, vector<1x16xf32>,
    %swap3A_164 = vector.shape_cast %swap3A_163 : vector<1x16xf32> to vector<16xf32>
    %swap3A_165 = vector.shape_cast %broadcast_in_dim3A_159 : vector<16xf32> to vector<1x16xf32>
    tpu.vector_store %arg10[%swap3A_161, %swap3A_162], %swap3A_165 {strides = array<i32>} : memref<8x64xf32, #tpu.memory_space<vmem>>, vector<1x16xf32>,
    %broadcast_in_dim3A_166 = arith.constant 0.000000e+00 : f32
    %broadcast_in_dim3A_167 = vector.broadcast %broadcast_in_dim3A_166 : f32 to vector<16xf32>
    %swap3A_168 = arith.constant 5 : i32
    %swap3A_169 = arith.index_cast %swap3A_168 : i32 to index
    %swap3A_170 = arith.constant 16 : index
    %swap3A_171 = tpu.vector_load %arg10[%swap3A_169, %swap3A_170] {strides = array<i32>} : memref<8x64xf32, #tpu.memory_space<vmem>>, vector<1x16xf32>,
    %swap3A_172 = vector.shape_cast %swap3A_171 : vector<1x16xf32> to vector<16xf32>
    %swap3A_173 = vector.shape_cast %broadcast_in_dim3A_167 : vector<16xf32> to vector<1x16xf32>
    tpu.vector_store %arg10[%swap3A_169, %swap3A_170], %swap3A_173 {strides = array<i32>} : memref<8x64xf32, #tpu.memory_space<vmem>>, vector<1x16xf32>,
    %broadcast_in_dim3A_174 = arith.constant 0.000000e+00 : f32
    %broadcast_in_dim3A_175 = vector.broadcast %broadcast_in_dim3A_174 : f32 to vector<16xf32>
    %swap3A_176 = arith.constant 5 : i32
    %swap3A_177 = arith.index_cast %swap3A_176 : i32 to index
    %swap3A_178 = arith.constant 32 : index
    %swap3A_179 = tpu.vector_load %arg10[%swap3A_177, %swap3A_178] {strides = array<i32>} : memref<8x64xf32, #tpu.memory_space<vmem>>, vector<1x16xf32>,
    %swap3A_180 = vector.shape_cast %swap3A_179 : vector<1x16xf32> to vector<16xf32>
    %swap3A_181 = vector.shape_cast %broadcast_in_dim3A_175 : vector<16xf32> to vector<1x16xf32>
    tpu.vector_store %arg10[%swap3A_177, %swap3A_178], %swap3A_181 {strides = array<i32>} : memref<8x64xf32, #tpu.memory_space<vmem>>, vector<1x16xf32>,
    %broadcast_in_dim3A_182 = arith.constant 0.000000e+00 : f32
    %broadcast_in_dim3A_183 = vector.broadcast %broadcast_in_dim3A_182 : f32 to vector<16xf32>
    %swap3A_184 = arith.constant 5 : i32
    %swap3A_185 = arith.index_cast %swap3A_184 : i32 to index
    %swap3A_186 = arith.constant 48 : index
    %swap3A_187 = tpu.vector_load %arg10[%swap3A_185, %swap3A_186] {strides = array<i32>} : memref<8x64xf32, #tpu.memory_space<vmem>>, vector<1x16xf32>,
    %swap3A_188 = vector.shape_cast %swap3A_187 : vector<1x16xf32> to vector<16xf32>
    %swap3A_189 = vector.shape_cast %broadcast_in_dim3A_183 : vector<16xf32> to vector<1x16xf32>
    tpu.vector_store %arg10[%swap3A_185, %swap3A_186], %swap3A_189 {strides = array<i32>} : memref<8x64xf32, #tpu.memory_space<vmem>>, vector<1x16xf32>,
    %broadcast_in_dim3A_190 = arith.constant 0.000000e+00 : f32
    %broadcast_in_dim3A_191 = vector.broadcast %broadcast_in_dim3A_190 : f32 to vector<16xf32>
    %swap3A_192 = arith.constant 6 : i32
    %swap3A_193 = arith.index_cast %swap3A_192 : i32 to index
    %swap3A_194 = arith.constant 0 : index
    %swap3A_195 = tpu.vector_load %arg10[%swap3A_193, %swap3A_194] {strides = array<i32>} : memref<8x64xf32, #tpu.memory_space<vmem>>, vector<1x16xf32>,
    %swap3A_196 = vector.shape_cast %swap3A_195 : vector<1x16xf32> to vector<16xf32>
    %swap3A_197 = vector.shape_cast %broadcast_in_dim3A_191 : vector<16xf32> to vector<1x16xf32>
    tpu.vector_store %arg10[%swap3A_193, %swap3A_194], %swap3A_197 {strides = array<i32>} : memref<8x64xf32, #tpu.memory_space<vmem>>, vector<1x16xf32>,
    %broadcast_in_dim3A_198 = arith.constant 0.000000e+00 : f32
    %broadcast_in_dim3A_199 = vector.broadcast %broadcast_in_dim3A_198 : f32 to vector<16xf32>
    %swap3A_200 = arith.constant 6 : i32
    %swap3A_201 = arith.index_cast %swap3A_200 : i32 to index
    %swap3A_202 = arith.constant 16 : index
    %swap3A_203 = tpu.vector_load %arg10[%swap3A_201, %swap3A_202] {strides = array<i32>} : memref<8x64xf32, #tpu.memory_space<vmem>>, vector<1x16xf32>,
    %swap3A_204 = vector.shape_cast %swap3A_203 : vector<1x16xf32> to vector<16xf32>
    %swap3A_205 = vector.shape_cast %broadcast_in_dim3A_199 : vector<16xf32> to vector<1x16xf32>
    tpu.vector_store %arg10[%swap3A_201, %swap3A_202], %swap3A_205 {strides = array<i32>} : memref<8x64xf32, #tpu.memory_space<vmem>>, vector<1x16xf32>,
    %broadcast_in_dim3A_206 = arith.constant 0.000000e+00 : f32
    %broadcast_in_dim3A_207 = vector.broadcast %broadcast_in_dim3A_206 : f32 to vector<16xf32>
    %swap3A_208 = arith.constant 6 : i32
    %swap3A_209 = arith.index_cast %swap3A_208 : i32 to index
    %swap3A_210 = arith.constant 32 : index
    %swap3A_211 = tpu.vector_load %arg10[%swap3A_209, %swap3A_210] {strides = array<i32>} : memref<8x64xf32, #tpu.memory_space<vmem>>, vector<1x16xf32>,
    %swap3A_212 = vector.shape_cast %swap3A_211 : vector<1x16xf32> to vector<16xf32>
    %swap3A_213 = vector.shape_cast %broadcast_in_dim3A_207 : vector<16xf32> to vector<1x16xf32>
    tpu.vector_store %arg10[%swap3A_209, %swap3A_210], %swap3A_213 {strides = array<i32>} : memref<8x64xf32, #tpu.memory_space<vmem>>, vector<1x16xf32>,
    %broadcast_in_dim3A_214 = arith.constant 0.000000e+00 : f32
    %broadcast_in_dim3A_215 = vector.broadcast %broadcast_in_dim3A_214 : f32 to vector<16xf32>
    %swap3A_216 = arith.constant 6 : i32
    %swap3A_217 = arith.index_cast %swap3A_216 : i32 to index
    %swap3A_218 = arith.constant 48 : index
    %swap3A_219 = tpu.vector_load %arg10[%swap3A_217, %swap3A_218] {strides = array<i32>} : memref<8x64xf32, #tpu.memory_space<vmem>>, vector<1x16xf32>,
    %swap3A_220 = vector.shape_cast %swap3A_219 : vector<1x16xf32> to vector<16xf32>
    %swap3A_221 = vector.shape_cast %broadcast_in_dim3A_215 : vector<16xf32> to vector<1x16xf32>
    tpu.vector_store %arg10[%swap3A_217, %swap3A_218], %swap3A_221 {strides = array<i32>} : memref<8x64xf32, #tpu.memory_space<vmem>>, vector<1x16xf32>,
    %broadcast_in_dim3A_222 = arith.constant 0.000000e+00 : f32
    %broadcast_in_dim3A_223 = vector.broadcast %broadcast_in_dim3A_222 : f32 to vector<16xf32>
    %swap3A_224 = arith.constant 7 : i32
    %swap3A_225 = arith.index_cast %swap3A_224 : i32 to index
    %swap3A_226 = arith.constant 0 : index
    %swap3A_227 = tpu.vector_load %arg10[%swap3A_225, %swap3A_226] {strides = array<i32>} : memref<8x64xf32, #tpu.memory_space<vmem>>, vector<1x16xf32>,
    %swap3A_228 = vector.shape_cast %swap3A_227 : vector<1x16xf32> to vector<16xf32>
    %swap3A_229 = vector.shape_cast %broadcast_in_dim3A_223 : vector<16xf32> to vector<1x16xf32>
    tpu.vector_store %arg10[%swap3A_225, %swap3A_226], %swap3A_229 {strides = array<i32>} : memref<8x64xf32, #tpu.memory_space<vmem>>, vector<1x16xf32>,
    %broadcast_in_dim3A_230 = arith.constant 0.000000e+00 : f32
    %broadcast_in_dim3A_231 = vector.broadcast %broadcast_in_dim3A_230 : f32 to vector<16xf32>
    %swap3A_232 = arith.constant 7 : i32
    %swap3A_233 = arith.index_cast %swap3A_232 : i32 to index
    %swap3A_234 = arith.constant 16 : index
    %swap3A_235 = tpu.vector_load %arg10[%swap3A_233, %swap3A_234] {strides = array<i32>} : memref<8x64xf32, #tpu.memory_space<vmem>>, vector<1x16xf32>,
    %swap3A_236 = vector.shape_cast %swap3A_235 : vector<1x16xf32> to vector<16xf32>
    %swap3A_237 = vector.shape_cast %broadcast_in_dim3A_231 : vector<16xf32> to vector<1x16xf32>
    tpu.vector_store %arg10[%swap3A_233, %swap3A_234], %swap3A_237 {strides = array<i32>} : memref<8x64xf32, #tpu.memory_space<vmem>>, vector<1x16xf32>,
    %broadcast_in_dim3A_238 = arith.constant 0.000000e+00 : f32
    %broadcast_in_dim3A_239 = vector.broadcast %broadcast_in_dim3A_238 : f32 to vector<16xf32>
    %swap3A_240 = arith.constant 7 : i32
    %swap3A_241 = arith.index_cast %swap3A_240 : i32 to index
    %swap3A_242 = arith.constant 32 : index
    %swap3A_243 = tpu.vector_load %arg10[%swap3A_241, %swap3A_242] {strides = array<i32>} : memref<8x64xf32, #tpu.memory_space<vmem>>, vector<1x16xf32>,
    %swap3A_244 = vector.shape_cast %swap3A_243 : vector<1x16xf32> to vector<16xf32>
    %swap3A_245 = vector.shape_cast %broadcast_in_dim3A_239 : vector<16xf32> to vector<1x16xf32>
    tpu.vector_store %arg10[%swap3A_241, %swap3A_242], %swap3A_245 {strides = array<i32>} : memref<8x64xf32, #tpu.memory_space<vmem>>, vector<1x16xf32>,
    %broadcast_in_dim3A_246 = arith.constant 0.000000e+00 : f32
    %broadcast_in_dim3A_247 = vector.broadcast %broadcast_in_dim3A_246 : f32 to vector<16xf32>
    %swap3A_248 = arith.constant 7 : i32
    %swap3A_249 = arith.index_cast %swap3A_248 : i32 to index
    %swap3A_250 = arith.constant 48 : index
    %swap3A_251 = tpu.vector_load %arg10[%swap3A_249, %swap3A_250] {strides = array<i32>} : memref<8x64xf32, #tpu.memory_space<vmem>>, vector<1x16xf32>,
    %swap3A_252 = vector.shape_cast %swap3A_251 : vector<1x16xf32> to vector<16xf32>
    %swap3A_253 = vector.shape_cast %broadcast_in_dim3A_247 : vector<16xf32> to vector<1x16xf32>
    tpu.vector_store %arg10[%swap3A_249, %swap3A_250], %swap3A_253 {strides = array<i32>} : memref<8x64xf32, #tpu.memory_space<vmem>>, vector<1x16xf32>,
    %mul3A = arith.constant 640 : i32
    %mul3A_254 = arith.muli %arg1, %mul3A : i32
    %scan3A = arith.constant 0 : i32
    %scan3A_255 = arith.constant 80 : i32
    %scan3A_256 = arith.addi %scan3A, %scan3A_255 : i32
    %scan3A_257 = arith.constant 1 : i32
    scf.for %scan3A_290 = %scan3A to %scan3A_256 step %scan3A_257  : i32 {
      %mul3A_291 = arith.constant 1 : i32
      %mul3A_292 = arith.muli %scan3A_290, %mul3A_291 : i32
      %add3A = arith.constant 0 : i32
      %add3A_293 = arith.addi %add3A, %mul3A_292 : i32
      %mul3A_294 = arith.constant 8 : i32
      %mul3A_295 = arith.muli %add3A_293, %mul3A_294 : i32
      %add3A_296 = arith.addi %mul3A_254, %mul3A_295 : i32
      "tpu.region"() ({
        %run_scoped3A_297 = tpu.sem_alloc : memref<!tpu.dma_semaphore, #tpu.memory_space<semaphore_mem>>
        %dma_start3A_298 = arith.constant 0 : i32
        %dma_start3A_299 = tpu.memref_slice %arg11[%add3A_296, %dma_start3A_298] : memref<10240x64xf32, #tpu.memory_space<vmem_shared>> -> memref<8x64xf32, #tpu.memory_space<vmem_shared>>
        %dma_start3A_300 = arith.constant 0 : i32
        %dma_start3A_301 = tpu.memref_slice %arg11[%add3A_296, %dma_start3A_300] : memref<10240x64xf32, #tpu.memory_space<vmem_shared>> -> memref<8x64xf32, #tpu.memory_space<vmem_shared>>
        tpu.enqueue_dma source(%arg10 : memref<8x64xf32, #tpu.memory_space<vmem>>) target(%dma_start3A_301 : memref<8x64xf32, #tpu.memory_space<vmem_shared>>) target_semaphore(%run_scoped3A_297 : memref<!tpu.dma_semaphore, #tpu.memory_space<semaphore_mem>>)
        %dma_wait3A_302 = arith.constant 0 : i32
        %dma_wait3A_303 = tpu.memref_slice %arg11[%add3A_296, %dma_wait3A_302] : memref<10240x64xf32, #tpu.memory_space<vmem_shared>> -> memref<8x64xf32, #tpu.memory_space<vmem_shared>>
        %dma_wait3A_304 = arith.constant 0 : i32
        %dma_wait3A_305 = tpu.memref_slice %arg11[%add3A_296, %dma_wait3A_304] : memref<10240x64xf32, #tpu.memory_space<vmem_shared>> -> memref<8x64xf32, #tpu.memory_space<vmem_shared>>
        tpu.wait_dma2 semaphore(%run_scoped3A_297 : memref<!tpu.dma_semaphore, #tpu.memory_space<semaphore_mem>>) src(%arg10 : memref<8x64xf32, #tpu.memory_space<vmem>>) dst(%dma_wait3A_305 : memref<8x64xf32, #tpu.memory_space<vmem_shared>>)
        tpu.yield
      }) : () -> ()
    }
    %scan3A_258 = arith.constant 80 : i32
    %scan3A_259 = arith.constant 0 : i32
    %scan3A_260 = arith.constant 5 : i32
    %scan3A_261 = arith.addi %scan3A_259, %scan3A_260 : i32
    %scan3A_262 = arith.constant 1 : i32
    scf.for %scan3A_290 = %scan3A_259 to %scan3A_261 step %scan3A_262  : i32 {
      %mul3A_291 = arith.constant 1 : i32
      %mul3A_292 = arith.muli %scan3A_290, %mul3A_291 : i32
      %add3A = arith.constant 0 : i32
      %add3A_293 = arith.addi %add3A, %mul3A_292 : i32
      %mul3A_294 = arith.constant 128 : i32
      %mul3A_295 = arith.muli %add3A_293, %mul3A_294 : i32
      %add3A_296 = arith.addi %mul3A_254, %mul3A_295 : i32
      "tpu.region"() ({
        %run_scoped3A_297 = tpu.sem_alloc : memref<!tpu.dma_semaphore, #tpu.memory_space<semaphore_mem>>
        %dma_start3A_298 = arith.constant 0 : i32
        %dma_start3A_299 = tpu.memref_slice %arg2[%arg0, %add3A_296, %dma_start3A_298] : memref<2x10240x64xf32, #tpu.memory_space<hbm>> -> memref<1x128x64xf32, #tpu.memory_space<hbm>>
        %dma_start3A_300 = tpu.memref_squeeze %dma_start3A_299 : memref<1x128x64xf32, #tpu.memory_space<hbm>> -> memref<128x64xf32, #tpu.memory_space<hbm>>
        %dma_start3A_301 = arith.constant 0 : i32
        %dma_start3A_302 = tpu.memref_slice %arg2[%arg0, %add3A_296, %dma_start3A_301] : memref<2x10240x64xf32, #tpu.memory_space<hbm>> -> memref<1x128x64xf32, #tpu.memory_space<hbm>>
        %dma_start3A_303 = tpu.memref_squeeze %dma_start3A_302 : memref<1x128x64xf32, #tpu.memory_space<hbm>> -> memref<128x64xf32, #tpu.memory_space<hbm>>
        tpu.enqueue_dma source(%dma_start3A_303 : memref<128x64xf32, #tpu.memory_space<hbm>>) target(%arg8 : memref<128x64xf32, #tpu.memory_space<vmem>>) target_semaphore(%run_scoped3A_297 : memref<!tpu.dma_semaphore, #tpu.memory_space<semaphore_mem>>)
        %dma_wait3A_304 = arith.constant 0 : i32
        %dma_wait3A_305 = tpu.memref_slice %arg2[%arg0, %add3A_296, %dma_wait3A_304] : memref<2x10240x64xf32, #tpu.memory_space<hbm>> -> memref<1x128x64xf32, #tpu.memory_space<hbm>>
        %dma_wait3A_306 = tpu.memref_squeeze %dma_wait3A_305 : memref<1x128x64xf32, #tpu.memory_space<hbm>> -> memref<128x64xf32, #tpu.memory_space<hbm>>
        %dma_wait3A_307 = arith.constant 0 : i32
        %dma_wait3A_308 = tpu.memref_slice %arg2[%arg0, %add3A_296, %dma_wait3A_307] : memref<2x10240x64xf32, #tpu.memory_space<hbm>> -> memref<1x128x64xf32, #tpu.memory_space<hbm>>
        %dma_wait3A_309 = tpu.memref_squeeze %dma_wait3A_308 : memref<1x128x64xf32, #tpu.memory_space<hbm>> -> memref<128x64xf32, #tpu.memory_space<hbm>>
        tpu.wait_dma2 semaphore(%run_scoped3A_297 : memref<!tpu.dma_semaphore, #tpu.memory_space<semaphore_mem>>) src(%dma_wait3A_309 : memref<128x64xf32, #tpu.memory_space<hbm>>) dst(%arg8 : memref<128x64xf32, #tpu.memory_space<vmem>>)
        tpu.yield
      }) : () -> ()
      "tpu.region"() ({
        %run_scoped3A_297 = tpu.sem_alloc : memref<!tpu.dma_semaphore, #tpu.memory_space<semaphore_mem>>
        %dma_start3A_298 = arith.constant 0 : i32
        %dma_start3A_299 = tpu.memref_slice %arg12[%add3A_296, %dma_start3A_298] : memref<10240x64xf32, #tpu.memory_space<vmem_shared>> -> memref<128x64xf32, #tpu.memory_space<vmem_shared>>
        %dma_start3A_300 = arith.constant 0 : i32
        %dma_start3A_301 = tpu.memref_slice %arg12[%add3A_296, %dma_start3A_300] : memref<10240x64xf32, #tpu.memory_space<vmem_shared>> -> memref<128x64xf32, #tpu.memory_space<vmem_shared>>
        tpu.enqueue_dma source(%arg8 : memref<128x64xf32, #tpu.memory_space<vmem>>) target(%dma_start3A_301 : memref<128x64xf32, #tpu.memory_space<vmem_shared>>) target_semaphore(%run_scoped3A_297 : memref<!tpu.dma_semaphore, #tpu.memory_space<semaphore_mem>>)
        %dma_wait3A_302 = arith.constant 0 : i32
        %dma_wait3A_303 = tpu.memref_slice %arg12[%add3A_296, %dma_wait3A_302] : memref<10240x64xf32, #tpu.memory_space<vmem_shared>> -> memref<128x64xf32, #tpu.memory_space<vmem_shared>>
        %dma_wait3A_304 = arith.constant 0 : i32
        %dma_wait3A_305 = tpu.memref_slice %arg12[%add3A_296, %dma_wait3A_304] : memref<10240x64xf32, #tpu.memory_space<vmem_shared>> -> memref<128x64xf32, #tpu.memory_space<vmem_shared>>
        tpu.wait_dma2 semaphore(%run_scoped3A_297 : memref<!tpu.dma_semaphore, #tpu.memory_space<semaphore_mem>>) src(%arg8 : memref<128x64xf32, #tpu.memory_space<vmem>>) dst(%dma_wait3A_305 : memref<128x64xf32, #tpu.memory_space<vmem_shared>>)
        tpu.yield
      }) : () -> ()
    }
    %scan3A_263 = arith.constant 5 : i32
    %barrier3A = arith.constant 0 : index
    tpu.barrier barrier_id(%barrier3A)
    %run_scoped3A = arith.constant 0 : i32
    "tpu.region"() ({
      %run_scoped3A_290 = tpu.sem_alloc : memref<!tpu.dma_semaphore, #tpu.memory_space<semaphore_mem>>
      %dma_start3A_291 = arith.constant 0 : i32
      %dma_start3A_292 = arith.constant 0 : i32
      %dma_start3A_293 = tpu.memref_slice %arg6[%run_scoped3A, %dma_start3A_291, %dma_start3A_292] : memref<2x8x128xi32, #tpu.memory_space<vmem>> -> memref<1x8x128xi32, #tpu.memory_space<vmem>>
      %dma_start3A_294 = tpu.memref_squeeze %dma_start3A_293 : memref<1x8x128xi32, #tpu.memory_space<vmem>> -> memref<8x128xi32, #tpu.memory_space<vmem>>
      %dma_start3A_295 = arith.constant 0 : i32
      %dma_start3A_296 = arith.constant 0 : i32
      %dma_start3A_297 = tpu.memref_slice %arg3[%arg1, %dma_start3A_295, %dma_start3A_296] : memref<16x160x128xi32, #tpu.memory_space<hbm>> -> memref<1x8x128xi32, #tpu.memory_space<hbm>>
      %dma_start3A_298 = tpu.memref_squeeze %dma_start3A_297 : memref<1x8x128xi32, #tpu.memory_space<hbm>> -> memref<8x128xi32, #tpu.memory_space<hbm>>
      %dma_start3A_299 = arith.constant 0 : i32
      %dma_start3A_300 = arith.constant 0 : i32
      %dma_start3A_301 = tpu.memref_slice %arg6[%run_scoped3A, %dma_start3A_299, %dma_start3A_300] : memref<2x8x128xi32, #tpu.memory_space<vmem>> -> memref<1x8x128xi32, #tpu.memory_space<vmem>>
      %dma_start3A_302 = tpu.memref_squeeze %dma_start3A_301 : memref<1x8x128xi32, #tpu.memory_space<vmem>> -> memref<8x128xi32, #tpu.memory_space<vmem>>
      %dma_start3A_303 = arith.constant 0 : i32
      %dma_start3A_304 = arith.constant 0 : i32
      %dma_start3A_305 = tpu.memref_slice %arg3[%arg1, %dma_start3A_303, %dma_start3A_304] : memref<16x160x128xi32, #tpu.memory_space<hbm>> -> memref<1x8x128xi32, #tpu.memory_space<hbm>>
      %dma_start3A_306 = tpu.memref_squeeze %dma_start3A_305 : memref<1x8x128xi32, #tpu.memory_space<hbm>> -> memref<8x128xi32, #tpu.memory_space<hbm>>
      tpu.enqueue_dma source(%dma_start3A_306 : memref<8x128xi32, #tpu.memory_space<hbm>>) target(%dma_start3A_302 : memref<8x128xi32, #tpu.memory_space<vmem>>) target_semaphore(%run_scoped3A_290 : memref<!tpu.dma_semaphore, #tpu.memory_space<semaphore_mem>>)
      %dma_wait3A_307 = arith.constant 0 : i32
      %dma_wait3A_308 = arith.constant 0 : i32
      %dma_wait3A_309 = tpu.memref_slice %arg6[%run_scoped3A, %dma_wait3A_307, %dma_wait3A_308] : memref<2x8x128xi32, #tpu.memory_space<vmem>> -> memref<1x8x128xi32, #tpu.memory_space<vmem>>
      %dma_wait3A_310 = tpu.memref_squeeze %dma_wait3A_309 : memref<1x8x128xi32, #tpu.memory_space<vmem>> -> memref<8x128xi32, #tpu.memory_space<vmem>>
      %dma_wait3A_311 = arith.constant 0 : i32
      %dma_wait3A_312 = arith.constant 0 : i32
      %dma_wait3A_313 = tpu.memref_slice %arg3[%arg1, %dma_wait3A_311, %dma_wait3A_312] : memref<16x160x128xi32, #tpu.memory_space<hbm>> -> memref<1x8x128xi32, #tpu.memory_space<hbm>>
      %dma_wait3A_314 = tpu.memref_squeeze %dma_wait3A_313 : memref<1x8x128xi32, #tpu.memory_space<hbm>> -> memref<8x128xi32, #tpu.memory_space<hbm>>
      %dma_wait3A_315 = arith.constant 0 : i32
      %dma_wait3A_316 = arith.constant 0 : i32
      %dma_wait3A_317 = tpu.memref_slice %arg6[%run_scoped3A, %dma_wait3A_315, %dma_wait3A_316] : memref<2x8x128xi32, #tpu.memory_space<vmem>> -> memref<1x8x128xi32, #tpu.memory_space<vmem>>
      %dma_wait3A_318 = tpu.memref_squeeze %dma_wait3A_317 : memref<1x8x128xi32, #tpu.memory_space<vmem>> -> memref<8x128xi32, #tpu.memory_space<vmem>>
      %dma_wait3A_319 = arith.constant 0 : i32
      %dma_wait3A_320 = arith.constant 0 : i32
      %dma_wait3A_321 = tpu.memref_slice %arg3[%arg1, %dma_wait3A_319, %dma_wait3A_320] : memref<16x160x128xi32, #tpu.memory_space<hbm>> -> memref<1x8x128xi32, #tpu.memory_space<hbm>>
      %dma_wait3A_322 = tpu.memref_squeeze %dma_wait3A_321 : memref<1x8x128xi32, #tpu.memory_space<hbm>> -> memref<8x128xi32, #tpu.memory_space<hbm>>
      tpu.wait_dma2 semaphore(%run_scoped3A_290 : memref<!tpu.dma_semaphore, #tpu.memory_space<semaphore_mem>>) src(%dma_wait3A_322 : memref<8x128xi32, #tpu.memory_space<hbm>>) dst(%dma_wait3A_318 : memref<8x128xi32, #tpu.memory_space<vmem>>)
      tpu.yield
    }) : () -> ()
    %run_scoped3A_264 = arith.constant 0 : i32
    "tpu.region"() ({
      %run_scoped3A_290 = tpu.sem_alloc : memref<!tpu.dma_semaphore, #tpu.memory_space<semaphore_mem>>
      %dma_start3A_291 = arith.constant 0 : i32
      %dma_start3A_292 = arith.constant 0 : i32
      %dma_start3A_293 = tpu.memref_slice %arg7[%run_scoped3A_264, %dma_start3A_291, %dma_start3A_292] : memref<2x8x128xi32, #tpu.memory_space<vmem>> -> memref<1x8x128xi32, #tpu.memory_space<vmem>>
      %dma_start3A_294 = tpu.memref_squeeze %dma_start3A_293 : memref<1x8x128xi32, #tpu.memory_space<vmem>> -> memref<8x128xi32, #tpu.memory_space<vmem>>
      %dma_start3A_295 = arith.constant 0 : i32
      %dma_start3A_296 = arith.constant 0 : i32
      %dma_start3A_297 = tpu.memref_slice %arg4[%arg1, %dma_start3A_295, %dma_start3A_296] : memref<16x160x128xi32, #tpu.memory_space<hbm>> -> memref<1x8x128xi32, #tpu.memory_space<hbm>>
      %dma_start3A_298 = tpu.memref_squeeze %dma_start3A_297 : memref<1x8x128xi32, #tpu.memory_space<hbm>> -> memref<8x128xi32, #tpu.memory_space<hbm>>
      %dma_start3A_299 = arith.constant 0 : i32
      %dma_start3A_300 = arith.constant 0 : i32
      %dma_start3A_301 = tpu.memref_slice %arg7[%run_scoped3A_264, %dma_start3A_299, %dma_start3A_300] : memref<2x8x128xi32, #tpu.memory_space<vmem>> -> memref<1x8x128xi32, #tpu.memory_space<vmem>>
      %dma_start3A_302 = tpu.memref_squeeze %dma_start3A_301 : memref<1x8x128xi32, #tpu.memory_space<vmem>> -> memref<8x128xi32, #tpu.memory_space<vmem>>
      %dma_start3A_303 = arith.constant 0 : i32
      %dma_start3A_304 = arith.constant 0 : i32
      %dma_start3A_305 = tpu.memref_slice %arg4[%arg1, %dma_start3A_303, %dma_start3A_304] : memref<16x160x128xi32, #tpu.memory_space<hbm>> -> memref<1x8x128xi32, #tpu.memory_space<hbm>>
      %dma_start3A_306 = tpu.memref_squeeze %dma_start3A_305 : memref<1x8x128xi32, #tpu.memory_space<hbm>> -> memref<8x128xi32, #tpu.memory_space<hbm>>
      tpu.enqueue_dma source(%dma_start3A_306 : memref<8x128xi32, #tpu.memory_space<hbm>>) target(%dma_start3A_302 : memref<8x128xi32, #tpu.memory_space<vmem>>) target_semaphore(%run_scoped3A_290 : memref<!tpu.dma_semaphore, #tpu.memory_space<semaphore_mem>>)
      %dma_wait3A_307 = arith.constant 0 : i32
      %dma_wait3A_308 = arith.constant 0 : i32
      %dma_wait3A_309 = tpu.memref_slice %arg7[%run_scoped3A_264, %dma_wait3A_307, %dma_wait3A_308] : memref<2x8x128xi32, #tpu.memory_space<vmem>> -> memref<1x8x128xi32, #tpu.memory_space<vmem>>
      %dma_wait3A_310 = tpu.memref_squeeze %dma_wait3A_309 : memref<1x8x128xi32, #tpu.memory_space<vmem>> -> memref<8x128xi32, #tpu.memory_space<vmem>>
      %dma_wait3A_311 = arith.constant 0 : i32
      %dma_wait3A_312 = arith.constant 0 : i32
      %dma_wait3A_313 = tpu.memref_slice %arg4[%arg1, %dma_wait3A_311, %dma_wait3A_312] : memref<16x160x128xi32, #tpu.memory_space<hbm>> -> memref<1x8x128xi32, #tpu.memory_space<hbm>>
      %dma_wait3A_314 = tpu.memref_squeeze %dma_wait3A_313 : memref<1x8x128xi32, #tpu.memory_space<hbm>> -> memref<8x128xi32, #tpu.memory_space<hbm>>
      %dma_wait3A_315 = arith.constant 0 : i32
      %dma_wait3A_316 = arith.constant 0 : i32
      %dma_wait3A_317 = tpu.memref_slice %arg7[%run_scoped3A_264, %dma_wait3A_315, %dma_wait3A_316] : memref<2x8x128xi32, #tpu.memory_space<vmem>> -> memref<1x8x128xi32, #tpu.memory_space<vmem>>
      %dma_wait3A_318 = tpu.memref_squeeze %dma_wait3A_317 : memref<1x8x128xi32, #tpu.memory_space<vmem>> -> memref<8x128xi32, #tpu.memory_space<vmem>>
      %dma_wait3A_319 = arith.constant 0 : i32
      %dma_wait3A_320 = arith.constant 0 : i32
      %dma_wait3A_321 = tpu.memref_slice %arg4[%arg1, %dma_wait3A_319, %dma_wait3A_320] : memref<16x160x128xi32, #tpu.memory_space<hbm>> -> memref<1x8x128xi32, #tpu.memory_space<hbm>>
      %dma_wait3A_322 = tpu.memref_squeeze %dma_wait3A_321 : memref<1x8x128xi32, #tpu.memory_space<hbm>> -> memref<8x128xi32, #tpu.memory_space<hbm>>
      tpu.wait_dma2 semaphore(%run_scoped3A_290 : memref<!tpu.dma_semaphore, #tpu.memory_space<semaphore_mem>>) src(%dma_wait3A_322 : memref<8x128xi32, #tpu.memory_space<hbm>>) dst(%dma_wait3A_318 : memref<8x128xi32, #tpu.memory_space<vmem>>)
      tpu.yield
    }) : () -> ()
    %dma_start3A = arith.constant 0 : i32
    %dma_start3A_265 = arith.constant 0 : i32
    %dma_start3A_266 = arith.constant 0 : i32
    %dma_start3A_267 = tpu.memref_slice %arg6[%dma_start3A, %dma_start3A_265, %dma_start3A_266] : memref<2x8x128xi32, #tpu.memory_space<vmem>> -> memref<1x1x128xi32, #tpu.memory_space<vmem>>
    %dma_start3A_268 = tpu.memref_squeeze %dma_start3A_267 : memref<1x1x128xi32, #tpu.memory_space<vmem>> -> memref<128xi32, #tpu.memory_space<vmem>>
    %dma_start3A_269 = arith.constant 0 : i32
    %dma_start3A_270 = arith.constant 0 : i32
    %dma_start3A_271 = tpu.memref_slice %arg12[%dma_start3A_269, %dma_start3A_270] : memref<10240x64xf32, #tpu.memory_space<vmem_shared>> -> memref<10240x64xf32, #tpu.memory_space<vmem_shared>>
    tpu.enqueue_indirect_dma source(%dma_start3A_271 : memref<10240x64xf32, #tpu.memory_space<vmem_shared>>) target(%arg8 : memref<128x64xf32, #tpu.memory_space<vmem>>) offsets(%dma_start3A_268 : memref<128xi32, #tpu.memory_space<vmem>>) semaphore(%arg13 : memref<!tpu.dma_semaphore, #tpu.memory_space<semaphore_mem>>)
    %scan3A_272 = arith.constant 0 : i32
    %scan3A_273 = arith.constant 20 : i32
    %scan3A_274 = arith.addi %scan3A_272, %scan3A_273 : i32
    %scan3A_275 = arith.constant 1 : i32
    scf.for %scan3A_290 = %scan3A_272 to %scan3A_274 step %scan3A_275  : i32 {
      %mul3A_291 = arith.constant 1 : i32
      %mul3A_292 = arith.muli %scan3A_290, %mul3A_291 : i32
      %add3A = arith.constant 0 : i32
      %add3A_293 = arith.addi %add3A, %mul3A_292 : i32
      %rem3A = arith.constant 2 : i32
      %rem3A_294 = arith.remsi %add3A_293, %rem3A : i32
      %sub3A = arith.constant 1 : i32
      %sub3A_295 = arith.subi %sub3A, %rem3A_294 : i32
      %add3A_296 = arith.constant 1 : i32
      %add3A_297 = arith.addi %add3A_293, %add3A_296 : i32
      %rem3A_298 = arith.constant 20 : i32
      %rem3A_299 = arith.remsi %add3A_297, %rem3A_298 : i32
      %mul3A_300 = arith.constant 8 : i32
      %mul3A_301 = arith.muli %rem3A_299, %mul3A_300 : i32
      %dma_start3A_302 = arith.constant 0 : i32
      %dma_start3A_303 = arith.constant 0 : i32
      %dma_start3A_304 = tpu.memref_slice %arg6[%sub3A_295, %dma_start3A_302, %dma_start3A_303] : memref<2x8x128xi32, #tpu.memory_space<vmem>> -> memref<1x8x128xi32, #tpu.memory_space<vmem>>
      %dma_start3A_305 = tpu.memref_squeeze %dma_start3A_304 : memref<1x8x128xi32, #tpu.memory_space<vmem>> -> memref<8x128xi32, #tpu.memory_space<vmem>>
      %dma_start3A_306 = arith.constant 0 : i32
      %dma_start3A_307 = tpu.memref_slice %arg3[%arg1, %mul3A_301, %dma_start3A_306] : memref<16x160x128xi32, #tpu.memory_space<hbm>> -> memref<1x8x128xi32, #tpu.memory_space<hbm>>
      %dma_start3A_308 = tpu.memref_squeeze %dma_start3A_307 : memref<1x8x128xi32, #tpu.memory_space<hbm>> -> memref<8x128xi32, #tpu.memory_space<hbm>>
      %dma_start3A_309 = arith.constant 0 : i32
      %dma_start3A_310 = arith.constant 0 : i32
      %dma_start3A_311 = tpu.memref_slice %arg6[%sub3A_295, %dma_start3A_309, %dma_start3A_310] : memref<2x8x128xi32, #tpu.memory_space<vmem>> -> memref<1x8x128xi32, #tpu.memory_space<vmem>>
      %dma_start3A_312 = tpu.memref_squeeze %dma_start3A_311 : memref<1x8x128xi32, #tpu.memory_space<vmem>> -> memref<8x128xi32, #tpu.memory_space<vmem>>
      %dma_start3A_313 = arith.constant 0 : i32
      %dma_start3A_314 = tpu.memref_slice %arg3[%arg1, %mul3A_301, %dma_start3A_313] : memref<16x160x128xi32, #tpu.memory_space<hbm>> -> memref<1x8x128xi32, #tpu.memory_space<hbm>>
      %dma_start3A_315 = tpu.memref_squeeze %dma_start3A_314 : memref<1x8x128xi32, #tpu.memory_space<hbm>> -> memref<8x128xi32, #tpu.memory_space<hbm>>
      tpu.enqueue_dma source(%dma_start3A_315 : memref<8x128xi32, #tpu.memory_space<hbm>>) target(%dma_start3A_312 : memref<8x128xi32, #tpu.memory_space<vmem>>) target_semaphore(%arg15 : memref<!tpu.dma_semaphore, #tpu.memory_space<semaphore_mem>>)
      %mul3A_316 = arith.constant 8 : i32
      %mul3A_317 = arith.muli %rem3A_299, %mul3A_316 : i32
      %dma_start3A_318 = arith.constant 0 : i32
      %dma_start3A_319 = arith.constant 0 : i32
      %dma_start3A_320 = tpu.memref_slice %arg7[%sub3A_295, %dma_start3A_318, %dma_start3A_319] : memref<2x8x128xi32, #tpu.memory_space<vmem>> -> memref<1x8x128xi32, #tpu.memory_space<vmem>>
      %dma_start3A_321 = tpu.memref_squeeze %dma_start3A_320 : memref<1x8x128xi32, #tpu.memory_space<vmem>> -> memref<8x128xi32, #tpu.memory_space<vmem>>
      %dma_start3A_322 = arith.constant 0 : i32
      %dma_start3A_323 = tpu.memref_slice %arg4[%arg1, %mul3A_317, %dma_start3A_322] : memref<16x160x128xi32, #tpu.memory_space<hbm>> -> memref<1x8x128xi32, #tpu.memory_space<hbm>>
      %dma_start3A_324 = tpu.memref_squeeze %dma_start3A_323 : memref<1x8x128xi32, #tpu.memory_space<hbm>> -> memref<8x128xi32, #tpu.memory_space<hbm>>
      %dma_start3A_325 = arith.constant 0 : i32
      %dma_start3A_326 = arith.constant 0 : i32
      %dma_start3A_327 = tpu.memref_slice %arg7[%sub3A_295, %dma_start3A_325, %dma_start3A_326] : memref<2x8x128xi32, #tpu.memory_space<vmem>> -> memref<1x8x128xi32, #tpu.memory_space<vmem>>
      %dma_start3A_328 = tpu.memref_squeeze %dma_start3A_327 : memref<1x8x128xi32, #tpu.memory_space<vmem>> -> memref<8x128xi32, #tpu.memory_space<vmem>>
      %dma_start3A_329 = arith.constant 0 : i32
      %dma_start3A_330 = tpu.memref_slice %arg4[%arg1, %mul3A_317, %dma_start3A_329] : memref<16x160x128xi32, #tpu.memory_space<hbm>> -> memref<1x8x128xi32, #tpu.memory_space<hbm>>
      %dma_start3A_331 = tpu.memref_squeeze %dma_start3A_330 : memref<1x8x128xi32, #tpu.memory_space<hbm>> -> memref<8x128xi32, #tpu.memory_space<hbm>>
      tpu.enqueue_dma source(%dma_start3A_331 : memref<8x128xi32, #tpu.memory_space<hbm>>) target(%dma_start3A_328 : memref<8x128xi32, #tpu.memory_space<vmem>>) target_semaphore(%arg15 : memref<!tpu.dma_semaphore, #tpu.memory_space<semaphore_mem>>)
      %dma_start3A_332 = arith.constant 1 : i32
      %dma_start3A_333 = arith.constant 0 : i32
      %dma_start3A_334 = tpu.memref_slice %arg6[%rem3A_294, %dma_start3A_332, %dma_start3A_333] : memref<2x8x128xi32, #tpu.memory_space<vmem>> -> memref<1x1x128xi32, #tpu.memory_space<vmem>>
      %dma_start3A_335 = tpu.memref_squeeze %dma_start3A_334 : memref<1x1x128xi32, #tpu.memory_space<vmem>> -> memref<128xi32, #tpu.memory_space<vmem>>
      %dma_start3A_336 = arith.constant 0 : i32
      %dma_start3A_337 = arith.constant 0 : i32
      %dma_start3A_338 = tpu.memref_slice %arg12[%dma_start3A_336, %dma_start3A_337] : memref<10240x64xf32, #tpu.memory_space<vmem_shared>> -> memref<10240x64xf32, #tpu.memory_space<vmem_shared>>
      tpu.enqueue_indirect_dma source(%dma_start3A_338 : memref<10240x64xf32, #tpu.memory_space<vmem_shared>>) target(%arg9 : memref<128x64xf32, #tpu.memory_space<vmem>>) offsets(%dma_start3A_335 : memref<128xi32, #tpu.memory_space<vmem>>) semaphore(%arg14 : memref<!tpu.dma_semaphore, #tpu.memory_space<semaphore_mem>>)
      %dma_wait3A_339 = arith.constant 0 : i32
      %dma_wait3A_340 = arith.constant 0 : i32
      %dma_wait3A_341 = tpu.memref_slice %arg6[%rem3A_294, %dma_wait3A_339, %dma_wait3A_340] : memref<2x8x128xi32, #tpu.memory_space<vmem>> -> memref<1x1x128xi32, #tpu.memory_space<vmem>>
      %dma_wait3A_342 = tpu.memref_squeeze %dma_wait3A_341 : memref<1x1x128xi32, #tpu.memory_space<vmem>> -> memref<128xi32, #tpu.memory_space<vmem>>
      %dma_wait3A_343 = arith.constant 0 : i32
      %dma_wait3A_344 = arith.constant 0 : i32
      %dma_wait3A_345 = tpu.memref_slice %arg12[%dma_wait3A_343, %dma_wait3A_344] : memref<10240x64xf32, #tpu.memory_space<vmem_shared>> -> memref<10240x64xf32, #tpu.memory_space<vmem_shared>>
      tpu.wait_indirect_dma semaphore(%arg13 : memref<!tpu.dma_semaphore, #tpu.memory_space<semaphore_mem>>) src(%dma_wait3A_345 : memref<10240x64xf32, #tpu.memory_space<vmem_shared>>) dst(%arg8 : memref<128x64xf32, #tpu.memory_space<vmem>>)
      %run_scoped3A_346 = arith.constant 0 : i32
      "tpu.region"() ({
        %run_scoped3A_484 = tpu.sem_alloc : memref<!tpu.dma_semaphore, #tpu.memory_space<semaphore_mem>>
        %dma_start3A_485 = arith.constant 0 : i32
        %dma_start3A_486 = tpu.memref_slice %arg7[%rem3A_294, %run_scoped3A_346, %dma_start3A_485] : memref<2x8x128xi32, #tpu.memory_space<vmem>> -> memref<1x1x128xi32, #tpu.memory_space<vmem>>
        %dma_start3A_487 = tpu.memref_squeeze %dma_start3A_486 : memref<1x1x128xi32, #tpu.memory_space<vmem>> -> memref<128xi32, #tpu.memory_space<vmem>>
        %dma_start3A_488 = arith.constant 0 : i32
        %dma_start3A_489 = arith.constant 0 : i32
        %dma_start3A_490 = tpu.memref_slice %arg11[%dma_start3A_488, %dma_start3A_489] : memref<10240x64xf32, #tpu.memory_space<vmem_shared>> -> memref<10240x64xf32, #tpu.memory_space<vmem_shared>>
        tpu.enqueue_indirect_dma source(%arg8 : memref<128x64xf32, #tpu.memory_space<vmem>>) target(%dma_start3A_490 : memref<10240x64xf32, #tpu.memory_space<vmem_shared>>) offsets(%dma_start3A_487 : memref<128xi32, #tpu.memory_space<vmem>>) semaphore(%run_scoped3A_484 : memref<!tpu.dma_semaphore, #tpu.memory_space<semaphore_mem>>) {add = true}
        %dma_wait3A_491 = arith.constant 0 : i32
        %dma_wait3A_492 = tpu.memref_slice %arg7[%rem3A_294, %run_scoped3A_346, %dma_wait3A_491] : memref<2x8x128xi32, #tpu.memory_space<vmem>> -> memref<1x1x128xi32, #tpu.memory_space<vmem>>
        %dma_wait3A_493 = tpu.memref_squeeze %dma_wait3A_492 : memref<1x1x128xi32, #tpu.memory_space<vmem>> -> memref<128xi32, #tpu.memory_space<vmem>>
        %dma_wait3A_494 = arith.constant 0 : i32
        %dma_wait3A_495 = arith.constant 0 : i32
        %dma_wait3A_496 = tpu.memref_slice %arg11[%dma_wait3A_494, %dma_wait3A_495] : memref<10240x64xf32, #tpu.memory_space<vmem_shared>> -> memref<10240x64xf32, #tpu.memory_space<vmem_shared>>
        tpu.wait_indirect_dma semaphore(%run_scoped3A_484 : memref<!tpu.dma_semaphore, #tpu.memory_space<semaphore_mem>>) src(%arg8 : memref<128x64xf32, #tpu.memory_space<vmem>>) dst(%dma_wait3A_496 : memref<10240x64xf32, #tpu.memory_space<vmem_shared>>)
        tpu.yield
      }) : () -> ()
      %dma_start3A_347 = arith.constant 2 : i32
      %dma_start3A_348 = arith.constant 0 : i32
      %dma_start3A_349 = tpu.memref_slice %arg6[%rem3A_294, %dma_start3A_347, %dma_start3A_348] : memref<2x8x128xi32, #tpu.memory_space<vmem>> -> memref<1x1x128xi32, #tpu.memory_space<vmem>>
      %dma_start3A_350 = tpu.memref_squeeze %dma_start3A_349 : memref<1x1x128xi32, #tpu.memory_space<vmem>> -> memref<128xi32, #tpu.memory_space<vmem>>
      %dma_start3A_351 = arith.constant 0 : i32
      %dma_start3A_352 = arith.constant 0 : i32
      %dma_start3A_353 = tpu.memref_slice %arg12[%dma_start3A_351, %dma_start3A_352] : memref<10240x64xf32, #tpu.memory_space<vmem_shared>> -> memref<10240x64xf32, #tpu.memory_space<vmem_shared>>
      tpu.enqueue_indirect_dma source(%dma_start3A_353 : memref<10240x64xf32, #tpu.memory_space<vmem_shared>>) target(%arg8 : memref<128x64xf32, #tpu.memory_space<vmem>>) offsets(%dma_start3A_350 : memref<128xi32, #tpu.memory_space<vmem>>) semaphore(%arg13 : memref<!tpu.dma_semaphore, #tpu.memory_space<semaphore_mem>>)
      %dma_wait3A_354 = arith.constant 1 : i32
      %dma_wait3A_355 = arith.constant 0 : i32
      %dma_wait3A_356 = tpu.memref_slice %arg6[%rem3A_294, %dma_wait3A_354, %dma_wait3A_355] : memref<2x8x128xi32, #tpu.memory_space<vmem>> -> memref<1x1x128xi32, #tpu.memory_space<vmem>>
      %dma_wait3A_357 = tpu.memref_squeeze %dma_wait3A_356 : memref<1x1x128xi32, #tpu.memory_space<vmem>> -> memref<128xi32, #tpu.memory_space<vmem>>
      %dma_wait3A_358 = arith.constant 0 : i32
      %dma_wait3A_359 = arith.constant 0 : i32
      %dma_wait3A_360 = tpu.memref_slice %arg12[%dma_wait3A_358, %dma_wait3A_359] : memref<10240x64xf32, #tpu.memory_space<vmem_shared>> -> memref<10240x64xf32, #tpu.memory_space<vmem_shared>>
      tpu.wait_indirect_dma semaphore(%arg14 : memref<!tpu.dma_semaphore, #tpu.memory_space<semaphore_mem>>) src(%dma_wait3A_360 : memref<10240x64xf32, #tpu.memory_space<vmem_shared>>) dst(%arg9 : memref<128x64xf32, #tpu.memory_space<vmem>>)
      %run_scoped3A_361 = arith.constant 1 : i32
      "tpu.region"() ({
        %run_scoped3A_484 = tpu.sem_alloc : memref<!tpu.dma_semaphore, #tpu.memory_space<semaphore_mem>>
        %dma_start3A_485 = arith.constant 0 : i32
        %dma_start3A_486 = tpu.memref_slice %arg7[%rem3A_294, %run_scoped3A_361, %dma_start3A_485] : memref<2x8x128xi32, #tpu.memory_space<vmem>> -> memref<1x1x128xi32, #tpu.memory_space<vmem>>
        %dma_start3A_487 = tpu.memref_squeeze %dma_start3A_486 : memref<1x1x128xi32, #tpu.memory_space<vmem>> -> memref<128xi32, #tpu.memory_space<vmem>>
        %dma_start3A_488 = arith.constant 0 : i32
        %dma_start3A_489 = arith.constant 0 : i32
        %dma_start3A_490 = tpu.memref_slice %arg11[%dma_start3A_488, %dma_start3A_489] : memref<10240x64xf32, #tpu.memory_space<vmem_shared>> -> memref<10240x64xf32, #tpu.memory_space<vmem_shared>>
        tpu.enqueue_indirect_dma source(%arg9 : memref<128x64xf32, #tpu.memory_space<vmem>>) target(%dma_start3A_490 : memref<10240x64xf32, #tpu.memory_space<vmem_shared>>) offsets(%dma_start3A_487 : memref<128xi32, #tpu.memory_space<vmem>>) semaphore(%run_scoped3A_484 : memref<!tpu.dma_semaphore, #tpu.memory_space<semaphore_mem>>) {add = true}
        %dma_wait3A_491 = arith.constant 0 : i32
        %dma_wait3A_492 = tpu.memref_slice %arg7[%rem3A_294, %run_scoped3A_361, %dma_wait3A_491] : memref<2x8x128xi32, #tpu.memory_space<vmem>> -> memref<1x1x128xi32, #tpu.memory_space<vmem>>
        %dma_wait3A_493 = tpu.memref_squeeze %dma_wait3A_492 : memref<1x1x128xi32, #tpu.memory_space<vmem>> -> memref<128xi32, #tpu.memory_space<vmem>>
        %dma_wait3A_494 = arith.constant 0 : i32
        %dma_wait3A_495 = arith.constant 0 : i32
        %dma_wait3A_496 = tpu.memref_slice %arg11[%dma_wait3A_494, %dma_wait3A_495] : memref<10240x64xf32, #tpu.memory_space<vmem_shared>> -> memref<10240x64xf32, #tpu.memory_space<vmem_shared>>
        tpu.wait_indirect_dma semaphore(%run_scoped3A_484 : memref<!tpu.dma_semaphore, #tpu.memory_space<semaphore_mem>>) src(%arg9 : memref<128x64xf32, #tpu.memory_space<vmem>>) dst(%dma_wait3A_496 : memref<10240x64xf32, #tpu.memory_space<vmem_shared>>)
        tpu.yield
      }) : () -> ()
      %dma_start3A_362 = arith.constant 3 : i32
      %dma_start3A_363 = arith.constant 0 : i32
      %dma_start3A_364 = tpu.memref_slice %arg6[%rem3A_294, %dma_start3A_362, %dma_start3A_363] : memref<2x8x128xi32, #tpu.memory_space<vmem>> -> memref<1x1x128xi32, #tpu.memory_space<vmem>>
      %dma_start3A_365 = tpu.memref_squeeze %dma_start3A_364 : memref<1x1x128xi32, #tpu.memory_space<vmem>> -> memref<128xi32, #tpu.memory_space<vmem>>
      %dma_start3A_366 = arith.constant 0 : i32
      %dma_start3A_367 = arith.constant 0 : i32
      %dma_start3A_368 = tpu.memref_slice %arg12[%dma_start3A_366, %dma_start3A_367] : memref<10240x64xf32, #tpu.memory_space<vmem_shared>> -> memref<10240x64xf32, #tpu.memory_space<vmem_shared>>
      tpu.enqueue_indirect_dma source(%dma_start3A_368 : memref<10240x64xf32, #tpu.memory_space<vmem_shared>>) target(%arg9 : memref<128x64xf32, #tpu.memory_space<vmem>>) offsets(%dma_start3A_365 : memref<128xi32, #tpu.memory_space<vmem>>) semaphore(%arg14 : memref<!tpu.dma_semaphore, #tpu.memory_space<semaphore_mem>>)
      %dma_wait3A_369 = arith.constant 2 : i32
      %dma_wait3A_370 = arith.constant 0 : i32
      %dma_wait3A_371 = tpu.memref_slice %arg6[%rem3A_294, %dma_wait3A_369, %dma_wait3A_370] : memref<2x8x128xi32, #tpu.memory_space<vmem>> -> memref<1x1x128xi32, #tpu.memory_space<vmem>>
      %dma_wait3A_372 = tpu.memref_squeeze %dma_wait3A_371 : memref<1x1x128xi32, #tpu.memory_space<vmem>> -> memref<128xi32, #tpu.memory_space<vmem>>
      %dma_wait3A_373 = arith.constant 0 : i32
      %dma_wait3A_374 = arith.constant 0 : i32
      %dma_wait3A_375 = tpu.memref_slice %arg12[%dma_wait3A_373, %dma_wait3A_374] : memref<10240x64xf32, #tpu.memory_space<vmem_shared>> -> memref<10240x64xf32, #tpu.memory_space<vmem_shared>>
      tpu.wait_indirect_dma semaphore(%arg13 : memref<!tpu.dma_semaphore, #tpu.memory_space<semaphore_mem>>) src(%dma_wait3A_375 : memref<10240x64xf32, #tpu.memory_space<vmem_shared>>) dst(%arg8 : memref<128x64xf32, #tpu.memory_space<vmem>>)
      %run_scoped3A_376 = arith.constant 2 : i32
      "tpu.region"() ({
        %run_scoped3A_484 = tpu.sem_alloc : memref<!tpu.dma_semaphore, #tpu.memory_space<semaphore_mem>>
        %dma_start3A_485 = arith.constant 0 : i32
        %dma_start3A_486 = tpu.memref_slice %arg7[%rem3A_294, %run_scoped3A_376, %dma_start3A_485] : memref<2x8x128xi32, #tpu.memory_space<vmem>> -> memref<1x1x128xi32, #tpu.memory_space<vmem>>
        %dma_start3A_487 = tpu.memref_squeeze %dma_start3A_486 : memref<1x1x128xi32, #tpu.memory_space<vmem>> -> memref<128xi32, #tpu.memory_space<vmem>>
        %dma_start3A_488 = arith.constant 0 : i32
        %dma_start3A_489 = arith.constant 0 : i32
        %dma_start3A_490 = tpu.memref_slice %arg11[%dma_start3A_488, %dma_start3A_489] : memref<10240x64xf32, #tpu.memory_space<vmem_shared>> -> memref<10240x64xf32, #tpu.memory_space<vmem_shared>>
        tpu.enqueue_indirect_dma source(%arg8 : memref<128x64xf32, #tpu.memory_space<vmem>>) target(%dma_start3A_490 : memref<10240x64xf32, #tpu.memory_space<vmem_shared>>) offsets(%dma_start3A_487 : memref<128xi32, #tpu.memory_space<vmem>>) semaphore(%run_scoped3A_484 : memref<!tpu.dma_semaphore, #tpu.memory_space<semaphore_mem>>) {add = true}
        %dma_wait3A_491 = arith.constant 0 : i32
        %dma_wait3A_492 = tpu.memref_slice %arg7[%rem3A_294, %run_scoped3A_376, %dma_wait3A_491] : memref<2x8x128xi32, #tpu.memory_space<vmem>> -> memref<1x1x128xi32, #tpu.memory_space<vmem>>
        %dma_wait3A_493 = tpu.memref_squeeze %dma_wait3A_492 : memref<1x1x128xi32, #tpu.memory_space<vmem>> -> memref<128xi32, #tpu.memory_space<vmem>>
        %dma_wait3A_494 = arith.constant 0 : i32
        %dma_wait3A_495 = arith.constant 0 : i32
        %dma_wait3A_496 = tpu.memref_slice %arg11[%dma_wait3A_494, %dma_wait3A_495] : memref<10240x64xf32, #tpu.memory_space<vmem_shared>> -> memref<10240x64xf32, #tpu.memory_space<vmem_shared>>
        tpu.wait_indirect_dma semaphore(%run_scoped3A_484 : memref<!tpu.dma_semaphore, #tpu.memory_space<semaphore_mem>>) src(%arg8 : memref<128x64xf32, #tpu.memory_space<vmem>>) dst(%dma_wait3A_496 : memref<10240x64xf32, #tpu.memory_space<vmem_shared>>)
        tpu.yield
      }) : () -> ()
      %dma_start3A_377 = arith.constant 4 : i32
      %dma_start3A_378 = arith.constant 0 : i32
      %dma_start3A_379 = tpu.memref_slice %arg6[%rem3A_294, %dma_start3A_377, %dma_start3A_378] : memref<2x8x128xi32, #tpu.memory_space<vmem>> -> memref<1x1x128xi32, #tpu.memory_space<vmem>>
      %dma_start3A_380 = tpu.memref_squeeze %dma_start3A_379 : memref<1x1x128xi32, #tpu.memory_space<vmem>> -> memref<128xi32, #tpu.memory_space<vmem>>
      %dma_start3A_381 = arith.constant 0 : i32
      %dma_start3A_382 = arith.constant 0 : i32
      %dma_start3A_383 = tpu.memref_slice %arg12[%dma_start3A_381, %dma_start3A_382] : memref<10240x64xf32, #tpu.memory_space<vmem_shared>> -> memref<10240x64xf32, #tpu.memory_space<vmem_shared>>
      tpu.enqueue_indirect_dma source(%dma_start3A_383 : memref<10240x64xf32, #tpu.memory_space<vmem_shared>>) target(%arg8 : memref<128x64xf32, #tpu.memory_space<vmem>>) offsets(%dma_start3A_380 : memref<128xi32, #tpu.memory_space<vmem>>) semaphore(%arg13 : memref<!tpu.dma_semaphore, #tpu.memory_space<semaphore_mem>>)
      %dma_wait3A_384 = arith.constant 3 : i32
      %dma_wait3A_385 = arith.constant 0 : i32
      %dma_wait3A_386 = tpu.memref_slice %arg6[%rem3A_294, %dma_wait3A_384, %dma_wait3A_385] : memref<2x8x128xi32, #tpu.memory_space<vmem>> -> memref<1x1x128xi32, #tpu.memory_space<vmem>>
      %dma_wait3A_387 = tpu.memref_squeeze %dma_wait3A_386 : memref<1x1x128xi32, #tpu.memory_space<vmem>> -> memref<128xi32, #tpu.memory_space<vmem>>
      %dma_wait3A_388 = arith.constant 0 : i32
      %dma_wait3A_389 = arith.constant 0 : i32
      %dma_wait3A_390 = tpu.memref_slice %arg12[%dma_wait3A_388, %dma_wait3A_389] : memref<10240x64xf32, #tpu.memory_space<vmem_shared>> -> memref<10240x64xf32, #tpu.memory_space<vmem_shared>>
      tpu.wait_indirect_dma semaphore(%arg14 : memref<!tpu.dma_semaphore, #tpu.memory_space<semaphore_mem>>) src(%dma_wait3A_390 : memref<10240x64xf32, #tpu.memory_space<vmem_shared>>) dst(%arg9 : memref<128x64xf32, #tpu.memory_space<vmem>>)
      %run_scoped3A_391 = arith.constant 3 : i32
      "tpu.region"() ({
        %run_scoped3A_484 = tpu.sem_alloc : memref<!tpu.dma_semaphore, #tpu.memory_space<semaphore_mem>>
        %dma_start3A_485 = arith.constant 0 : i32
        %dma_start3A_486 = tpu.memref_slice %arg7[%rem3A_294, %run_scoped3A_391, %dma_start3A_485] : memref<2x8x128xi32, #tpu.memory_space<vmem>> -> memref<1x1x128xi32, #tpu.memory_space<vmem>>
        %dma_start3A_487 = tpu.memref_squeeze %dma_start3A_486 : memref<1x1x128xi32, #tpu.memory_space<vmem>> -> memref<128xi32, #tpu.memory_space<vmem>>
        %dma_start3A_488 = arith.constant 0 : i32
        %dma_start3A_489 = arith.constant 0 : i32
        %dma_start3A_490 = tpu.memref_slice %arg11[%dma_start3A_488, %dma_start3A_489] : memref<10240x64xf32, #tpu.memory_space<vmem_shared>> -> memref<10240x64xf32, #tpu.memory_space<vmem_shared>>
        tpu.enqueue_indirect_dma source(%arg9 : memref<128x64xf32, #tpu.memory_space<vmem>>) target(%dma_start3A_490 : memref<10240x64xf32, #tpu.memory_space<vmem_shared>>) offsets(%dma_start3A_487 : memref<128xi32, #tpu.memory_space<vmem>>) semaphore(%run_scoped3A_484 : memref<!tpu.dma_semaphore, #tpu.memory_space<semaphore_mem>>) {add = true}
        %dma_wait3A_491 = arith.constant 0 : i32
        %dma_wait3A_492 = tpu.memref_slice %arg7[%rem3A_294, %run_scoped3A_391, %dma_wait3A_491] : memref<2x8x128xi32, #tpu.memory_space<vmem>> -> memref<1x1x128xi32, #tpu.memory_space<vmem>>
        %dma_wait3A_493 = tpu.memref_squeeze %dma_wait3A_492 : memref<1x1x128xi32, #tpu.memory_space<vmem>> -> memref<128xi32, #tpu.memory_space<vmem>>
        %dma_wait3A_494 = arith.constant 0 : i32
        %dma_wait3A_495 = arith.constant 0 : i32
        %dma_wait3A_496 = tpu.memref_slice %arg11[%dma_wait3A_494, %dma_wait3A_495] : memref<10240x64xf32, #tpu.memory_space<vmem_shared>> -> memref<10240x64xf32, #tpu.memory_space<vmem_shared>>
        tpu.wait_indirect_dma semaphore(%run_scoped3A_484 : memref<!tpu.dma_semaphore, #tpu.memory_space<semaphore_mem>>) src(%arg9 : memref<128x64xf32, #tpu.memory_space<vmem>>) dst(%dma_wait3A_496 : memref<10240x64xf32, #tpu.memory_space<vmem_shared>>)
        tpu.yield
      }) : () -> ()
      %dma_start3A_392 = arith.constant 5 : i32
      %dma_start3A_393 = arith.constant 0 : i32
      %dma_start3A_394 = tpu.memref_slice %arg6[%rem3A_294, %dma_start3A_392, %dma_start3A_393] : memref<2x8x128xi32, #tpu.memory_space<vmem>> -> memref<1x1x128xi32, #tpu.memory_space<vmem>>
      %dma_start3A_395 = tpu.memref_squeeze %dma_start3A_394 : memref<1x1x128xi32, #tpu.memory_space<vmem>> -> memref<128xi32, #tpu.memory_space<vmem>>
      %dma_start3A_396 = arith.constant 0 : i32
      %dma_start3A_397 = arith.constant 0 : i32
      %dma_start3A_398 = tpu.memref_slice %arg12[%dma_start3A_396, %dma_start3A_397] : memref<10240x64xf32, #tpu.memory_space<vmem_shared>> -> memref<10240x64xf32, #tpu.memory_space<vmem_shared>>
      tpu.enqueue_indirect_dma source(%dma_start3A_398 : memref<10240x64xf32, #tpu.memory_space<vmem_shared>>) target(%arg9 : memref<128x64xf32, #tpu.memory_space<vmem>>) offsets(%dma_start3A_395 : memref<128xi32, #tpu.memory_space<vmem>>) semaphore(%arg14 : memref<!tpu.dma_semaphore, #tpu.memory_space<semaphore_mem>>)
      %dma_wait3A_399 = arith.constant 4 : i32
      %dma_wait3A_400 = arith.constant 0 : i32
      %dma_wait3A_401 = tpu.memref_slice %arg6[%rem3A_294, %dma_wait3A_399, %dma_wait3A_400] : memref<2x8x128xi32, #tpu.memory_space<vmem>> -> memref<1x1x128xi32, #tpu.memory_space<vmem>>
      %dma_wait3A_402 = tpu.memref_squeeze %dma_wait3A_401 : memref<1x1x128xi32, #tpu.memory_space<vmem>> -> memref<128xi32, #tpu.memory_space<vmem>>
      %dma_wait3A_403 = arith.constant 0 : i32
      %dma_wait3A_404 = arith.constant 0 : i32
      %dma_wait3A_405 = tpu.memref_slice %arg12[%dma_wait3A_403, %dma_wait3A_404] : memref<10240x64xf32, #tpu.memory_space<vmem_shared>> -> memref<10240x64xf32, #tpu.memory_space<vmem_shared>>
      tpu.wait_indirect_dma semaphore(%arg13 : memref<!tpu.dma_semaphore, #tpu.memory_space<semaphore_mem>>) src(%dma_wait3A_405 : memref<10240x64xf32, #tpu.memory_space<vmem_shared>>) dst(%arg8 : memref<128x64xf32, #tpu.memory_space<vmem>>)
      %run_scoped3A_406 = arith.constant 4 : i32
      "tpu.region"() ({
        %run_scoped3A_484 = tpu.sem_alloc : memref<!tpu.dma_semaphore, #tpu.memory_space<semaphore_mem>>
        %dma_start3A_485 = arith.constant 0 : i32
        %dma_start3A_486 = tpu.memref_slice %arg7[%rem3A_294, %run_scoped3A_406, %dma_start3A_485] : memref<2x8x128xi32, #tpu.memory_space<vmem>> -> memref<1x1x128xi32, #tpu.memory_space<vmem>>
        %dma_start3A_487 = tpu.memref_squeeze %dma_start3A_486 : memref<1x1x128xi32, #tpu.memory_space<vmem>> -> memref<128xi32, #tpu.memory_space<vmem>>
        %dma_start3A_488 = arith.constant 0 : i32
        %dma_start3A_489 = arith.constant 0 : i32
        %dma_start3A_490 = tpu.memref_slice %arg11[%dma_start3A_488, %dma_start3A_489] : memref<10240x64xf32, #tpu.memory_space<vmem_shared>> -> memref<10240x64xf32, #tpu.memory_space<vmem_shared>>
        tpu.enqueue_indirect_dma source(%arg8 : memref<128x64xf32, #tpu.memory_space<vmem>>) target(%dma_start3A_490 : memref<10240x64xf32, #tpu.memory_space<vmem_shared>>) offsets(%dma_start3A_487 : memref<128xi32, #tpu.memory_space<vmem>>) semaphore(%run_scoped3A_484 : memref<!tpu.dma_semaphore, #tpu.memory_space<semaphore_mem>>) {add = true}
        %dma_wait3A_491 = arith.constant 0 : i32
        %dma_wait3A_492 = tpu.memref_slice %arg7[%rem3A_294, %run_scoped3A_406, %dma_wait3A_491] : memref<2x8x128xi32, #tpu.memory_space<vmem>> -> memref<1x1x128xi32, #tpu.memory_space<vmem>>
        %dma_wait3A_493 = tpu.memref_squeeze %dma_wait3A_492 : memref<1x1x128xi32, #tpu.memory_space<vmem>> -> memref<128xi32, #tpu.memory_space<vmem>>
        %dma_wait3A_494 = arith.constant 0 : i32
        %dma_wait3A_495 = arith.constant 0 : i32
        %dma_wait3A_496 = tpu.memref_slice %arg11[%dma_wait3A_494, %dma_wait3A_495] : memref<10240x64xf32, #tpu.memory_space<vmem_shared>> -> memref<10240x64xf32, #tpu.memory_space<vmem_shared>>
        tpu.wait_indirect_dma semaphore(%run_scoped3A_484 : memref<!tpu.dma_semaphore, #tpu.memory_space<semaphore_mem>>) src(%arg8 : memref<128x64xf32, #tpu.memory_space<vmem>>) dst(%dma_wait3A_496 : memref<10240x64xf32, #tpu.memory_space<vmem_shared>>)
        tpu.yield
      }) : () -> ()
      %dma_start3A_407 = arith.constant 6 : i32
      %dma_start3A_408 = arith.constant 0 : i32
      %dma_start3A_409 = tpu.memref_slice %arg6[%rem3A_294, %dma_start3A_407, %dma_start3A_408] : memref<2x8x128xi32, #tpu.memory_space<vmem>> -> memref<1x1x128xi32, #tpu.memory_space<vmem>>
      %dma_start3A_410 = tpu.memref_squeeze %dma_start3A_409 : memref<1x1x128xi32, #tpu.memory_space<vmem>> -> memref<128xi32, #tpu.memory_space<vmem>>
      %dma_start3A_411 = arith.constant 0 : i32
      %dma_start3A_412 = arith.constant 0 : i32
      %dma_start3A_413 = tpu.memref_slice %arg12[%dma_start3A_411, %dma_start3A_412] : memref<10240x64xf32, #tpu.memory_space<vmem_shared>> -> memref<10240x64xf32, #tpu.memory_space<vmem_shared>>
      tpu.enqueue_indirect_dma source(%dma_start3A_413 : memref<10240x64xf32, #tpu.memory_space<vmem_shared>>) target(%arg8 : memref<128x64xf32, #tpu.memory_space<vmem>>) offsets(%dma_start3A_410 : memref<128xi32, #tpu.memory_space<vmem>>) semaphore(%arg13 : memref<!tpu.dma_semaphore, #tpu.memory_space<semaphore_mem>>)
      %dma_wait3A_414 = arith.constant 5 : i32
      %dma_wait3A_415 = arith.constant 0 : i32
      %dma_wait3A_416 = tpu.memref_slice %arg6[%rem3A_294, %dma_wait3A_414, %dma_wait3A_415] : memref<2x8x128xi32, #tpu.memory_space<vmem>> -> memref<1x1x128xi32, #tpu.memory_space<vmem>>
      %dma_wait3A_417 = tpu.memref_squeeze %dma_wait3A_416 : memref<1x1x128xi32, #tpu.memory_space<vmem>> -> memref<128xi32, #tpu.memory_space<vmem>>
      %dma_wait3A_418 = arith.constant 0 : i32
      %dma_wait3A_419 = arith.constant 0 : i32
      %dma_wait3A_420 = tpu.memref_slice %arg12[%dma_wait3A_418, %dma_wait3A_419] : memref<10240x64xf32, #tpu.memory_space<vmem_shared>> -> memref<10240x64xf32, #tpu.memory_space<vmem_shared>>
      tpu.wait_indirect_dma semaphore(%arg14 : memref<!tpu.dma_semaphore, #tpu.memory_space<semaphore_mem>>) src(%dma_wait3A_420 : memref<10240x64xf32, #tpu.memory_space<vmem_shared>>) dst(%arg9 : memref<128x64xf32, #tpu.memory_space<vmem>>)
      %run_scoped3A_421 = arith.constant 5 : i32
      "tpu.region"() ({
        %run_scoped3A_484 = tpu.sem_alloc : memref<!tpu.dma_semaphore, #tpu.memory_space<semaphore_mem>>
        %dma_start3A_485 = arith.constant 0 : i32
        %dma_start3A_486 = tpu.memref_slice %arg7[%rem3A_294, %run_scoped3A_421, %dma_start3A_485] : memref<2x8x128xi32, #tpu.memory_space<vmem>> -> memref<1x1x128xi32, #tpu.memory_space<vmem>>
        %dma_start3A_487 = tpu.memref_squeeze %dma_start3A_486 : memref<1x1x128xi32, #tpu.memory_space<vmem>> -> memref<128xi32, #tpu.memory_space<vmem>>
        %dma_start3A_488 = arith.constant 0 : i32
        %dma_start3A_489 = arith.constant 0 : i32
        %dma_start3A_490 = tpu.memref_slice %arg11[%dma_start3A_488, %dma_start3A_489] : memref<10240x64xf32, #tpu.memory_space<vmem_shared>> -> memref<10240x64xf32, #tpu.memory_space<vmem_shared>>
        tpu.enqueue_indirect_dma source(%arg9 : memref<128x64xf32, #tpu.memory_space<vmem>>) target(%dma_start3A_490 : memref<10240x64xf32, #tpu.memory_space<vmem_shared>>) offsets(%dma_start3A_487 : memref<128xi32, #tpu.memory_space<vmem>>) semaphore(%run_scoped3A_484 : memref<!tpu.dma_semaphore, #tpu.memory_space<semaphore_mem>>) {add = true}
        %dma_wait3A_491 = arith.constant 0 : i32
        %dma_wait3A_492 = tpu.memref_slice %arg7[%rem3A_294, %run_scoped3A_421, %dma_wait3A_491] : memref<2x8x128xi32, #tpu.memory_space<vmem>> -> memref<1x1x128xi32, #tpu.memory_space<vmem>>
        %dma_wait3A_493 = tpu.memref_squeeze %dma_wait3A_492 : memref<1x1x128xi32, #tpu.memory_space<vmem>> -> memref<128xi32, #tpu.memory_space<vmem>>
        %dma_wait3A_494 = arith.constant 0 : i32
        %dma_wait3A_495 = arith.constant 0 : i32
        %dma_wait3A_496 = tpu.memref_slice %arg11[%dma_wait3A_494, %dma_wait3A_495] : memref<10240x64xf32, #tpu.memory_space<vmem_shared>> -> memref<10240x64xf32, #tpu.memory_space<vmem_shared>>
        tpu.wait_indirect_dma semaphore(%run_scoped3A_484 : memref<!tpu.dma_semaphore, #tpu.memory_space<semaphore_mem>>) src(%arg9 : memref<128x64xf32, #tpu.memory_space<vmem>>) dst(%dma_wait3A_496 : memref<10240x64xf32, #tpu.memory_space<vmem_shared>>)
        tpu.yield
      }) : () -> ()
      %dma_start3A_422 = arith.constant 7 : i32
      %dma_start3A_423 = arith.constant 0 : i32
      %dma_start3A_424 = tpu.memref_slice %arg6[%rem3A_294, %dma_start3A_422, %dma_start3A_423] : memref<2x8x128xi32, #tpu.memory_space<vmem>> -> memref<1x1x128xi32, #tpu.memory_space<vmem>>
      %dma_start3A_425 = tpu.memref_squeeze %dma_start3A_424 : memref<1x1x128xi32, #tpu.memory_space<vmem>> -> memref<128xi32, #tpu.memory_space<vmem>>
      %dma_start3A_426 = arith.constant 0 : i32
      %dma_start3A_427 = arith.constant 0 : i32
      %dma_start3A_428 = tpu.memref_slice %arg12[%dma_start3A_426, %dma_start3A_427] : memref<10240x64xf32, #tpu.memory_space<vmem_shared>> -> memref<10240x64xf32, #tpu.memory_space<vmem_shared>>
      tpu.enqueue_indirect_dma source(%dma_start3A_428 : memref<10240x64xf32, #tpu.memory_space<vmem_shared>>) target(%arg9 : memref<128x64xf32, #tpu.memory_space<vmem>>) offsets(%dma_start3A_425 : memref<128xi32, #tpu.memory_space<vmem>>) semaphore(%arg14 : memref<!tpu.dma_semaphore, #tpu.memory_space<semaphore_mem>>)
      %dma_wait3A_429 = arith.constant 6 : i32
      %dma_wait3A_430 = arith.constant 0 : i32
      %dma_wait3A_431 = tpu.memref_slice %arg6[%rem3A_294, %dma_wait3A_429, %dma_wait3A_430] : memref<2x8x128xi32, #tpu.memory_space<vmem>> -> memref<1x1x128xi32, #tpu.memory_space<vmem>>
      %dma_wait3A_432 = tpu.memref_squeeze %dma_wait3A_431 : memref<1x1x128xi32, #tpu.memory_space<vmem>> -> memref<128xi32, #tpu.memory_space<vmem>>
      %dma_wait3A_433 = arith.constant 0 : i32
      %dma_wait3A_434 = arith.constant 0 : i32
      %dma_wait3A_435 = tpu.memref_slice %arg12[%dma_wait3A_433, %dma_wait3A_434] : memref<10240x64xf32, #tpu.memory_space<vmem_shared>> -> memref<10240x64xf32, #tpu.memory_space<vmem_shared>>
      tpu.wait_indirect_dma semaphore(%arg13 : memref<!tpu.dma_semaphore, #tpu.memory_space<semaphore_mem>>) src(%dma_wait3A_435 : memref<10240x64xf32, #tpu.memory_space<vmem_shared>>) dst(%arg8 : memref<128x64xf32, #tpu.memory_space<vmem>>)
      %run_scoped3A_436 = arith.constant 6 : i32
      "tpu.region"() ({
        %run_scoped3A_484 = tpu.sem_alloc : memref<!tpu.dma_semaphore, #tpu.memory_space<semaphore_mem>>
        %dma_start3A_485 = arith.constant 0 : i32
        %dma_start3A_486 = tpu.memref_slice %arg7[%rem3A_294, %run_scoped3A_436, %dma_start3A_485] : memref<2x8x128xi32, #tpu.memory_space<vmem>> -> memref<1x1x128xi32, #tpu.memory_space<vmem>>
        %dma_start3A_487 = tpu.memref_squeeze %dma_start3A_486 : memref<1x1x128xi32, #tpu.memory_space<vmem>> -> memref<128xi32, #tpu.memory_space<vmem>>
        %dma_start3A_488 = arith.constant 0 : i32
        %dma_start3A_489 = arith.constant 0 : i32
        %dma_start3A_490 = tpu.memref_slice %arg11[%dma_start3A_488, %dma_start3A_489] : memref<10240x64xf32, #tpu.memory_space<vmem_shared>> -> memref<10240x64xf32, #tpu.memory_space<vmem_shared>>
        tpu.enqueue_indirect_dma source(%arg8 : memref<128x64xf32, #tpu.memory_space<vmem>>) target(%dma_start3A_490 : memref<10240x64xf32, #tpu.memory_space<vmem_shared>>) offsets(%dma_start3A_487 : memref<128xi32, #tpu.memory_space<vmem>>) semaphore(%run_scoped3A_484 : memref<!tpu.dma_semaphore, #tpu.memory_space<semaphore_mem>>) {add = true}
        %dma_wait3A_491 = arith.constant 0 : i32
        %dma_wait3A_492 = tpu.memref_slice %arg7[%rem3A_294, %run_scoped3A_436, %dma_wait3A_491] : memref<2x8x128xi32, #tpu.memory_space<vmem>> -> memref<1x1x128xi32, #tpu.memory_space<vmem>>
        %dma_wait3A_493 = tpu.memref_squeeze %dma_wait3A_492 : memref<1x1x128xi32, #tpu.memory_space<vmem>> -> memref<128xi32, #tpu.memory_space<vmem>>
        %dma_wait3A_494 = arith.constant 0 : i32
        %dma_wait3A_495 = arith.constant 0 : i32
        %dma_wait3A_496 = tpu.memref_slice %arg11[%dma_wait3A_494, %dma_wait3A_495] : memref<10240x64xf32, #tpu.memory_space<vmem_shared>> -> memref<10240x64xf32, #tpu.memory_space<vmem_shared>>
        tpu.wait_indirect_dma semaphore(%run_scoped3A_484 : memref<!tpu.dma_semaphore, #tpu.memory_space<semaphore_mem>>) src(%arg8 : memref<128x64xf32, #tpu.memory_space<vmem>>) dst(%dma_wait3A_496 : memref<10240x64xf32, #tpu.memory_space<vmem_shared>>)
        tpu.yield
      }) : () -> ()
      %dma_wait3A_437 = arith.constant 0 : i32
      %dma_wait3A_438 = arith.constant 0 : i32
      %dma_wait3A_439 = tpu.memref_slice %arg6[%sub3A_295, %dma_wait3A_437, %dma_wait3A_438] : memref<2x8x128xi32, #tpu.memory_space<vmem>> -> memref<1x8x128xi32, #tpu.memory_space<vmem>>
      %dma_wait3A_440 = tpu.memref_squeeze %dma_wait3A_439 : memref<1x8x128xi32, #tpu.memory_space<vmem>> -> memref<8x128xi32, #tpu.memory_space<vmem>>
      %dma_wait3A_441 = arith.constant 0 : i32
      %dma_wait3A_442 = arith.constant 0 : i32
      %dma_wait3A_443 = tpu.memref_slice %arg3[%arg1, %dma_wait3A_441, %dma_wait3A_442] : memref<16x160x128xi32, #tpu.memory_space<hbm>> -> memref<1x8x128xi32, #tpu.memory_space<hbm>>
      %dma_wait3A_444 = tpu.memref_squeeze %dma_wait3A_443 : memref<1x8x128xi32, #tpu.memory_space<hbm>> -> memref<8x128xi32, #tpu.memory_space<hbm>>
      %dma_wait3A_445 = arith.constant 0 : i32
      %dma_wait3A_446 = arith.constant 0 : i32
      %dma_wait3A_447 = tpu.memref_slice %arg6[%sub3A_295, %dma_wait3A_445, %dma_wait3A_446] : memref<2x8x128xi32, #tpu.memory_space<vmem>> -> memref<1x8x128xi32, #tpu.memory_space<vmem>>
      %dma_wait3A_448 = tpu.memref_squeeze %dma_wait3A_447 : memref<1x8x128xi32, #tpu.memory_space<vmem>> -> memref<8x128xi32, #tpu.memory_space<vmem>>
      %dma_wait3A_449 = arith.constant 0 : i32
      %dma_wait3A_450 = arith.constant 0 : i32
      %dma_wait3A_451 = tpu.memref_slice %arg3[%arg1, %dma_wait3A_449, %dma_wait3A_450] : memref<16x160x128xi32, #tpu.memory_space<hbm>> -> memref<1x8x128xi32, #tpu.memory_space<hbm>>
      %dma_wait3A_452 = tpu.memref_squeeze %dma_wait3A_451 : memref<1x8x128xi32, #tpu.memory_space<hbm>> -> memref<8x128xi32, #tpu.memory_space<hbm>>
      tpu.wait_dma2 semaphore(%arg15 : memref<!tpu.dma_semaphore, #tpu.memory_space<semaphore_mem>>) src(%dma_wait3A_452 : memref<8x128xi32, #tpu.memory_space<hbm>>) dst(%dma_wait3A_448 : memref<8x128xi32, #tpu.memory_space<vmem>>)
      %dma_wait3A_453 = arith.constant 0 : i32
      %dma_wait3A_454 = arith.constant 0 : i32
      %dma_wait3A_455 = tpu.memref_slice %arg7[%sub3A_295, %dma_wait3A_453, %dma_wait3A_454] : memref<2x8x128xi32, #tpu.memory_space<vmem>> -> memref<1x8x128xi32, #tpu.memory_space<vmem>>
      %dma_wait3A_456 = tpu.memref_squeeze %dma_wait3A_455 : memref<1x8x128xi32, #tpu.memory_space<vmem>> -> memref<8x128xi32, #tpu.memory_space<vmem>>
      %dma_wait3A_457 = arith.constant 0 : i32
      %dma_wait3A_458 = arith.constant 0 : i32
      %dma_wait3A_459 = tpu.memref_slice %arg4[%arg1, %dma_wait3A_457, %dma_wait3A_458] : memref<16x160x128xi32, #tpu.memory_space<hbm>> -> memref<1x8x128xi32, #tpu.memory_space<hbm>>
      %dma_wait3A_460 = tpu.memref_squeeze %dma_wait3A_459 : memref<1x8x128xi32, #tpu.memory_space<hbm>> -> memref<8x128xi32, #tpu.memory_space<hbm>>
      %dma_wait3A_461 = arith.constant 0 : i32
      %dma_wait3A_462 = arith.constant 0 : i32
      %dma_wait3A_463 = tpu.memref_slice %arg7[%sub3A_295, %dma_wait3A_461, %dma_wait3A_462] : memref<2x8x128xi32, #tpu.memory_space<vmem>> -> memref<1x8x128xi32, #tpu.memory_space<vmem>>
      %dma_wait3A_464 = tpu.memref_squeeze %dma_wait3A_463 : memref<1x8x128xi32, #tpu.memory_space<vmem>> -> memref<8x128xi32, #tpu.memory_space<vmem>>
      %dma_wait3A_465 = arith.constant 0 : i32
      %dma_wait3A_466 = arith.constant 0 : i32
      %dma_wait3A_467 = tpu.memref_slice %arg4[%arg1, %dma_wait3A_465, %dma_wait3A_466] : memref<16x160x128xi32, #tpu.memory_space<hbm>> -> memref<1x8x128xi32, #tpu.memory_space<hbm>>
      %dma_wait3A_468 = tpu.memref_squeeze %dma_wait3A_467 : memref<1x8x128xi32, #tpu.memory_space<hbm>> -> memref<8x128xi32, #tpu.memory_space<hbm>>
      tpu.wait_dma2 semaphore(%arg15 : memref<!tpu.dma_semaphore, #tpu.memory_space<semaphore_mem>>) src(%dma_wait3A_468 : memref<8x128xi32, #tpu.memory_space<hbm>>) dst(%dma_wait3A_464 : memref<8x128xi32, #tpu.memory_space<vmem>>)
      %dma_start3A_469 = arith.constant 0 : i32
      %dma_start3A_470 = arith.constant 0 : i32
      %dma_start3A_471 = tpu.memref_slice %arg6[%sub3A_295, %dma_start3A_469, %dma_start3A_470] : memref<2x8x128xi32, #tpu.memory_space<vmem>> -> memref<1x1x128xi32, #tpu.memory_space<vmem>>
      %dma_start3A_472 = tpu.memref_squeeze %dma_start3A_471 : memref<1x1x128xi32, #tpu.memory_space<vmem>> -> memref<128xi32, #tpu.memory_space<vmem>>
      %dma_start3A_473 = arith.constant 0 : i32
      %dma_start3A_474 = arith.constant 0 : i32
      %dma_start3A_475 = tpu.memref_slice %arg12[%dma_start3A_473, %dma_start3A_474] : memref<10240x64xf32, #tpu.memory_space<vmem_shared>> -> memref<10240x64xf32, #tpu.memory_space<vmem_shared>>
      tpu.enqueue_indirect_dma source(%dma_start3A_475 : memref<10240x64xf32, #tpu.memory_space<vmem_shared>>) target(%arg8 : memref<128x64xf32, #tpu.memory_space<vmem>>) offsets(%dma_start3A_472 : memref<128xi32, #tpu.memory_space<vmem>>) semaphore(%arg13 : memref<!tpu.dma_semaphore, #tpu.memory_space<semaphore_mem>>)
      %dma_wait3A_476 = arith.constant 7 : i32
      %dma_wait3A_477 = arith.constant 0 : i32
      %dma_wait3A_478 = tpu.memref_slice %arg6[%rem3A_294, %dma_wait3A_476, %dma_wait3A_477] : memref<2x8x128xi32, #tpu.memory_space<vmem>> -> memref<1x1x128xi32, #tpu.memory_space<vmem>>
      %dma_wait3A_479 = tpu.memref_squeeze %dma_wait3A_478 : memref<1x1x128xi32, #tpu.memory_space<vmem>> -> memref<128xi32, #tpu.memory_space<vmem>>
      %dma_wait3A_480 = arith.constant 0 : i32
      %dma_wait3A_481 = arith.constant 0 : i32
      %dma_wait3A_482 = tpu.memref_slice %arg12[%dma_wait3A_480, %dma_wait3A_481] : memref<10240x64xf32, #tpu.memory_space<vmem_shared>> -> memref<10240x64xf32, #tpu.memory_space<vmem_shared>>
      tpu.wait_indirect_dma semaphore(%arg14 : memref<!tpu.dma_semaphore, #tpu.memory_space<semaphore_mem>>) src(%dma_wait3A_482 : memref<10240x64xf32, #tpu.memory_space<vmem_shared>>) dst(%arg9 : memref<128x64xf32, #tpu.memory_space<vmem>>)
      %run_scoped3A_483 = arith.constant 7 : i32
      "tpu.region"() ({
        %run_scoped3A_484 = tpu.sem_alloc : memref<!tpu.dma_semaphore, #tpu.memory_space<semaphore_mem>>
        %dma_start3A_485 = arith.constant 0 : i32
        %dma_start3A_486 = tpu.memref_slice %arg7[%rem3A_294, %run_scoped3A_483, %dma_start3A_485] : memref<2x8x128xi32, #tpu.memory_space<vmem>> -> memref<1x1x128xi32, #tpu.memory_space<vmem>>
        %dma_start3A_487 = tpu.memref_squeeze %dma_start3A_486 : memref<1x1x128xi32, #tpu.memory_space<vmem>> -> memref<128xi32, #tpu.memory_space<vmem>>
        %dma_start3A_488 = arith.constant 0 : i32
        %dma_start3A_489 = arith.constant 0 : i32
        %dma_start3A_490 = tpu.memref_slice %arg11[%dma_start3A_488, %dma_start3A_489] : memref<10240x64xf32, #tpu.memory_space<vmem_shared>> -> memref<10240x64xf32, #tpu.memory_space<vmem_shared>>
        tpu.enqueue_indirect_dma source(%arg9 : memref<128x64xf32, #tpu.memory_space<vmem>>) target(%dma_start3A_490 : memref<10240x64xf32, #tpu.memory_space<vmem_shared>>) offsets(%dma_start3A_487 : memref<128xi32, #tpu.memory_space<vmem>>) semaphore(%run_scoped3A_484 : memref<!tpu.dma_semaphore, #tpu.memory_space<semaphore_mem>>) {add = true}
        %dma_wait3A_491 = arith.constant 0 : i32
        %dma_wait3A_492 = tpu.memref_slice %arg7[%rem3A_294, %run_scoped3A_483, %dma_wait3A_491] : memref<2x8x128xi32, #tpu.memory_space<vmem>> -> memref<1x1x128xi32, #tpu.memory_space<vmem>>
        %dma_wait3A_493 = tpu.memref_squeeze %dma_wait3A_492 : memref<1x1x128xi32, #tpu.memory_space<vmem>> -> memref<128xi32, #tpu.memory_space<vmem>>
        %dma_wait3A_494 = arith.constant 0 : i32
        %dma_wait3A_495 = arith.constant 0 : i32
        %dma_wait3A_496 = tpu.memref_slice %arg11[%dma_wait3A_494, %dma_wait3A_495] : memref<10240x64xf32, #tpu.memory_space<vmem_shared>> -> memref<10240x64xf32, #tpu.memory_space<vmem_shared>>
        tpu.wait_indirect_dma semaphore(%run_scoped3A_484 : memref<!tpu.dma_semaphore, #tpu.memory_space<semaphore_mem>>) src(%arg9 : memref<128x64xf32, #tpu.memory_space<vmem>>) dst(%dma_wait3A_496 : memref<10240x64xf32, #tpu.memory_space<vmem_shared>>)
        tpu.yield
      }) : () -> ()
    }
    %scan3A_276 = arith.constant 20 : i32
    %dma_wait3A = arith.constant 0 : i32
    %dma_wait3A_277 = arith.constant 0 : i32
    %dma_wait3A_278 = arith.constant 0 : i32
    %dma_wait3A_279 = tpu.memref_slice %arg6[%dma_wait3A, %dma_wait3A_277, %dma_wait3A_278] : memref<2x8x128xi32, #tpu.memory_space<vmem>> -> memref<1x1x128xi32, #tpu.memory_space<vmem>>
    %dma_wait3A_280 = tpu.memref_squeeze %dma_wait3A_279 : memref<1x1x128xi32, #tpu.memory_space<vmem>> -> memref<128xi32, #tpu.memory_space<vmem>>
    %dma_wait3A_281 = arith.constant 0 : i32
    %dma_wait3A_282 = arith.constant 0 : i32
    %dma_wait3A_283 = tpu.memref_slice %arg12[%dma_wait3A_281, %dma_wait3A_282] : memref<10240x64xf32, #tpu.memory_space<vmem_shared>> -> memref<10240x64xf32, #tpu.memory_space<vmem_shared>>
    tpu.wait_indirect_dma semaphore(%arg13 : memref<!tpu.dma_semaphore, #tpu.memory_space<semaphore_mem>>) src(%dma_wait3A_283 : memref<10240x64xf32, #tpu.memory_space<vmem_shared>>) dst(%arg8 : memref<128x64xf32, #tpu.memory_space<vmem>>)
    %barrier3A_284 = arith.constant 0 : index
    tpu.barrier barrier_id(%barrier3A_284)
    %scan3A_285 = arith.constant 0 : i32
    %scan3A_286 = arith.constant 5 : i32
    %scan3A_287 = arith.addi %scan3A_285, %scan3A_286 : i32
    %scan3A_288 = arith.constant 1 : i32
    scf.for %scan3A_290 = %scan3A_285 to %scan3A_287 step %scan3A_288  : i32 {
      %mul3A_291 = arith.constant 1 : i32
      %mul3A_292 = arith.muli %scan3A_290, %mul3A_291 : i32
      %add3A = arith.constant 0 : i32
      %add3A_293 = arith.addi %add3A, %mul3A_292 : i32
      %mul3A_294 = arith.constant 128 : i32
      %mul3A_295 = arith.muli %add3A_293, %mul3A_294 : i32
      %add3A_296 = arith.addi %mul3A_254, %mul3A_295 : i32
      "tpu.region"() ({
        %run_scoped3A_297 = tpu.sem_alloc : memref<!tpu.dma_semaphore, #tpu.memory_space<semaphore_mem>>
        %dma_start3A_298 = arith.constant 0 : i32
        %dma_start3A_299 = tpu.memref_slice %arg11[%add3A_296, %dma_start3A_298] : memref<10240x64xf32, #tpu.memory_space<vmem_shared>> -> memref<128x64xf32, #tpu.memory_space<vmem_shared>>
        %dma_start3A_300 = arith.constant 0 : i32
        %dma_start3A_301 = tpu.memref_slice %arg11[%add3A_296, %dma_start3A_300] : memref<10240x64xf32, #tpu.memory_space<vmem_shared>> -> memref<128x64xf32, #tpu.memory_space<vmem_shared>>
        tpu.enqueue_dma source(%dma_start3A_301 : memref<128x64xf32, #tpu.memory_space<vmem_shared>>) target(%arg8 : memref<128x64xf32, #tpu.memory_space<vmem>>) target_semaphore(%run_scoped3A_297 : memref<!tpu.dma_semaphore, #tpu.memory_space<semaphore_mem>>)
        %dma_wait3A_302 = arith.constant 0 : i32
        %dma_wait3A_303 = tpu.memref_slice %arg11[%add3A_296, %dma_wait3A_302] : memref<10240x64xf32, #tpu.memory_space<vmem_shared>> -> memref<128x64xf32, #tpu.memory_space<vmem_shared>>
        %dma_wait3A_304 = arith.constant 0 : i32
        %dma_wait3A_305 = tpu.memref_slice %arg11[%add3A_296, %dma_wait3A_304] : memref<10240x64xf32, #tpu.memory_space<vmem_shared>> -> memref<128x64xf32, #tpu.memory_space<vmem_shared>>
        tpu.wait_dma2 semaphore(%run_scoped3A_297 : memref<!tpu.dma_semaphore, #tpu.memory_space<semaphore_mem>>) src(%dma_wait3A_305 : memref<128x64xf32, #tpu.memory_space<vmem_shared>>) dst(%arg8 : memref<128x64xf32, #tpu.memory_space<vmem>>)
        tpu.yield
      }) : () -> ()
      "tpu.region"() ({
        %run_scoped3A_297 = tpu.sem_alloc : memref<!tpu.dma_semaphore, #tpu.memory_space<semaphore_mem>>
        %dma_start3A_298 = arith.constant 0 : i32
        %dma_start3A_299 = tpu.memref_slice %arg5[%arg0, %add3A_296, %dma_start3A_298] : memref<2x10240x64xf32, #tpu.memory_space<hbm>> -> memref<1x128x64xf32, #tpu.memory_space<hbm>>
        %dma_start3A_300 = tpu.memref_squeeze %dma_start3A_299 : memref<1x128x64xf32, #tpu.memory_space<hbm>> -> memref<128x64xf32, #tpu.memory_space<hbm>>
        %dma_start3A_301 = arith.constant 0 : i32
        %dma_start3A_302 = tpu.memref_slice %arg5[%arg0, %add3A_296, %dma_start3A_301] : memref<2x10240x64xf32, #tpu.memory_space<hbm>> -> memref<1x128x64xf32, #tpu.memory_space<hbm>>
        %dma_start3A_303 = tpu.memref_squeeze %dma_start3A_302 : memref<1x128x64xf32, #tpu.memory_space<hbm>> -> memref<128x64xf32, #tpu.memory_space<hbm>>
        tpu.enqueue_dma source(%arg8 : memref<128x64xf32, #tpu.memory_space<vmem>>) target(%dma_start3A_303 : memref<128x64xf32, #tpu.memory_space<hbm>>) target_semaphore(%run_scoped3A_297 : memref<!tpu.dma_semaphore, #tpu.memory_space<semaphore_mem>>)
        %dma_wait3A_304 = arith.constant 0 : i32
        %dma_wait3A_305 = tpu.memref_slice %arg5[%arg0, %add3A_296, %dma_wait3A_304] : memref<2x10240x64xf32, #tpu.memory_space<hbm>> -> memref<1x128x64xf32, #tpu.memory_space<hbm>>
        %dma_wait3A_306 = tpu.memref_squeeze %dma_wait3A_305 : memref<1x128x64xf32, #tpu.memory_space<hbm>> -> memref<128x64xf32, #tpu.memory_space<hbm>>
        %dma_wait3A_307 = arith.constant 0 : i32
        %dma_wait3A_308 = tpu.memref_slice %arg5[%arg0, %add3A_296, %dma_wait3A_307] : memref<2x10240x64xf32, #tpu.memory_space<hbm>> -> memref<1x128x64xf32, #tpu.memory_space<hbm>>
        %dma_wait3A_309 = tpu.memref_squeeze %dma_wait3A_308 : memref<1x128x64xf32, #tpu.memory_space<hbm>> -> memref<128x64xf32, #tpu.memory_space<hbm>>
        tpu.wait_dma2 semaphore(%run_scoped3A_297 : memref<!tpu.dma_semaphore, #tpu.memory_space<semaphore_mem>>) src(%arg8 : memref<128x64xf32, #tpu.memory_space<vmem>>) dst(%dma_wait3A_309 : memref<128x64xf32, #tpu.memory_space<hbm>>)
        tpu.yield
      }) : () -> ()
    }
    %scan3A_289 = arith.constant 5 : i32
    return
  }
}

#map = affine_map<(d0, d1) -> (0, 0, 0)>
#map1 = affine_map<(d0, d1) -> (0, 0)>
module attributes {stable_mosaic.version = 14 : i64} {
  func.func @_deg_kernel(%arg0: i32, %arg1: i32, %arg2: memref<32x80x128xi32, #tpu.memory_space<hbm>>, %arg3: memref<2x10240xf32, #tpu.memory_space<hbm>>, %arg4: memref<80x128xi32, #tpu.memory_space<vmem>>, %arg5: memref<128xf32, #tpu.memory_space<vmem>>, %arg6: memref<10240xf32, #tpu.memory_space<vmem_shared>>, %arg7: memref<!tpu.dma_semaphore, #tpu.memory_space<semaphore_mem>>) attributes {dimension_semantics = [#tpu.dimension_semantics<core_parallel>, #tpu.dimension_semantics<subcore_parallel>], iteration_bounds = array<i64: 2, 16>, scalar_prefetch = 0 : i64, scratch_operands = 4 : i64, tpu.core_type = #tpu.core_type<sc_vector_subcore>, window_params = [{transform_indices = #map}, {transform_indices = #map1}]} {
    %mul3A = arith.constant 16 : i32
    %mul3A_0 = arith.muli %arg0, %mul3A : i32
    %add3A = arith.addi %mul3A_0, %arg1 : i32
    %broadcast_in_dim3A = arith.constant 0.000000e+00 : f32
    %broadcast_in_dim3A_1 = vector.broadcast %broadcast_in_dim3A : f32 to vector<16xf32>
    %swap3A = arith.constant 0 : index
    %swap3A_2 = tpu.vector_load %arg5[%swap3A] {strides = array<i32>} : memref<128xf32, #tpu.memory_space<vmem>>, vector<16xf32>,
    %swap3A_3 = vector.shape_cast %swap3A_2 : vector<16xf32> to vector<16xf32>
    %swap3A_4 = vector.shape_cast %broadcast_in_dim3A_1 : vector<16xf32> to vector<16xf32>
    tpu.vector_store %arg5[%swap3A], %swap3A_4 {strides = array<i32>} : memref<128xf32, #tpu.memory_space<vmem>>, vector<16xf32>,
    %broadcast_in_dim3A_5 = arith.constant 0.000000e+00 : f32
    %broadcast_in_dim3A_6 = vector.broadcast %broadcast_in_dim3A_5 : f32 to vector<16xf32>
    %swap3A_7 = arith.constant 16 : index
    %swap3A_8 = tpu.vector_load %arg5[%swap3A_7] {strides = array<i32>} : memref<128xf32, #tpu.memory_space<vmem>>, vector<16xf32>,
    %swap3A_9 = vector.shape_cast %swap3A_8 : vector<16xf32> to vector<16xf32>
    %swap3A_10 = vector.shape_cast %broadcast_in_dim3A_6 : vector<16xf32> to vector<16xf32>
    tpu.vector_store %arg5[%swap3A_7], %swap3A_10 {strides = array<i32>} : memref<128xf32, #tpu.memory_space<vmem>>, vector<16xf32>,
    %broadcast_in_dim3A_11 = arith.constant 0.000000e+00 : f32
    %broadcast_in_dim3A_12 = vector.broadcast %broadcast_in_dim3A_11 : f32 to vector<16xf32>
    %swap3A_13 = arith.constant 32 : index
    %swap3A_14 = tpu.vector_load %arg5[%swap3A_13] {strides = array<i32>} : memref<128xf32, #tpu.memory_space<vmem>>, vector<16xf32>,
    %swap3A_15 = vector.shape_cast %swap3A_14 : vector<16xf32> to vector<16xf32>
    %swap3A_16 = vector.shape_cast %broadcast_in_dim3A_12 : vector<16xf32> to vector<16xf32>
    tpu.vector_store %arg5[%swap3A_13], %swap3A_16 {strides = array<i32>} : memref<128xf32, #tpu.memory_space<vmem>>, vector<16xf32>,
    %broadcast_in_dim3A_17 = arith.constant 0.000000e+00 : f32
    %broadcast_in_dim3A_18 = vector.broadcast %broadcast_in_dim3A_17 : f32 to vector<16xf32>
    %swap3A_19 = arith.constant 48 : index
    %swap3A_20 = tpu.vector_load %arg5[%swap3A_19] {strides = array<i32>} : memref<128xf32, #tpu.memory_space<vmem>>, vector<16xf32>,
    %swap3A_21 = vector.shape_cast %swap3A_20 : vector<16xf32> to vector<16xf32>
    %swap3A_22 = vector.shape_cast %broadcast_in_dim3A_18 : vector<16xf32> to vector<16xf32>
    tpu.vector_store %arg5[%swap3A_19], %swap3A_22 {strides = array<i32>} : memref<128xf32, #tpu.memory_space<vmem>>, vector<16xf32>,
    %broadcast_in_dim3A_23 = arith.constant 0.000000e+00 : f32
    %broadcast_in_dim3A_24 = vector.broadcast %broadcast_in_dim3A_23 : f32 to vector<16xf32>
    %swap3A_25 = arith.constant 64 : index
    %swap3A_26 = tpu.vector_load %arg5[%swap3A_25] {strides = array<i32>} : memref<128xf32, #tpu.memory_space<vmem>>, vector<16xf32>,
    %swap3A_27 = vector.shape_cast %swap3A_26 : vector<16xf32> to vector<16xf32>
    %swap3A_28 = vector.shape_cast %broadcast_in_dim3A_24 : vector<16xf32> to vector<16xf32>
    tpu.vector_store %arg5[%swap3A_25], %swap3A_28 {strides = array<i32>} : memref<128xf32, #tpu.memory_space<vmem>>, vector<16xf32>,
    %broadcast_in_dim3A_29 = arith.constant 0.000000e+00 : f32
    %broadcast_in_dim3A_30 = vector.broadcast %broadcast_in_dim3A_29 : f32 to vector<16xf32>
    %swap3A_31 = arith.constant 80 : index
    %swap3A_32 = tpu.vector_load %arg5[%swap3A_31] {strides = array<i32>} : memref<128xf32, #tpu.memory_space<vmem>>, vector<16xf32>,
    %swap3A_33 = vector.shape_cast %swap3A_32 : vector<16xf32> to vector<16xf32>
    %swap3A_34 = vector.shape_cast %broadcast_in_dim3A_30 : vector<16xf32> to vector<16xf32>
    tpu.vector_store %arg5[%swap3A_31], %swap3A_34 {strides = array<i32>} : memref<128xf32, #tpu.memory_space<vmem>>, vector<16xf32>,
    %broadcast_in_dim3A_35 = arith.constant 0.000000e+00 : f32
    %broadcast_in_dim3A_36 = vector.broadcast %broadcast_in_dim3A_35 : f32 to vector<16xf32>
    %swap3A_37 = arith.constant 96 : index
    %swap3A_38 = tpu.vector_load %arg5[%swap3A_37] {strides = array<i32>} : memref<128xf32, #tpu.memory_space<vmem>>, vector<16xf32>,
    %swap3A_39 = vector.shape_cast %swap3A_38 : vector<16xf32> to vector<16xf32>
    %swap3A_40 = vector.shape_cast %broadcast_in_dim3A_36 : vector<16xf32> to vector<16xf32>
    tpu.vector_store %arg5[%swap3A_37], %swap3A_40 {strides = array<i32>} : memref<128xf32, #tpu.memory_space<vmem>>, vector<16xf32>,
    %broadcast_in_dim3A_41 = arith.constant 0.000000e+00 : f32
    %broadcast_in_dim3A_42 = vector.broadcast %broadcast_in_dim3A_41 : f32 to vector<16xf32>
    %swap3A_43 = arith.constant 112 : index
    %swap3A_44 = tpu.vector_load %arg5[%swap3A_43] {strides = array<i32>} : memref<128xf32, #tpu.memory_space<vmem>>, vector<16xf32>,
    %swap3A_45 = vector.shape_cast %swap3A_44 : vector<16xf32> to vector<16xf32>
    %swap3A_46 = vector.shape_cast %broadcast_in_dim3A_42 : vector<16xf32> to vector<16xf32>
    tpu.vector_store %arg5[%swap3A_43], %swap3A_46 {strides = array<i32>} : memref<128xf32, #tpu.memory_space<vmem>>, vector<16xf32>,
    %mul3A_47 = arith.constant 640 : i32
    %mul3A_48 = arith.muli %arg1, %mul3A_47 : i32
    %scan3A = arith.constant 0 : i32
    %scan3A_49 = arith.constant 5 : i32
    %scan3A_50 = arith.addi %scan3A, %scan3A_49 : i32
    %scan3A_51 = arith.constant 1 : i32
    scf.for %scan3A_112 = %scan3A to %scan3A_50 step %scan3A_51  : i32 {
      %mul3A_113 = arith.constant 1 : i32
      %mul3A_114 = arith.muli %scan3A_112, %mul3A_113 : i32
      %add3A_115 = arith.constant 0 : i32
      %add3A_116 = arith.addi %add3A_115, %mul3A_114 : i32
      %mul3A_117 = arith.constant 128 : i32
      %mul3A_118 = arith.muli %add3A_116, %mul3A_117 : i32
      %add3A_119 = arith.addi %mul3A_48, %mul3A_118 : i32
      "tpu.region"() ({
        %run_scoped3A = tpu.sem_alloc : memref<!tpu.dma_semaphore, #tpu.memory_space<semaphore_mem>>
        %dma_start3A = tpu.memref_slice %arg6[%add3A_119] : memref<10240xf32, #tpu.memory_space<vmem_shared>> -> memref<128xf32, #tpu.memory_space<vmem_shared>>
        %dma_start3A_120 = tpu.memref_slice %arg6[%add3A_119] : memref<10240xf32, #tpu.memory_space<vmem_shared>> -> memref<128xf32, #tpu.memory_space<vmem_shared>>
        tpu.enqueue_dma source(%arg5 : memref<128xf32, #tpu.memory_space<vmem>>) target(%dma_start3A_120 : memref<128xf32, #tpu.memory_space<vmem_shared>>) target_semaphore(%run_scoped3A : memref<!tpu.dma_semaphore, #tpu.memory_space<semaphore_mem>>)
        %dma_wait3A = tpu.memref_slice %arg6[%add3A_119] : memref<10240xf32, #tpu.memory_space<vmem_shared>> -> memref<128xf32, #tpu.memory_space<vmem_shared>>
        %dma_wait3A_121 = tpu.memref_slice %arg6[%add3A_119] : memref<10240xf32, #tpu.memory_space<vmem_shared>> -> memref<128xf32, #tpu.memory_space<vmem_shared>>
        tpu.wait_dma2 semaphore(%run_scoped3A : memref<!tpu.dma_semaphore, #tpu.memory_space<semaphore_mem>>) src(%arg5 : memref<128xf32, #tpu.memory_space<vmem>>) dst(%dma_wait3A_121 : memref<128xf32, #tpu.memory_space<vmem_shared>>)
        tpu.yield
      }) : () -> ()
    }
    %scan3A_52 = arith.constant 5 : i32
    "tpu.region"() ({
      %run_scoped3A = tpu.sem_alloc : memref<!tpu.dma_semaphore, #tpu.memory_space<semaphore_mem>>
      %dma_start3A = arith.constant 0 : i32
      %dma_start3A_112 = arith.constant 0 : i32
      %dma_start3A_113 = tpu.memref_slice %arg2[%add3A, %dma_start3A, %dma_start3A_112] : memref<32x80x128xi32, #tpu.memory_space<hbm>> -> memref<1x80x128xi32, #tpu.memory_space<hbm>>
      %dma_start3A_114 = tpu.memref_squeeze %dma_start3A_113 : memref<1x80x128xi32, #tpu.memory_space<hbm>> -> memref<80x128xi32, #tpu.memory_space<hbm>>
      %dma_start3A_115 = arith.constant 0 : i32
      %dma_start3A_116 = arith.constant 0 : i32
      %dma_start3A_117 = tpu.memref_slice %arg2[%add3A, %dma_start3A_115, %dma_start3A_116] : memref<32x80x128xi32, #tpu.memory_space<hbm>> -> memref<1x80x128xi32, #tpu.memory_space<hbm>>
      %dma_start3A_118 = tpu.memref_squeeze %dma_start3A_117 : memref<1x80x128xi32, #tpu.memory_space<hbm>> -> memref<80x128xi32, #tpu.memory_space<hbm>>
      tpu.enqueue_dma source(%dma_start3A_118 : memref<80x128xi32, #tpu.memory_space<hbm>>) target(%arg4 : memref<80x128xi32, #tpu.memory_space<vmem>>) target_semaphore(%run_scoped3A : memref<!tpu.dma_semaphore, #tpu.memory_space<semaphore_mem>>)
      %dma_wait3A = arith.constant 0 : i32
      %dma_wait3A_119 = arith.constant 0 : i32
      %dma_wait3A_120 = tpu.memref_slice %arg2[%add3A, %dma_wait3A, %dma_wait3A_119] : memref<32x80x128xi32, #tpu.memory_space<hbm>> -> memref<1x80x128xi32, #tpu.memory_space<hbm>>
      %dma_wait3A_121 = tpu.memref_squeeze %dma_wait3A_120 : memref<1x80x128xi32, #tpu.memory_space<hbm>> -> memref<80x128xi32, #tpu.memory_space<hbm>>
      %dma_wait3A_122 = arith.constant 0 : i32
      %dma_wait3A_123 = arith.constant 0 : i32
      %dma_wait3A_124 = tpu.memref_slice %arg2[%add3A, %dma_wait3A_122, %dma_wait3A_123] : memref<32x80x128xi32, #tpu.memory_space<hbm>> -> memref<1x80x128xi32, #tpu.memory_space<hbm>>
      %dma_wait3A_125 = tpu.memref_squeeze %dma_wait3A_124 : memref<1x80x128xi32, #tpu.memory_space<hbm>> -> memref<80x128xi32, #tpu.memory_space<hbm>>
      tpu.wait_dma2 semaphore(%run_scoped3A : memref<!tpu.dma_semaphore, #tpu.memory_space<semaphore_mem>>) src(%dma_wait3A_125 : memref<80x128xi32, #tpu.memory_space<hbm>>) dst(%arg4 : memref<80x128xi32, #tpu.memory_space<vmem>>)
      tpu.yield
    }) : () -> ()
    %broadcast_in_dim3A_53 = arith.constant 1.000000e+00 : f32
    %broadcast_in_dim3A_54 = vector.broadcast %broadcast_in_dim3A_53 : f32 to vector<16xf32>
    %swap3A_55 = arith.constant 0 : index
    %swap3A_56 = tpu.vector_load %arg5[%swap3A_55] {strides = array<i32>} : memref<128xf32, #tpu.memory_space<vmem>>, vector<16xf32>,
    %swap3A_57 = vector.shape_cast %swap3A_56 : vector<16xf32> to vector<16xf32>
    %swap3A_58 = vector.shape_cast %broadcast_in_dim3A_54 : vector<16xf32> to vector<16xf32>
    tpu.vector_store %arg5[%swap3A_55], %swap3A_58 {strides = array<i32>} : memref<128xf32, #tpu.memory_space<vmem>>, vector<16xf32>,
    %broadcast_in_dim3A_59 = arith.constant 1.000000e+00 : f32
    %broadcast_in_dim3A_60 = vector.broadcast %broadcast_in_dim3A_59 : f32 to vector<16xf32>
    %swap3A_61 = arith.constant 16 : index
    %swap3A_62 = tpu.vector_load %arg5[%swap3A_61] {strides = array<i32>} : memref<128xf32, #tpu.memory_space<vmem>>, vector<16xf32>,
    %swap3A_63 = vector.shape_cast %swap3A_62 : vector<16xf32> to vector<16xf32>
    %swap3A_64 = vector.shape_cast %broadcast_in_dim3A_60 : vector<16xf32> to vector<16xf32>
    tpu.vector_store %arg5[%swap3A_61], %swap3A_64 {strides = array<i32>} : memref<128xf32, #tpu.memory_space<vmem>>, vector<16xf32>,
    %broadcast_in_dim3A_65 = arith.constant 1.000000e+00 : f32
    %broadcast_in_dim3A_66 = vector.broadcast %broadcast_in_dim3A_65 : f32 to vector<16xf32>
    %swap3A_67 = arith.constant 32 : index
    %swap3A_68 = tpu.vector_load %arg5[%swap3A_67] {strides = array<i32>} : memref<128xf32, #tpu.memory_space<vmem>>, vector<16xf32>,
    %swap3A_69 = vector.shape_cast %swap3A_68 : vector<16xf32> to vector<16xf32>
    %swap3A_70 = vector.shape_cast %broadcast_in_dim3A_66 : vector<16xf32> to vector<16xf32>
    tpu.vector_store %arg5[%swap3A_67], %swap3A_70 {strides = array<i32>} : memref<128xf32, #tpu.memory_space<vmem>>, vector<16xf32>,
    %broadcast_in_dim3A_71 = arith.constant 1.000000e+00 : f32
    %broadcast_in_dim3A_72 = vector.broadcast %broadcast_in_dim3A_71 : f32 to vector<16xf32>
    %swap3A_73 = arith.constant 48 : index
    %swap3A_74 = tpu.vector_load %arg5[%swap3A_73] {strides = array<i32>} : memref<128xf32, #tpu.memory_space<vmem>>, vector<16xf32>,
    %swap3A_75 = vector.shape_cast %swap3A_74 : vector<16xf32> to vector<16xf32>
    %swap3A_76 = vector.shape_cast %broadcast_in_dim3A_72 : vector<16xf32> to vector<16xf32>
    tpu.vector_store %arg5[%swap3A_73], %swap3A_76 {strides = array<i32>} : memref<128xf32, #tpu.memory_space<vmem>>, vector<16xf32>,
    %broadcast_in_dim3A_77 = arith.constant 1.000000e+00 : f32
    %broadcast_in_dim3A_78 = vector.broadcast %broadcast_in_dim3A_77 : f32 to vector<16xf32>
    %swap3A_79 = arith.constant 64 : index
    %swap3A_80 = tpu.vector_load %arg5[%swap3A_79] {strides = array<i32>} : memref<128xf32, #tpu.memory_space<vmem>>, vector<16xf32>,
    %swap3A_81 = vector.shape_cast %swap3A_80 : vector<16xf32> to vector<16xf32>
    %swap3A_82 = vector.shape_cast %broadcast_in_dim3A_78 : vector<16xf32> to vector<16xf32>
    tpu.vector_store %arg5[%swap3A_79], %swap3A_82 {strides = array<i32>} : memref<128xf32, #tpu.memory_space<vmem>>, vector<16xf32>,
    %broadcast_in_dim3A_83 = arith.constant 1.000000e+00 : f32
    %broadcast_in_dim3A_84 = vector.broadcast %broadcast_in_dim3A_83 : f32 to vector<16xf32>
    %swap3A_85 = arith.constant 80 : index
    %swap3A_86 = tpu.vector_load %arg5[%swap3A_85] {strides = array<i32>} : memref<128xf32, #tpu.memory_space<vmem>>, vector<16xf32>,
    %swap3A_87 = vector.shape_cast %swap3A_86 : vector<16xf32> to vector<16xf32>
    %swap3A_88 = vector.shape_cast %broadcast_in_dim3A_84 : vector<16xf32> to vector<16xf32>
    tpu.vector_store %arg5[%swap3A_85], %swap3A_88 {strides = array<i32>} : memref<128xf32, #tpu.memory_space<vmem>>, vector<16xf32>,
    %broadcast_in_dim3A_89 = arith.constant 1.000000e+00 : f32
    %broadcast_in_dim3A_90 = vector.broadcast %broadcast_in_dim3A_89 : f32 to vector<16xf32>
    %swap3A_91 = arith.constant 96 : index
    %swap3A_92 = tpu.vector_load %arg5[%swap3A_91] {strides = array<i32>} : memref<128xf32, #tpu.memory_space<vmem>>, vector<16xf32>,
    %swap3A_93 = vector.shape_cast %swap3A_92 : vector<16xf32> to vector<16xf32>
    %swap3A_94 = vector.shape_cast %broadcast_in_dim3A_90 : vector<16xf32> to vector<16xf32>
    tpu.vector_store %arg5[%swap3A_91], %swap3A_94 {strides = array<i32>} : memref<128xf32, #tpu.memory_space<vmem>>, vector<16xf32>,
    %broadcast_in_dim3A_95 = arith.constant 1.000000e+00 : f32
    %broadcast_in_dim3A_96 = vector.broadcast %broadcast_in_dim3A_95 : f32 to vector<16xf32>
    %swap3A_97 = arith.constant 112 : index
    %swap3A_98 = tpu.vector_load %arg5[%swap3A_97] {strides = array<i32>} : memref<128xf32, #tpu.memory_space<vmem>>, vector<16xf32>,
    %swap3A_99 = vector.shape_cast %swap3A_98 : vector<16xf32> to vector<16xf32>
    %swap3A_100 = vector.shape_cast %broadcast_in_dim3A_96 : vector<16xf32> to vector<16xf32>
    tpu.vector_store %arg5[%swap3A_97], %swap3A_100 {strides = array<i32>} : memref<128xf32, #tpu.memory_space<vmem>>, vector<16xf32>,
    %barrier3A = arith.constant 0 : index
    tpu.barrier barrier_id(%barrier3A)
    %scan3A_101 = arith.constant 0 : i32
    %scan3A_102 = arith.constant 10 : i32
    %scan3A_103 = arith.addi %scan3A_101, %scan3A_102 : i32
    %scan3A_104 = arith.constant 1 : i32
    scf.for %scan3A_112 = %scan3A_101 to %scan3A_103 step %scan3A_104  : i32 {
      %mul3A_113 = arith.constant 1 : i32
      %mul3A_114 = arith.muli %scan3A_112, %mul3A_113 : i32
      %add3A_115 = arith.constant 0 : i32
      %add3A_116 = arith.addi %add3A_115, %mul3A_114 : i32
      %mul3A_117 = arith.constant 8 : i32
      %mul3A_118 = arith.muli %add3A_116, %mul3A_117 : i32
      %add3A_119 = arith.constant 0 : i32
      %add3A_120 = arith.addi %mul3A_118, %add3A_119 : i32
      %dma_start3A = arith.constant 0 : i32
      %dma_start3A_121 = tpu.memref_slice %arg4[%add3A_120, %dma_start3A] : memref<80x128xi32, #tpu.memory_space<vmem>> -> memref<1x128xi32, #tpu.memory_space<vmem>>
      %dma_start3A_122 = tpu.memref_squeeze %dma_start3A_121 : memref<1x128xi32, #tpu.memory_space<vmem>> -> memref<128xi32, #tpu.memory_space<vmem>>
      %dma_start3A_123 = arith.constant 0 : i32
      %dma_start3A_124 = tpu.memref_slice %arg6[%dma_start3A_123] : memref<10240xf32, #tpu.memory_space<vmem_shared>> -> memref<10240xf32, #tpu.memory_space<vmem_shared>>
      tpu.enqueue_indirect_dma source(%arg5 : memref<128xf32, #tpu.memory_space<vmem>>) target(%dma_start3A_124 : memref<10240xf32, #tpu.memory_space<vmem_shared>>) offsets(%dma_start3A_122 : memref<128xi32, #tpu.memory_space<vmem>>) semaphore(%arg7 : memref<!tpu.dma_semaphore, #tpu.memory_space<semaphore_mem>>) {add = true}
      %mul3A_125 = arith.constant 8 : i32
      %mul3A_126 = arith.muli %add3A_116, %mul3A_125 : i32
      %add3A_127 = arith.constant 1 : i32
      %add3A_128 = arith.addi %mul3A_126, %add3A_127 : i32
      %dma_start3A_129 = arith.constant 0 : i32
      %dma_start3A_130 = tpu.memref_slice %arg4[%add3A_128, %dma_start3A_129] : memref<80x128xi32, #tpu.memory_space<vmem>> -> memref<1x128xi32, #tpu.memory_space<vmem>>
      %dma_start3A_131 = tpu.memref_squeeze %dma_start3A_130 : memref<1x128xi32, #tpu.memory_space<vmem>> -> memref<128xi32, #tpu.memory_space<vmem>>
      %dma_start3A_132 = arith.constant 0 : i32
      %dma_start3A_133 = tpu.memref_slice %arg6[%dma_start3A_132] : memref<10240xf32, #tpu.memory_space<vmem_shared>> -> memref<10240xf32, #tpu.memory_space<vmem_shared>>
      tpu.enqueue_indirect_dma source(%arg5 : memref<128xf32, #tpu.memory_space<vmem>>) target(%dma_start3A_133 : memref<10240xf32, #tpu.memory_space<vmem_shared>>) offsets(%dma_start3A_131 : memref<128xi32, #tpu.memory_space<vmem>>) semaphore(%arg7 : memref<!tpu.dma_semaphore, #tpu.memory_space<semaphore_mem>>) {add = true}
      %mul3A_134 = arith.constant 8 : i32
      %mul3A_135 = arith.muli %add3A_116, %mul3A_134 : i32
      %add3A_136 = arith.constant 2 : i32
      %add3A_137 = arith.addi %mul3A_135, %add3A_136 : i32
      %dma_start3A_138 = arith.constant 0 : i32
      %dma_start3A_139 = tpu.memref_slice %arg4[%add3A_137, %dma_start3A_138] : memref<80x128xi32, #tpu.memory_space<vmem>> -> memref<1x128xi32, #tpu.memory_space<vmem>>
      %dma_start3A_140 = tpu.memref_squeeze %dma_start3A_139 : memref<1x128xi32, #tpu.memory_space<vmem>> -> memref<128xi32, #tpu.memory_space<vmem>>
      %dma_start3A_141 = arith.constant 0 : i32
      %dma_start3A_142 = tpu.memref_slice %arg6[%dma_start3A_141] : memref<10240xf32, #tpu.memory_space<vmem_shared>> -> memref<10240xf32, #tpu.memory_space<vmem_shared>>
      tpu.enqueue_indirect_dma source(%arg5 : memref<128xf32, #tpu.memory_space<vmem>>) target(%dma_start3A_142 : memref<10240xf32, #tpu.memory_space<vmem_shared>>) offsets(%dma_start3A_140 : memref<128xi32, #tpu.memory_space<vmem>>) semaphore(%arg7 : memref<!tpu.dma_semaphore, #tpu.memory_space<semaphore_mem>>) {add = true}
      %mul3A_143 = arith.constant 8 : i32
      %mul3A_144 = arith.muli %add3A_116, %mul3A_143 : i32
      %add3A_145 = arith.constant 3 : i32
      %add3A_146 = arith.addi %mul3A_144, %add3A_145 : i32
      %dma_start3A_147 = arith.constant 0 : i32
      %dma_start3A_148 = tpu.memref_slice %arg4[%add3A_146, %dma_start3A_147] : memref<80x128xi32, #tpu.memory_space<vmem>> -> memref<1x128xi32, #tpu.memory_space<vmem>>
      %dma_start3A_149 = tpu.memref_squeeze %dma_start3A_148 : memref<1x128xi32, #tpu.memory_space<vmem>> -> memref<128xi32, #tpu.memory_space<vmem>>
      %dma_start3A_150 = arith.constant 0 : i32
      %dma_start3A_151 = tpu.memref_slice %arg6[%dma_start3A_150] : memref<10240xf32, #tpu.memory_space<vmem_shared>> -> memref<10240xf32, #tpu.memory_space<vmem_shared>>
      tpu.enqueue_indirect_dma source(%arg5 : memref<128xf32, #tpu.memory_space<vmem>>) target(%dma_start3A_151 : memref<10240xf32, #tpu.memory_space<vmem_shared>>) offsets(%dma_start3A_149 : memref<128xi32, #tpu.memory_space<vmem>>) semaphore(%arg7 : memref<!tpu.dma_semaphore, #tpu.memory_space<semaphore_mem>>) {add = true}
      %mul3A_152 = arith.constant 8 : i32
      %mul3A_153 = arith.muli %add3A_116, %mul3A_152 : i32
      %add3A_154 = arith.constant 4 : i32
      %add3A_155 = arith.addi %mul3A_153, %add3A_154 : i32
      %dma_start3A_156 = arith.constant 0 : i32
      %dma_start3A_157 = tpu.memref_slice %arg4[%add3A_155, %dma_start3A_156] : memref<80x128xi32, #tpu.memory_space<vmem>> -> memref<1x128xi32, #tpu.memory_space<vmem>>
      %dma_start3A_158 = tpu.memref_squeeze %dma_start3A_157 : memref<1x128xi32, #tpu.memory_space<vmem>> -> memref<128xi32, #tpu.memory_space<vmem>>
      %dma_start3A_159 = arith.constant 0 : i32
      %dma_start3A_160 = tpu.memref_slice %arg6[%dma_start3A_159] : memref<10240xf32, #tpu.memory_space<vmem_shared>> -> memref<10240xf32, #tpu.memory_space<vmem_shared>>
      tpu.enqueue_indirect_dma source(%arg5 : memref<128xf32, #tpu.memory_space<vmem>>) target(%dma_start3A_160 : memref<10240xf32, #tpu.memory_space<vmem_shared>>) offsets(%dma_start3A_158 : memref<128xi32, #tpu.memory_space<vmem>>) semaphore(%arg7 : memref<!tpu.dma_semaphore, #tpu.memory_space<semaphore_mem>>) {add = true}
      %mul3A_161 = arith.constant 8 : i32
      %mul3A_162 = arith.muli %add3A_116, %mul3A_161 : i32
      %add3A_163 = arith.constant 5 : i32
      %add3A_164 = arith.addi %mul3A_162, %add3A_163 : i32
      %dma_start3A_165 = arith.constant 0 : i32
      %dma_start3A_166 = tpu.memref_slice %arg4[%add3A_164, %dma_start3A_165] : memref<80x128xi32, #tpu.memory_space<vmem>> -> memref<1x128xi32, #tpu.memory_space<vmem>>
      %dma_start3A_167 = tpu.memref_squeeze %dma_start3A_166 : memref<1x128xi32, #tpu.memory_space<vmem>> -> memref<128xi32, #tpu.memory_space<vmem>>
      %dma_start3A_168 = arith.constant 0 : i32
      %dma_start3A_169 = tpu.memref_slice %arg6[%dma_start3A_168] : memref<10240xf32, #tpu.memory_space<vmem_shared>> -> memref<10240xf32, #tpu.memory_space<vmem_shared>>
      tpu.enqueue_indirect_dma source(%arg5 : memref<128xf32, #tpu.memory_space<vmem>>) target(%dma_start3A_169 : memref<10240xf32, #tpu.memory_space<vmem_shared>>) offsets(%dma_start3A_167 : memref<128xi32, #tpu.memory_space<vmem>>) semaphore(%arg7 : memref<!tpu.dma_semaphore, #tpu.memory_space<semaphore_mem>>) {add = true}
      %mul3A_170 = arith.constant 8 : i32
      %mul3A_171 = arith.muli %add3A_116, %mul3A_170 : i32
      %add3A_172 = arith.constant 6 : i32
      %add3A_173 = arith.addi %mul3A_171, %add3A_172 : i32
      %dma_start3A_174 = arith.constant 0 : i32
      %dma_start3A_175 = tpu.memref_slice %arg4[%add3A_173, %dma_start3A_174] : memref<80x128xi32, #tpu.memory_space<vmem>> -> memref<1x128xi32, #tpu.memory_space<vmem>>
      %dma_start3A_176 = tpu.memref_squeeze %dma_start3A_175 : memref<1x128xi32, #tpu.memory_space<vmem>> -> memref<128xi32, #tpu.memory_space<vmem>>
      %dma_start3A_177 = arith.constant 0 : i32
      %dma_start3A_178 = tpu.memref_slice %arg6[%dma_start3A_177] : memref<10240xf32, #tpu.memory_space<vmem_shared>> -> memref<10240xf32, #tpu.memory_space<vmem_shared>>
      tpu.enqueue_indirect_dma source(%arg5 : memref<128xf32, #tpu.memory_space<vmem>>) target(%dma_start3A_178 : memref<10240xf32, #tpu.memory_space<vmem_shared>>) offsets(%dma_start3A_176 : memref<128xi32, #tpu.memory_space<vmem>>) semaphore(%arg7 : memref<!tpu.dma_semaphore, #tpu.memory_space<semaphore_mem>>) {add = true}
      %mul3A_179 = arith.constant 8 : i32
      %mul3A_180 = arith.muli %add3A_116, %mul3A_179 : i32
      %add3A_181 = arith.constant 7 : i32
      %add3A_182 = arith.addi %mul3A_180, %add3A_181 : i32
      %dma_start3A_183 = arith.constant 0 : i32
      %dma_start3A_184 = tpu.memref_slice %arg4[%add3A_182, %dma_start3A_183] : memref<80x128xi32, #tpu.memory_space<vmem>> -> memref<1x128xi32, #tpu.memory_space<vmem>>
      %dma_start3A_185 = tpu.memref_squeeze %dma_start3A_184 : memref<1x128xi32, #tpu.memory_space<vmem>> -> memref<128xi32, #tpu.memory_space<vmem>>
      %dma_start3A_186 = arith.constant 0 : i32
      %dma_start3A_187 = tpu.memref_slice %arg6[%dma_start3A_186] : memref<10240xf32, #tpu.memory_space<vmem_shared>> -> memref<10240xf32, #tpu.memory_space<vmem_shared>>
      tpu.enqueue_indirect_dma source(%arg5 : memref<128xf32, #tpu.memory_space<vmem>>) target(%dma_start3A_187 : memref<10240xf32, #tpu.memory_space<vmem_shared>>) offsets(%dma_start3A_185 : memref<128xi32, #tpu.memory_space<vmem>>) semaphore(%arg7 : memref<!tpu.dma_semaphore, #tpu.memory_space<semaphore_mem>>) {add = true}
      %dma_wait3A = arith.constant 0 : i32
      %dma_wait3A_188 = arith.constant 0 : i32
      %dma_wait3A_189 = tpu.memref_slice %arg4[%dma_wait3A, %dma_wait3A_188] : memref<80x128xi32, #tpu.memory_space<vmem>> -> memref<1x128xi32, #tpu.memory_space<vmem>>
      %dma_wait3A_190 = tpu.memref_squeeze %dma_wait3A_189 : memref<1x128xi32, #tpu.memory_space<vmem>> -> memref<128xi32, #tpu.memory_space<vmem>>
      %dma_wait3A_191 = arith.constant 0 : i32
      %dma_wait3A_192 = tpu.memref_slice %arg6[%dma_wait3A_191] : memref<10240xf32, #tpu.memory_space<vmem_shared>> -> memref<10240xf32, #tpu.memory_space<vmem_shared>>
      tpu.wait_indirect_dma semaphore(%arg7 : memref<!tpu.dma_semaphore, #tpu.memory_space<semaphore_mem>>) src(%arg5 : memref<128xf32, #tpu.memory_space<vmem>>) dst(%dma_wait3A_192 : memref<10240xf32, #tpu.memory_space<vmem_shared>>)
      %dma_wait3A_193 = arith.constant 0 : i32
      %dma_wait3A_194 = arith.constant 0 : i32
      %dma_wait3A_195 = tpu.memref_slice %arg4[%dma_wait3A_193, %dma_wait3A_194] : memref<80x128xi32, #tpu.memory_space<vmem>> -> memref<1x128xi32, #tpu.memory_space<vmem>>
      %dma_wait3A_196 = tpu.memref_squeeze %dma_wait3A_195 : memref<1x128xi32, #tpu.memory_space<vmem>> -> memref<128xi32, #tpu.memory_space<vmem>>
      %dma_wait3A_197 = arith.constant 0 : i32
      %dma_wait3A_198 = tpu.memref_slice %arg6[%dma_wait3A_197] : memref<10240xf32, #tpu.memory_space<vmem_shared>> -> memref<10240xf32, #tpu.memory_space<vmem_shared>>
      tpu.wait_indirect_dma semaphore(%arg7 : memref<!tpu.dma_semaphore, #tpu.memory_space<semaphore_mem>>) src(%arg5 : memref<128xf32, #tpu.memory_space<vmem>>) dst(%dma_wait3A_198 : memref<10240xf32, #tpu.memory_space<vmem_shared>>)
      %dma_wait3A_199 = arith.constant 0 : i32
      %dma_wait3A_200 = arith.constant 0 : i32
      %dma_wait3A_201 = tpu.memref_slice %arg4[%dma_wait3A_199, %dma_wait3A_200] : memref<80x128xi32, #tpu.memory_space<vmem>> -> memref<1x128xi32, #tpu.memory_space<vmem>>
      %dma_wait3A_202 = tpu.memref_squeeze %dma_wait3A_201 : memref<1x128xi32, #tpu.memory_space<vmem>> -> memref<128xi32, #tpu.memory_space<vmem>>
      %dma_wait3A_203 = arith.constant 0 : i32
      %dma_wait3A_204 = tpu.memref_slice %arg6[%dma_wait3A_203] : memref<10240xf32, #tpu.memory_space<vmem_shared>> -> memref<10240xf32, #tpu.memory_space<vmem_shared>>
      tpu.wait_indirect_dma semaphore(%arg7 : memref<!tpu.dma_semaphore, #tpu.memory_space<semaphore_mem>>) src(%arg5 : memref<128xf32, #tpu.memory_space<vmem>>) dst(%dma_wait3A_204 : memref<10240xf32, #tpu.memory_space<vmem_shared>>)
      %dma_wait3A_205 = arith.constant 0 : i32
      %dma_wait3A_206 = arith.constant 0 : i32
      %dma_wait3A_207 = tpu.memref_slice %arg4[%dma_wait3A_205, %dma_wait3A_206] : memref<80x128xi32, #tpu.memory_space<vmem>> -> memref<1x128xi32, #tpu.memory_space<vmem>>
      %dma_wait3A_208 = tpu.memref_squeeze %dma_wait3A_207 : memref<1x128xi32, #tpu.memory_space<vmem>> -> memref<128xi32, #tpu.memory_space<vmem>>
      %dma_wait3A_209 = arith.constant 0 : i32
      %dma_wait3A_210 = tpu.memref_slice %arg6[%dma_wait3A_209] : memref<10240xf32, #tpu.memory_space<vmem_shared>> -> memref<10240xf32, #tpu.memory_space<vmem_shared>>
      tpu.wait_indirect_dma semaphore(%arg7 : memref<!tpu.dma_semaphore, #tpu.memory_space<semaphore_mem>>) src(%arg5 : memref<128xf32, #tpu.memory_space<vmem>>) dst(%dma_wait3A_210 : memref<10240xf32, #tpu.memory_space<vmem_shared>>)
      %dma_wait3A_211 = arith.constant 0 : i32
      %dma_wait3A_212 = arith.constant 0 : i32
      %dma_wait3A_213 = tpu.memref_slice %arg4[%dma_wait3A_211, %dma_wait3A_212] : memref<80x128xi32, #tpu.memory_space<vmem>> -> memref<1x128xi32, #tpu.memory_space<vmem>>
      %dma_wait3A_214 = tpu.memref_squeeze %dma_wait3A_213 : memref<1x128xi32, #tpu.memory_space<vmem>> -> memref<128xi32, #tpu.memory_space<vmem>>
      %dma_wait3A_215 = arith.constant 0 : i32
      %dma_wait3A_216 = tpu.memref_slice %arg6[%dma_wait3A_215] : memref<10240xf32, #tpu.memory_space<vmem_shared>> -> memref<10240xf32, #tpu.memory_space<vmem_shared>>
      tpu.wait_indirect_dma semaphore(%arg7 : memref<!tpu.dma_semaphore, #tpu.memory_space<semaphore_mem>>) src(%arg5 : memref<128xf32, #tpu.memory_space<vmem>>) dst(%dma_wait3A_216 : memref<10240xf32, #tpu.memory_space<vmem_shared>>)
      %dma_wait3A_217 = arith.constant 0 : i32
      %dma_wait3A_218 = arith.constant 0 : i32
      %dma_wait3A_219 = tpu.memref_slice %arg4[%dma_wait3A_217, %dma_wait3A_218] : memref<80x128xi32, #tpu.memory_space<vmem>> -> memref<1x128xi32, #tpu.memory_space<vmem>>
      %dma_wait3A_220 = tpu.memref_squeeze %dma_wait3A_219 : memref<1x128xi32, #tpu.memory_space<vmem>> -> memref<128xi32, #tpu.memory_space<vmem>>
      %dma_wait3A_221 = arith.constant 0 : i32
      %dma_wait3A_222 = tpu.memref_slice %arg6[%dma_wait3A_221] : memref<10240xf32, #tpu.memory_space<vmem_shared>> -> memref<10240xf32, #tpu.memory_space<vmem_shared>>
      tpu.wait_indirect_dma semaphore(%arg7 : memref<!tpu.dma_semaphore, #tpu.memory_space<semaphore_mem>>) src(%arg5 : memref<128xf32, #tpu.memory_space<vmem>>) dst(%dma_wait3A_222 : memref<10240xf32, #tpu.memory_space<vmem_shared>>)
      %dma_wait3A_223 = arith.constant 0 : i32
      %dma_wait3A_224 = arith.constant 0 : i32
      %dma_wait3A_225 = tpu.memref_slice %arg4[%dma_wait3A_223, %dma_wait3A_224] : memref<80x128xi32, #tpu.memory_space<vmem>> -> memref<1x128xi32, #tpu.memory_space<vmem>>
      %dma_wait3A_226 = tpu.memref_squeeze %dma_wait3A_225 : memref<1x128xi32, #tpu.memory_space<vmem>> -> memref<128xi32, #tpu.memory_space<vmem>>
      %dma_wait3A_227 = arith.constant 0 : i32
      %dma_wait3A_228 = tpu.memref_slice %arg6[%dma_wait3A_227] : memref<10240xf32, #tpu.memory_space<vmem_shared>> -> memref<10240xf32, #tpu.memory_space<vmem_shared>>
      tpu.wait_indirect_dma semaphore(%arg7 : memref<!tpu.dma_semaphore, #tpu.memory_space<semaphore_mem>>) src(%arg5 : memref<128xf32, #tpu.memory_space<vmem>>) dst(%dma_wait3A_228 : memref<10240xf32, #tpu.memory_space<vmem_shared>>)
      %dma_wait3A_229 = arith.constant 0 : i32
      %dma_wait3A_230 = arith.constant 0 : i32
      %dma_wait3A_231 = tpu.memref_slice %arg4[%dma_wait3A_229, %dma_wait3A_230] : memref<80x128xi32, #tpu.memory_space<vmem>> -> memref<1x128xi32, #tpu.memory_space<vmem>>
      %dma_wait3A_232 = tpu.memref_squeeze %dma_wait3A_231 : memref<1x128xi32, #tpu.memory_space<vmem>> -> memref<128xi32, #tpu.memory_space<vmem>>
      %dma_wait3A_233 = arith.constant 0 : i32
      %dma_wait3A_234 = tpu.memref_slice %arg6[%dma_wait3A_233] : memref<10240xf32, #tpu.memory_space<vmem_shared>> -> memref<10240xf32, #tpu.memory_space<vmem_shared>>
      tpu.wait_indirect_dma semaphore(%arg7 : memref<!tpu.dma_semaphore, #tpu.memory_space<semaphore_mem>>) src(%arg5 : memref<128xf32, #tpu.memory_space<vmem>>) dst(%dma_wait3A_234 : memref<10240xf32, #tpu.memory_space<vmem_shared>>)
    }
    %scan3A_105 = arith.constant 10 : i32
    %barrier3A_106 = arith.constant 0 : index
    tpu.barrier barrier_id(%barrier3A_106)
    %scan3A_107 = arith.constant 0 : i32
    %scan3A_108 = arith.constant 5 : i32
    %scan3A_109 = arith.addi %scan3A_107, %scan3A_108 : i32
    %scan3A_110 = arith.constant 1 : i32
    scf.for %scan3A_112 = %scan3A_107 to %scan3A_109 step %scan3A_110  : i32 {
      %mul3A_113 = arith.constant 1 : i32
      %mul3A_114 = arith.muli %scan3A_112, %mul3A_113 : i32
      %add3A_115 = arith.constant 0 : i32
      %add3A_116 = arith.addi %add3A_115, %mul3A_114 : i32
      %mul3A_117 = arith.constant 128 : i32
      %mul3A_118 = arith.muli %add3A_116, %mul3A_117 : i32
      %add3A_119 = arith.addi %mul3A_48, %mul3A_118 : i32
      "tpu.region"() ({
        %run_scoped3A = tpu.sem_alloc : memref<!tpu.dma_semaphore, #tpu.memory_space<semaphore_mem>>
        %dma_start3A = tpu.memref_slice %arg6[%add3A_119] : memref<10240xf32, #tpu.memory_space<vmem_shared>> -> memref<128xf32, #tpu.memory_space<vmem_shared>>
        %dma_start3A_120 = tpu.memref_slice %arg6[%add3A_119] : memref<10240xf32, #tpu.memory_space<vmem_shared>> -> memref<128xf32, #tpu.memory_space<vmem_shared>>
        tpu.enqueue_dma source(%dma_start3A_120 : memref<128xf32, #tpu.memory_space<vmem_shared>>) target(%arg5 : memref<128xf32, #tpu.memory_space<vmem>>) target_semaphore(%run_scoped3A : memref<!tpu.dma_semaphore, #tpu.memory_space<semaphore_mem>>)
        %dma_wait3A = tpu.memref_slice %arg6[%add3A_119] : memref<10240xf32, #tpu.memory_space<vmem_shared>> -> memref<128xf32, #tpu.memory_space<vmem_shared>>
        %dma_wait3A_121 = tpu.memref_slice %arg6[%add3A_119] : memref<10240xf32, #tpu.memory_space<vmem_shared>> -> memref<128xf32, #tpu.memory_space<vmem_shared>>
        tpu.wait_dma2 semaphore(%run_scoped3A : memref<!tpu.dma_semaphore, #tpu.memory_space<semaphore_mem>>) src(%dma_wait3A_121 : memref<128xf32, #tpu.memory_space<vmem_shared>>) dst(%arg5 : memref<128xf32, #tpu.memory_space<vmem>>)
        tpu.yield
      }) : () -> ()
      "tpu.region"() ({
        %run_scoped3A = tpu.sem_alloc : memref<!tpu.dma_semaphore, #tpu.memory_space<semaphore_mem>>
        %dma_start3A = tpu.memref_slice %arg3[%arg0, %add3A_119] : memref<2x10240xf32, #tpu.memory_space<hbm>> -> memref<1x128xf32, #tpu.memory_space<hbm>>
        %dma_start3A_120 = tpu.memref_squeeze %dma_start3A : memref<1x128xf32, #tpu.memory_space<hbm>> -> memref<128xf32, #tpu.memory_space<hbm>>
        %dma_start3A_121 = tpu.memref_slice %arg3[%arg0, %add3A_119] : memref<2x10240xf32, #tpu.memory_space<hbm>> -> memref<1x128xf32, #tpu.memory_space<hbm>>
        %dma_start3A_122 = tpu.memref_squeeze %dma_start3A_121 : memref<1x128xf32, #tpu.memory_space<hbm>> -> memref<128xf32, #tpu.memory_space<hbm>>
        tpu.enqueue_dma source(%arg5 : memref<128xf32, #tpu.memory_space<vmem>>) target(%dma_start3A_122 : memref<128xf32, #tpu.memory_space<hbm>>) target_semaphore(%run_scoped3A : memref<!tpu.dma_semaphore, #tpu.memory_space<semaphore_mem>>)
        %dma_wait3A = tpu.memref_slice %arg3[%arg0, %add3A_119] : memref<2x10240xf32, #tpu.memory_space<hbm>> -> memref<1x128xf32, #tpu.memory_space<hbm>>
        %dma_wait3A_123 = tpu.memref_squeeze %dma_wait3A : memref<1x128xf32, #tpu.memory_space<hbm>> -> memref<128xf32, #tpu.memory_space<hbm>>
        %dma_wait3A_124 = tpu.memref_slice %arg3[%arg0, %add3A_119] : memref<2x10240xf32, #tpu.memory_space<hbm>> -> memref<1x128xf32, #tpu.memory_space<hbm>>
        %dma_wait3A_125 = tpu.memref_squeeze %dma_wait3A_124 : memref<1x128xf32, #tpu.memory_space<hbm>> -> memref<128xf32, #tpu.memory_space<hbm>>
        tpu.wait_dma2 semaphore(%run_scoped3A : memref<!tpu.dma_semaphore, #tpu.memory_space<semaphore_mem>>) src(%arg5 : memref<128xf32, #tpu.memory_space<vmem>>) dst(%dma_wait3A_125 : memref<128xf32, #tpu.memory_space<hbm>>)
        tpu.yield
      }) : () -> ()
    }
    %scan3A_111 = arith.constant 5 : i32
    return
  }
}

module attributes {stable_mosaic.version = 14 : i64} {
  func.func @_support_body(%arg0: i32, %arg1: memref<1024x128xf32, #tpu.memory_space<vmem>>, %arg2: memref<128x128xf32, #tpu.memory_space<vmem>>, %arg3: memref<1x128xf32, #tpu.memory_space<vmem>>, %arg4: memref<1024x1xf32, #tpu.memory_space<vmem>>, %arg5: memref<1024x1xf32, #tpu.memory_space<vmem>>, %arg6: memref<2x1024x64xf32, #tpu.memory_space<vmem>>, %arg7: memref<1024x1xf32, #tpu.memory_space<vmem>>) attributes {dimension_semantics = [#tpu.dimension_semantics<arbitrary>], iteration_bounds = array<i64: 10>, scalar_prefetch = 0 : i64, scratch_operands = 0 : i64, tpu.core_type = #tpu.core_type<tc>, window_params = [{transform_indices = @transform_0, window_bounds = array<i64: 1024, 128>}, {pipeline_mode = #tpu.pipeline_mode<synchronous>, transform_indices = @transform_1, window_bounds = array<i64: 128, 128>}, {pipeline_mode = #tpu.pipeline_mode<synchronous>, transform_indices = @transform_2, window_bounds = array<i64: 1, 128>}, {transform_indices = @transform_3, window_bounds = array<i64: 1024, 1>}, {transform_indices = @transform_4, window_bounds = array<i64: 1024, 1>}, {transform_indices = @transform_5, window_bounds = array<i64: 2, 1024, 64>}, {transform_indices = @transform_6, window_bounds = array<i64: 1024, 1>}]} {
    %get3A = arith.constant 0 : index
    %get3A_0 = arith.constant 0 : index
    %get3A_1 = vector.load %arg4[%get3A, %get3A_0] : memref<1024x1xf32, #tpu.memory_space<vmem>>, vector<1024x1xf32>
    %add3A = arith.constant 1.000000e+00 : f32
    %add3A_2 = vector.broadcast %add3A : f32 to vector<1024x1xf32>
    %add3A_3 = arith.addf %add3A_2, %get3A_1 : vector<1024x1xf32>
    %get3A_4 = arith.constant 0 : index
    %get3A_5 = arith.constant 0 : index
    %get3A_6 = vector.load %arg5[%get3A_4, %get3A_5] : memref<1024x1xf32, #tpu.memory_space<vmem>>, vector<1024x1xf32>
    %add3A_7 = arith.addf %add3A_3, %get3A_6 : vector<1024x1xf32>
    %rsqrt3A = math.rsqrt %add3A_7 : vector<1024x1xf32>
    %get3A_8 = arith.constant 0 : index
    %get3A_9 = arith.constant 0 : index
    %get3A_10 = vector.load %arg1[%get3A_8, %get3A_9] : memref<1024x128xf32, #tpu.memory_space<vmem>>, vector<1024x128xf32>
    %get3A_11 = arith.constant 0 : index
    %get3A_12 = arith.constant 0 : index
    %get3A_13 = vector.load %arg2[%get3A_11, %get3A_12] : memref<128x128xf32, #tpu.memory_space<vmem>>, vector<128x128xf32>
    %dot_general3A = arith.constant dense<0.000000e+00> : vector<1024x128xf32>
    %dot_general3A_14 = tpu.matmul %get3A_10, %get3A_13, %dot_general3A {dimension_numbers = #tpu.dot_dimension_numbers<[1], [0], [0], [1], [0, 0, 1, 1], [], []>, transpose_lhs_hint = false} : vector<1024x128xf32>, vector<128x128xf32>, vector<1024x128xf32> -> vector<1024x128xf32>
    %get3A_15 = arith.constant 0 : index
    %get3A_16 = arith.constant 0 : index
    %get3A_17 = vector.load %arg3[%get3A_15, %get3A_16] : memref<1x128xf32, #tpu.memory_space<vmem>>, vector<1x128xf32>
    %add3A_18 = vector.broadcast %get3A_17 : vector<1x128xf32> to vector<1024x128xf32>
    %add3A_19 = arith.addf %dot_general3A_14, %add3A_18 : vector<1024x128xf32>
    %mul3A = vector.broadcast %rsqrt3A : vector<1024x1xf32> to vector<1024x128xf32>
    %mul3A_20 = arith.mulf %mul3A, %add3A_19 : vector<1024x128xf32>
    %slice3A = vector.extract_strided_slice %mul3A_20 {offsets = [0, 0], sizes = [1024, 64], strides = [1, 1]} : vector<1024x128xf32> to vector<1024x64xf32>
    %swap3A = arith.constant 0 : index
    %swap3A_21 = arith.constant 0 : index
    %swap3A_22 = arith.constant 0 : index
    %swap3A_23 = vector.load %arg6[%swap3A, %swap3A_21, %swap3A_22] : memref<2x1024x64xf32, #tpu.memory_space<vmem>>, vector<1x1024x64xf32>
    %swap3A_24 = vector.shape_cast %swap3A_23 : vector<1x1024x64xf32> to vector<1024x64xf32>
    %swap3A_25 = vector.shape_cast %slice3A : vector<1024x64xf32> to vector<1x1024x64xf32>
    tpu.vector_store %arg6[%swap3A, %swap3A_21, %swap3A_22], %swap3A_25 {strides = array<i32>} : memref<2x1024x64xf32, #tpu.memory_space<vmem>>, vector<1x1024x64xf32>,
    %slice3A_26 = vector.extract_strided_slice %mul3A_20 {offsets = [0, 64], sizes = [1024, 64], strides = [1, 1]} : vector<1024x128xf32> to vector<1024x64xf32>
    %swap3A_27 = arith.constant 1 : index
    %swap3A_28 = arith.constant 0 : index
    %swap3A_29 = arith.constant 0 : index
    %swap3A_30 = vector.load %arg6[%swap3A_27, %swap3A_28, %swap3A_29] : memref<2x1024x64xf32, #tpu.memory_space<vmem>>, vector<1x1024x64xf32>
    %swap3A_31 = vector.shape_cast %swap3A_30 : vector<1x1024x64xf32> to vector<1024x64xf32>
    %swap3A_32 = vector.shape_cast %slice3A_26 : vector<1024x64xf32> to vector<1x1024x64xf32>
    tpu.vector_store %arg6[%swap3A_27, %swap3A_28, %swap3A_29], %swap3A_32 {strides = array<i32>} : memref<2x1024x64xf32, #tpu.memory_space<vmem>>, vector<1x1024x64xf32>,
    %swap3A_33 = arith.constant 0 : index
    %swap3A_34 = arith.constant 0 : index
    %swap3A_35 = vector.load %arg7[%swap3A_33, %swap3A_34] : memref<1024x1xf32, #tpu.memory_space<vmem>>, vector<1024x1xf32>
    tpu.vector_store %arg7[%swap3A_33, %swap3A_34], %rsqrt3A {strides = array<i32>} : memref<1024x1xf32, #tpu.memory_space<vmem>>, vector<1024x1xf32>,
    return
  }
  func.func @transform_0(%arg0: i32) -> (i32, i32) {
    %c0_i32 = arith.constant 0 : i32
    %c0_i32_0 = arith.constant 0 : i32
    return %arg0, %c0_i32 : i32, i32
  }
  func.func @transform_1(%arg0: i32) -> (i32, i32) {
    %c0_i32 = arith.constant 0 : i32
    %c0_i32_0 = arith.constant 0 : i32
    %c0_i32_1 = arith.constant 0 : i32
    return %c0_i32, %c0_i32_0 : i32, i32
  }
  func.func @transform_2(%arg0: i32) -> (i32, i32) {
    %c0_i32 = arith.constant 0 : i32
    %c0_i32_0 = arith.constant 0 : i32
    %c0_i32_1 = arith.constant 0 : i32
    return %c0_i32, %c0_i32_0 : i32, i32
  }
  func.func @transform_3(%arg0: i32) -> (i32, i32) {
    %c0_i32 = arith.constant 0 : i32
    %c0_i32_0 = arith.constant 0 : i32
    return %arg0, %c0_i32 : i32, i32
  }
  func.func @transform_4(%arg0: i32) -> (i32, i32) {
    %c0_i32 = arith.constant 0 : i32
    %c0_i32_0 = arith.constant 0 : i32
    return %arg0, %c0_i32 : i32, i32
  }
  func.func @transform_5(%arg0: i32) -> (i32, i32, i32) {
    %c0_i32 = arith.constant 0 : i32
    %c0_i32_0 = arith.constant 0 : i32
    %c0_i32_1 = arith.constant 0 : i32
    return %c0_i32, %arg0, %c0_i32_0 : i32, i32, i32
  }
  func.func @transform_6(%arg0: i32) -> (i32, i32) {
    %c0_i32 = arith.constant 0 : i32
    %c0_i32_0 = arith.constant 0 : i32
    return %arg0, %c0_i32 : i32, i32
  }
}

module attributes {stable_mosaic.version = 14 : i64} {
  func.func @_combine_cs_body(%arg0: i32, %arg1: memref<2x1024x64xf32, #tpu.memory_space<vmem>>, %arg2: memref<2x1024x64xf32, #tpu.memory_space<vmem>>, %arg3: memref<1024x1xf32, #tpu.memory_space<vmem>>, %arg4: memref<1024x128xf32, #tpu.memory_space<vmem>>) attributes {dimension_semantics = [#tpu.dimension_semantics<arbitrary>], iteration_bounds = array<i64: 10>, scalar_prefetch = 0 : i64, scratch_operands = 0 : i64, tpu.core_type = #tpu.core_type<tc>, window_params = [{transform_indices = @transform_0, window_bounds = array<i64: 2, 1024, 64>}, {transform_indices = @transform_1, window_bounds = array<i64: 2, 1024, 64>}, {transform_indices = @transform_2, window_bounds = array<i64: 1024, 1>}, {transform_indices = @transform_3, window_bounds = array<i64: 1024, 128>}]} {
    %get3A = arith.constant 0 : index
    %get3A_0 = arith.constant 0 : index
    %get3A_1 = arith.constant 0 : index
    %get3A_2 = vector.load %arg1[%get3A, %get3A_0, %get3A_1] : memref<2x1024x64xf32, #tpu.memory_space<vmem>>, vector<1x1024x64xf32>
    %get3A_3 = vector.shape_cast %get3A_2 : vector<1x1024x64xf32> to vector<1024x64xf32>
    %get3A_4 = arith.constant 0 : index
    %get3A_5 = arith.constant 0 : index
    %get3A_6 = arith.constant 0 : index
    %get3A_7 = vector.load %arg2[%get3A_4, %get3A_5, %get3A_6] : memref<2x1024x64xf32, #tpu.memory_space<vmem>>, vector<1x1024x64xf32>
    %get3A_8 = vector.shape_cast %get3A_7 : vector<1x1024x64xf32> to vector<1024x64xf32>
    %add3A = arith.addf %get3A_3, %get3A_8 : vector<1024x64xf32>
    %get3A_9 = arith.constant 1 : index
    %get3A_10 = arith.constant 0 : index
    %get3A_11 = arith.constant 0 : index
    %get3A_12 = vector.load %arg1[%get3A_9, %get3A_10, %get3A_11] : memref<2x1024x64xf32, #tpu.memory_space<vmem>>, vector<1x1024x64xf32>
    %get3A_13 = vector.shape_cast %get3A_12 : vector<1x1024x64xf32> to vector<1024x64xf32>
    %get3A_14 = arith.constant 1 : index
    %get3A_15 = arith.constant 0 : index
    %get3A_16 = arith.constant 0 : index
    %get3A_17 = vector.load %arg2[%get3A_14, %get3A_15, %get3A_16] : memref<2x1024x64xf32, #tpu.memory_space<vmem>>, vector<1x1024x64xf32>
    %get3A_18 = vector.shape_cast %get3A_17 : vector<1x1024x64xf32> to vector<1024x64xf32>
    %add3A_19 = arith.addf %get3A_13, %get3A_18 : vector<1024x64xf32>
    %concatenate3A = tpu.concatenate %add3A, %add3A_19 in 1 : vector<1024x64xf32>, vector<1024x64xf32> -> vector<1024x128xf32>
    %get3A_20 = arith.constant 0 : index
    %get3A_21 = arith.constant 0 : index
    %get3A_22 = vector.load %arg3[%get3A_20, %get3A_21] : memref<1024x1xf32, #tpu.memory_space<vmem>>, vector<1024x1xf32>
    %mul3A = vector.broadcast %get3A_22 : vector<1024x1xf32> to vector<1024x128xf32>
    %mul3A_23 = arith.mulf %mul3A, %concatenate3A : vector<1024x128xf32>
    %swap3A = arith.constant 0 : index
    %swap3A_24 = arith.constant 0 : index
    %swap3A_25 = vector.load %arg4[%swap3A, %swap3A_24] : memref<1024x128xf32, #tpu.memory_space<vmem>>, vector<1024x128xf32>
    tpu.vector_store %arg4[%swap3A, %swap3A_24], %mul3A_23 {strides = array<i32>} : memref<1024x128xf32, #tpu.memory_space<vmem>>, vector<1024x128xf32>,
    return
  }
  func.func @transform_0(%arg0: i32) -> (i32, i32, i32) {
    %c0_i32 = arith.constant 0 : i32
    %c0_i32_0 = arith.constant 0 : i32
    %c0_i32_1 = arith.constant 0 : i32
    return %c0_i32, %arg0, %c0_i32_0 : i32, i32, i32
  }
  func.func @transform_1(%arg0: i32) -> (i32, i32, i32) {
    %c0_i32 = arith.constant 0 : i32
    %c0_i32_0 = arith.constant 0 : i32
    %c0_i32_1 = arith.constant 0 : i32
    return %c0_i32, %arg0, %c0_i32_0 : i32, i32, i32
  }
  func.func @transform_2(%arg0: i32) -> (i32, i32) {
    %c0_i32 = arith.constant 0 : i32
    %c0_i32_0 = arith.constant 0 : i32
    return %arg0, %c0_i32 : i32, i32
  }
  func.func @transform_3(%arg0: i32) -> (i32, i32) {
    %c0_i32 = arith.constant 0 : i32
    %c0_i32_0 = arith.constant 0 : i32
    return %arg0, %c0_i32 : i32, i32
  }
}

</mosaic_0001>

<sc_bundles>
// kernel: kernel.6.cloned.1.call-start
scs
__scs_entry_jumppad:
0x0: {  	(pc) =	sbr.rel $0x88, $3  }
0x1: {  	(tag) =	ssettag $0x0;
	lr =	simm.s32 $0x1  }
0x2: {  	[smem:$0x3F9D] =	sst lr;
	_ =	strace $0xD0000000  }
0x3: {  	_ = 	snop  }
0x4: {  	_ = 	snop  }
0x5: {  	_ = 	snop  }
0x6: {  	_ = 	snop  }
0x7: {  	_ = 	snop  }
__scs_overlays_trampoline_lowered:
0x8: {  	[smem:$0x3FAC] =	sst s0  }
0x9: {  	[smem:$0x3FAD] =	sst s1  }
0xa: {  	[smem:$0x3FAE] =	sst s2  }
0xb: {  	[smem:$0x3FAF] =	sst s3  }
0xc: {  	[smem:$0x3FB0] =	sst s4  }
0xd: {  	[smem:$0x3FB1] =	sst s5  }
0xe: {  	[smem:$0x3FB2] =	sst s6  }
0xf: {  	[smem:$0x3FB3] =	sst s7  }
0x10: {  	[smem:$0x3FB4] =	sst s8  }
0x11: {  	[smem:$0x3FB5] =	sst s9;
	s0 =	simm.s32 @!p0 $0x0  }
0x12: {  	s1 =	sld [smem:$0x3F9B];
	s0 =	simm.s32 @p0 $0x1  }
0x13: {  	[smem:$0x3FB6] =	sst s0;
	s0 =	simm.s32 @!p1 $0x0  }
0x14: {  	s2 =	sld [smem:$0x3F9A];
	s0 =	simm.s32 @p1 $0x1  }
0x15: {  	[smem:$0x3FB7] =	sst s0;
	s0 =	simm.s32 @!p2 $0x0  }
0x16: {  	s3 =	sld [smem:$0x3FDB];
	s0 =	simm.s32 @p2 $0x1  }
0x17: {  	s4 =	simm.s32 $0x1BF5;
	[smem:$0x3FB9] =	sst s0  }
0x18: {  	s0 =	sld [smem:$0x3F9C];
	_ =	swait.ge [sflag:s4], $0x0  }
0x19: {  	s7 =	sld [smem:$0x3F9D]  }
0x1a: {  	s8 =	sadd.s32 $0xFFFFE003, lr  }
0x1b: {  	s9 =	sadd.s32 $0xFFFFFEF7, lr;
	s5 =	simm.s32 $0xFFFFFFFF;
	p2 =	slt.u32 s8, $0xFFFFF086  }
0x1c: {  	p1 =	slt.u32 s9, $0xF7A;
	s5 =	simm.s32 @!p2 $0x0  }
0x1d: {  	s5 =	simm.s32 @p1 $0x1;
	p0 =	seq.s32 s7, s2  }
0x1e: {  	s7 =	smul.u32 @!p0 $0xF7A, s2;
	p2 =	seq.s32 @!p0 s5, $0x0  }
0x1f: {  	s9 =	smul.u32 $0xF7A, s1;
	s8 =	simm.s32 @!p0 $0x1BF5;
	p2 =	por !p2, p0  }
0x20: {  	[sflag:s8] =	ssyncset.s32 @!p0 $0xFFFFF086;
	s6 =	sadd.s32 @!p0 s3, s7;
	s7 =	simm.s32 @!p0 $0x108  }
0x21: {  	s3 =	sadd.s32 s3, s9;
	s6 =	sadd.s32 @!p0 $0x88, s6;
	s7 =	simm.s32 @p2 $0x1082  }
0x22: {  	[simem:s7], [sflag:s8] =	dma.local @!p0 [hbm:s6], $0xF7A  }
0x23: {  	s9 =	sor.u32 $0xD0000000, s2;
	s6 =	simm.s32 $0x108;
	_ =	swait.ge @!p0 [sflag:s8], $0x0  }
0x24: {  	s3 =	sadd.s32 $0x88, s3;
	s6 =	simm.s32 @!p1 $0x1082;
	[sflag:s4] =	ssyncset.s32 $0xFFFFF086  }
0x25: {  	[simem:s6], [sflag:s4] =	dma.local [hbm:s3], $0xF7A  }
0x26: {  	[smem:$0x3F9D] =	sst s1;
	(tag) =	ssettag s2;
	_ =	strace s9  }
0x27: {  	s1 =	sld [smem:$0x3FAD]  }
0x28: {  	s2 =	sld [smem:$0x3FAE]  }
0x29: {  	s4 =	sld [smem:$0x3FB0]  }
0x2a: {  	p0 =	seq.s32 s5, $0x0;
	s5 =	sld [smem:$0x3FB1]  }
0x2b: {  	s6 =	sld [smem:$0x3FB2]  }
0x2c: {  	s7 =	sld [smem:$0x3FB3]  }
0x2d: {  	s3 =	simm.s32 $0x108;
	s8 =	sld [smem:$0x3FB4]  }
0x2e: {  	s3 =	simm.s32 @!p0 $0x1082;
	s9 =	sld [smem:$0x3FB5]  }
0x2f: {  	lr =	sadd.s32 s0, s3;
	s0 =	sld [smem:$0x3FAC]  }
0x30: {  	s3 =	sld [smem:$0x3FAF]  }
0x31: {  	[smem:$0x3FB8] =	sst s10  }
0x32: {  	s10 =	sld [smem:$0x3FB6];
	_ =	sdelay $0x3  }
0x33: {  	p0 =	seq.s32 s10, $0x1;
	s10 =	sld [smem:$0x3FB8];
	_ =	sdelay $0x3  }
0x34: {  	[smem:$0x3FB8] =	sst s10  }
0x35: {  	s10 =	sld [smem:$0x3FB7];
	_ =	sdelay $0x3  }
0x36: {  	p1 =	seq.s32 s10, $0x1;
	s10 =	sld [smem:$0x3FB8];
	_ =	sdelay $0x3  }
0x37: {  	[smem:$0x3FB8] =	sst s10  }
0x38: {  	s10 =	sld [smem:$0x3FB9]  }
0x39: {  	_ = 	snop;
	(pc) =	sbr.ind lr, $3  }
0x3a: {  	_ = 	snop  }
0x3b: {  	_ = 	snop  }
0x3c: {  	p2 =	seq.s32 s10, $0x1;
	s10 =	sld [smem:$0x3FB8]  }
0x3d: {  	_ =	shalt  }
0x3e: {  	_ =	shalt  }
0x3f: {  	_ =	shalt  }
0x40: {  	_ =	shalt  }
0x41: {  	_ =	shalt  }
0x42: {  	_ =	shalt  }
0x43: {  	_ =	shalt  }
0x44: {  	_ =	shalt  }
0x45: {  	_ =	shalt  }
0x46: {  	_ =	shalt  }
0x47: {  	_ =	shalt  }
0x48: {  	_ =	shalt  }
0x49: {  	_ =	shalt  }
0x4a: {  	_ =	shalt  }
0x4b: {  	_ =	shalt  }
0x4c: {  	_ =	shalt  }
0x4d: {  	_ =	shalt  }
0x4e: {  	_ =	shalt  }
0x4f: {  	_ =	shalt  }
0x50: {  	_ =	shalt  }
0x51: {  	_ =	shalt  }
0x52: {  	_ =	shalt  }
0x53: {  	_ =	shalt  }
0x54: {  	_ =	shalt  }
0x55: {  	_ =	shalt  }
0x56: {  	_ =	shalt  }
0x57: {  	_ =	shalt  }
0x58: {  	_ =	shalt  }
0x59: {  	_ =	shalt  }
0x5a: {  	_ =	shalt  }
0x5b: {  	_ =	shalt  }
0x5c: {  	_ =	shalt  }
0x5d: {  	_ =	shalt  }
0x5e: {  	_ =	shalt  }
0x5f: {  	_ =	shalt  }
0x60: {  	_ =	shalt  }
0x61: {  	_ =	shalt  }
0x62: {  	_ =	shalt  }
0x63: {  	_ =	shalt  }
0x64: {  	_ =	shalt  }
0x65: {  	_ =	shalt  }
0x66: {  	_ =	shalt  }
0x67: {  	_ =	shalt  }
0x68: {  	_ =	shalt  }
0x69: {  	_ =	shalt  }
0x6a: {  	_ =	shalt  }
0x6b: {  	_ =	shalt  }
0x6c: {  	_ =	shalt  }
0x6d: {  	_ =	shalt  }
0x6e: {  	_ =	shalt  }
0x6f: {  	_ =	shalt  }
0x70: {  	_ =	shalt  }
0x71: {  	_ =	shalt  }
0x72: {  	_ =	shalt  }
0x73: {  	_ =	shalt  }
0x74: {  	_ =	shalt  }
0x75: {  	_ =	shalt  }
0x76: {  	_ =	shalt  }
0x77: {  	_ =	shalt  }
0x78: {  	_ =	shalt  }
0x79: {  	_ =	shalt  }
0x7a: {  	_ =	shalt  }
0x7b: {  	_ =	shalt  }
0x7c: {  	_ =	shalt  }
0x7d: {  	_ =	shalt  }
0x7e: {  	_ =	shalt  }
0x7f: {  	_ =	shalt  }
0x80: {  	_ =	shalt  }
0x81: {  	_ =	shalt  }
0x82: {  	_ =	shalt  }
0x83: {  	_ =	shalt  }
0x84: {  	_ =	shalt  }
0x85: {  	_ =	shalt  }
0x86: {  	_ =	shalt  }
0x87: {  	_ =	shalt  }
.Lfunc_end0:
.L_simem_size_0:
called_computation_lowered:
.L_overlay_start_0:
0x88: {  	s2 =	sld [smem:$0x3FD9]  }
0x89: {  	s3 =	sld [smem:$0x3FFE];
	_ =	sdelay $0x1  }
0x8a: {  	s1 =	srdreg.scid  }
0x8b: {  	s0 =	sand.u32 $0x1, s1  }
0x8c: {  	s17 =	sshll.u32 s0, $0xA;
	s2 =	sadd.s32 s3, s2  }
0x8d: {  	s2 =	sadd.s32 s2, s17  }
0x8e: {  	[smem:$0x3FC4] =	sst s2  }
0x8f: {  	_ = 	snop  }
0x90: {  	s2 =	sld [smem:$0x3FD0];
	(tm) =	ssettm $0x1  }
0x91: {  	s18 =	sld [smem:$0x3FFB];
	_ =	sdelay $0x3  }
0x92: {  	_ =	strace s18  }
0x93: {  	s3 =	sld [smem:$0x3FFC];
	_ =	sdelay $0x3  }
0x94: {  	_ =	strace s3  }
0x95: {  	s3 =	sld [smem:$0x3FFD];
	_ =	sdelay $0x3  }
0x96: {  	_ =	strace s3  }
0x97: {  	_ =	strace $0x8FFFFFFF  }
0x98: {  	s19 =	sld [smem:$0x3FDB];
	_ =	sdelay $0x1  }
0x99: {  	s4 =	simm.s32 $_scs_section_size  }
0x9a: {  	s5 =	simm.s32 $_size__tile_overlayer_lowered;
	s6 =	simm.s32 $_tile_overlayer_lowered  }
0x9b: {  	s22 =	simm.s32 $0x1BFF;
	s21 =	sshll.u32 s6, $0x1;
	s3 =	sadd.s32 s4, s19  }
0x9c: {  	s7 =	simm.s32 $0x0;
	s20 =	sshll.u32 s5, $0x1;
	s5 =	sadd.s32 s21, s3  }
0x9d: {  	[timem:s7], [sflag:s22] =	dma.local [hbm:s5], s20  }
0x9e: {  	_ =	swait.ge [sflag:s22], s20  }
0x9f: {  	s4 =	ssub.s32 $0x0, s20;
	[sflag:s22] =	ssyncset.done $0x0  }
0xa0: {  	[sflag:s22] =	ssyncadd.s32 s4;
	_ =	sdelay $0x1  }
0xa1: {  	s23 =	simm.s32 $0x1B8B  }
0xa2: {  	_ =	swait.ge [sflag:s23], $0x1  }
0xa3: {  	[sflag:s23] =	ssyncset.done $0x0  }
0xa4: {  	s25 =	simm.s32 $0x1B8E;
	s24 =	sld [smem:$0x3FFE];
	[sflag:s23] =	ssyncadd.s32 $0xFFFFFFFF  }
0xa5: {  	s26 =	simm.s32 $execute0_lowered;
	[smem:$0x3FD2] =	sst s25  }
0xa6: {  	s5 =	sshll.u32 s26, $0x1;
	_ =	strace $0x80000046;
	[dreg:$0x1] =	wrdreg $0xFFFFFFFF  }
0xa7: {  	s28 =	simm.s32 $_size_execute0_lowered;
	s3 =	sadd.s32 s3, s5;
	[dreg:$0x0] =	wrdreg $0x0  }
0xa8: {  	s5 =	sshll.u32 s28, $0x1;
	[dreg:$0x2] =	wrdreg s3  }
0xa9: {  	[dreg:$0x3] =	wrdreg s5  }
0xaa: {  	[dreg:$0x4] =	wrdreg $0xC0  }
0xab: {  	_ =	task [dreg:s7], $0x5FFFF  }
0xac: {  	[dreg:$0x1] =	wrdreg $0xFFFFFFFF  }
0xad: {  	[dreg:$0x0] =	wrdreg $0x60  }
0xae: {  	[dreg:$0x2] =	wrdreg s2  }
0xaf: {  	[dreg:$0x3] =	wrdreg s24  }
0xb0: {  	[dreg:$0x4] =	wrdreg $0x28800  }
0xb1: {  	[dreg:$0x5] =	wrdreg $0x9  }
0xb2: {  	_ =	task.clear_ibuf [dreg:s7], $0x6FFFF;
	_ =	strace $0x90000046  }
0xb3: {  	s29 =	simm.s32 $0x9;
	_ =	strace $0x80000048  }
0xb4: {  	_ =	swait.ge [sflag:s29], $0x1  }
0xb5: {  	[sflag:s29] =	ssyncadd.s32 $0xFFFFFFFF  }
0xb6: {  	_ =	strace $0x90000048  }
0xb7: {  	_ =	sfence  }
0xb8: {  	s30 =	sld [smem:$0x0];
	_ =	sdelay $0x2  }
0xb9: {  	s31 =	sshll.u32 s1, $0xD;
	s1 =	sshrl.u32 s1, $0x2  }
0xba: {  	s3 =	sand.u32 $0x4000, s31;
	s1 =	sadd.s32 s1, s30  }
0xbb: {  	s0 =	sor.u32 s3, s0;
	s1 =	sshll.u32 s1, $0x11  }
0xbc: {  	s0 =	sor.u32 s1, s0  }
0xbd: {  	s0 =	sadd.s32 $0x8F2B, s0  }
0xbe: {  	[sflag:s0] =	ssyncadd.remote.s32 $0x1  }
0xbf: {  	_ =	sfence.sel $0xFFFF  }
0xc0: {  	[dreg:$0x0] =	wrdreg $0xFFFFFFFF;
	(pc) =	sbr.abs _section_cstart, $3  }
0xc1: {  	[dreg:$0x1] =	wrdreg $0xFFFFFFFF  }
0xc2: {  	_ =	task.clear_ibuf [dreg:s7], $0x2FFFF;
	_ =	strace $0x9FFFFFFF  }
0xc3: {  	(tm) =	ssettm $0x7FFFFFFF  }
tec
execute0_lowered:
.L_overlay_start_1:
0x0: {  	(tag) =	ssettag $0x1  }
0x1: {  	s5 =	rddreg [dreg:$0x0]  }
0x2: {  	s4 =	rddreg [dreg:$0x1]  }
0x3: {  	s1 =	rddreg [dreg:$0x2]  }
0x4: {  	s2 =	srdreg.scid;
	s0 =	rddreg [dreg:$0x3];
	s3 =	simm.s32 $0x0  }
0x5: {  	s22 =	simm.s32 $0x2;
	s23 =	simm.s32 $0x80;
	s24 =	simm.s32 $0x1  }
0x6: {  	s25 =	simm.s32 $0x0;
	s6 =	sand.u32 $0x1, s2;
	s2 =	stileid.u32  }
0x7: {  	[smem:$0x7FF] =	sst s3;
	s7 =	sshll.u32 s6, $0x4;
	s11 =	smul.u32 $0x280, s2  }
0x8: {  	_ =	strace $0x80000047;
	s6 =	ssub.s32 $0x2, s6;
	s9 =	smul.u32 $0xA00, s2  }
0x9: {  	s8 =	sor.u32 s2, s7;
	s7 =	sadd.s32 s7, s4;
	s28 =	sshrl.u32 s6, $0x1  }
0xa: {  	s8 =	smul.u32 $0x500, s8;
	s10 =	ssub.s32 s6, s28;
	s4 =	sadd.s32 s11, s1  }
0xb: {  	s17 =	sshrl.u32 s11, $0x7;
	s20 =	sadd.s32 $0xA00, s7;
	s29 =	sshrl.u32 s9, $0x2  }
0xc: {  	s12 =	sshrl.u32 s11, $0x2;
	s6 =	sadd.s32 s29, s1;
	s7 =	smax.u32 s10, $0x1  }
0xd: {  	s9 =	sadd.s32 $0x100, s4;
	s10 =	sadd.s32 $0x180, s4;
	s11 =	sadd.s32 $0x200, s4  }
0xe: {  	s12 =	sadd.s32 s12, s20;
	s13 =	sadd.s32 $0x1, s17;
	s16 =	sadd.s32 $0x2, s17  }
0xf: {  	s18 =	sadd.s32 $0x3, s17;
	s21 =	sadd.s32 $0x4, s17;
	s5 =	sadd.s32 s5, s8  }
0x10: {  	s8 =	sadd.s32 $0x80, s4;
	s14 =	sshll.u32 s13, $0x7;
	s15 =	sshll.u32 s13, $0x5  }
0x11: {  	s30 =	sshll.u32 s16, $0x7;
	s16 =	sshll.u32 s16, $0x5;
	s19 =	sshll.u32 s18, $0x7  }
0x12: {  	s18 =	sshll.u32 s18, $0x5;
	s31 =	sshll.u32 s21, $0x7;
	s21 =	sshll.u32 s21, $0x5  }
0x13: {  	s13 =	sadd.s32 s14, s1;
	s14 =	sadd.s32 s15, s20;
	s15 =	sadd.s32 s30, s1  }
0x14: {  	s16 =	sadd.s32 s16, s20;
	s17 =	sadd.s32 s19, s1;
	s18 =	sadd.s32 s18, s20  }
0x15: {  	v0 =	vimm.f32 $0.0e+00;
	v1 =	vimm.f32 $1.000000000e+00;
	s19 =	sadd.s32 s31, s1;
	s20 =	sadd.s32 s21, s20;
	s21 =	simm.s32 $0x2800  }
.LBB2_1:
0x16: {  	[tilespmem:$0x2800] =	vst v0  }
0x17: {  	[tilespmem:$0x2810] =	vst v0  }
0x18: {  	[tilespmem:$0x2820] =	vst v0  }
0x19: {  	[tilespmem:$0x2830] =	vst v0  }
0x1a: {  	[tilespmem:$0x2840] =	vst v0  }
0x1b: {  	[tilespmem:$0x2850] =	vst v0  }
0x1c: {  	[tilespmem:$0x2860] =	vst v0  }
0x1d: {  	[tilespmem:$0x2870] =	vst v0  }
0x1e: {  	[spmem:s4] =	stream.linear.scatter [tilespmem:s21], [sflag:$0x2], $0x80, $0x38;
	[tilespmem:$0x2B00] =	vst v63  }
0x1f: {  	_ =	swait.ge [sflag:s22], $0x80  }
0x20: {  	[sflag:s22] =	ssyncset.done $0x0  }
0x21: {  	[sflag:s22] =	ssyncadd.s32 $0xFFFFFF80  }
0x22: {  	[spmem:s8] =	stream.linear.scatter [tilespmem:s21], [sflag:$0x2], $0x80, $0x38;
	[tilespmem:$0x2B00] =	vst v63  }
0x23: {  	_ =	swait.ge [sflag:s22], $0x80  }
0x24: {  	[sflag:s22] =	ssyncset.done $0x0  }
0x25: {  	[sflag:s22] =	ssyncadd.s32 $0xFFFFFF80  }
0x26: {  	[spmem:s9] =	stream.linear.scatter [tilespmem:s21], [sflag:$0x2], $0x80, $0x38;
	[tilespmem:$0x2B00] =	vst v63  }
0x27: {  	_ =	swait.ge [sflag:s22], $0x80  }
0x28: {  	[sflag:s22] =	ssyncset.done $0x0  }
0x29: {  	[sflag:s22] =	ssyncadd.s32 $0xFFFFFF80  }
0x2a: {  	[spmem:s10] =	stream.linear.scatter [tilespmem:s21], [sflag:$0x2], $0x80, $0x38;
	[tilespmem:$0x2B00] =	vst v63  }
0x2b: {  	_ =	swait.ge [sflag:s22], $0x80  }
0x2c: {  	[sflag:s22] =	ssyncset.done $0x0  }
0x2d: {  	[sflag:s22] =	ssyncadd.s32 $0xFFFFFF80  }
0x2e: {  	[spmem:s11] =	stream.linear.scatter [tilespmem:s21], [sflag:$0x2], $0x80, $0x38;
	[tilespmem:$0x2B00] =	vst v63  }
0x2f: {  	_ =	swait.ge [sflag:s22], $0x80  }
0x30: {  	[sflag:s22] =	ssyncset.done $0x0  }
0x31: {  	[sflag:s22] =	ssyncadd.s32 $0xFFFFFF80  }
0x32: {  	[tilespmem:s3], [sflag:$0x2] =	stream.linear.gather [hbm4b:s5+s3], $0x2800, $0x38;
	[tilespmem:$0x2B00] =	vst v63  }
0x33: {  	_ =	swait.ge [sflag:s22], $0x2800  }
0x34: {  	[sflag:s22] =	ssyncset.done $0x0  }
0x35: {  	[sflag:s22] =	ssyncadd.s32 $0xFFFFD800  }
0x36: {  	[tilespmem:$0x2800] =	vst v1  }
0x37: {  	[tilespmem:$0x2810] =	vst v1  }
0x38: {  	[tilespmem:$0x2820] =	vst v1  }
0x39: {  	[tilespmem:$0x2830] =	vst v1  }
0x3a: {  	[tilespmem:$0x2840] =	vst v1  }
0x3b: {  	[tilespmem:$0x2850] =	vst v1  }
0x3c: {  	[tilespmem:$0x2860] =	vst v1  }
0x3d: {  	[tilespmem:$0x2870] =	vst v1  }
0x3e: {  	s26 =	simm.s32 $0x0;
	[bflag:$0x0] =	sbarrier.arrive $0xFFFF  }
0x3f: {  	[spmem:s1] =	stream.indirect.scatter.add.f32 [tilespmem:s21], [sflag:$0x1], $0x1, s26, s23, $0xb8;
	[tilespmem:$0x2B00] =	vst v63  }
0x40: {  	s31 =	simm.s32 $0x80  }
0x41: {  	[spmem:s1] =	stream.indirect.scatter.add.f32 [tilespmem:s21], [sflag:$0x1], $0x1, s31, s23, $0xb8;
	[tilespmem:$0x2B00] =	vst v63  }
0x42: {  	s28 =	simm.s32 $0x100  }
0x43: {  	[spmem:s1] =	stream.indirect.scatter.add.f32 [tilespmem:s21], [sflag:$0x1], $0x1, s28, s23, $0xb8;
	[tilespmem:$0x2B00] =	vst v63  }
0x44: {  	s30 =	simm.s32 $0x180  }
0x45: {  	[spmem:s1] =	stream.indirect.scatter.add.f32 [tilespmem:s21], [sflag:$0x1], $0x1, s30, s23, $0xb8;
	[tilespmem:$0x2B00] =	vst v63  }
0x46: {  	s31 =	simm.s32 $0x200  }
0x47: {  	[spmem:s1] =	stream.indirect.scatter.add.f32 [tilespmem:s21], [sflag:$0x1], $0x1, s31, s23, $0xb8;
	[tilespmem:$0x2B00] =	vst v63  }
0x48: {  	s28 =	simm.s32 $0x280  }
0x49: {  	[spmem:s1] =	stream.indirect.scatter.add.f32 [tilespmem:s21], [sflag:$0x1], $0x1, s28, s23, $0xb8;
	[tilespmem:$0x2B00] =	vst v63  }
0x4a: {  	s30 =	simm.s32 $0x300  }
0x4b: {  	[spmem:s1] =	stream.indirect.scatter.add.f32 [tilespmem:s21], [sflag:$0x1], $0x1, s30, s23, $0xb8;
	[tilespmem:$0x2B00] =	vst v63  }
0x4c: {  	s31 =	simm.s32 $0x380  }
0x4d: {  	[spmem:s1] =	stream.indirect.scatter.add.f32 [tilespmem:s21], [sflag:$0x1], $0x1, s31, s23, $0xb8;
	[tilespmem:$0x2B00] =	vst v63  }
0x4e: {  	_ =	swait.ge [sflag:s24], $0x80  }
0x4f: {  	[sflag:s24] =	ssyncset.done $0x0  }
0x50: {  	[sflag:s24] =	ssyncadd.s32 $0xFFFFFF80  }
0x51: {  	_ =	swait.ge [sflag:s24], $0x80  }
0x52: {  	[sflag:s24] =	ssyncset.done $0x0  }
0x53: {  	[sflag:s24] =	ssyncadd.s32 $0xFFFFFF80  }
0x54: {  	_ =	swait.ge [sflag:s24], $0x80  }
0x55: {  	[sflag:s24] =	ssyncset.done $0x0  }
0x56: {  	[sflag:s24] =	ssyncadd.s32 $0xFFFFFF80  }
0x57: {  	_ =	swait.ge [sflag:s24], $0x80  }
0x58: {  	[sflag:s24] =	ssyncset.done $0x0  }
0x59: {  	[sflag:s24] =	ssyncadd.s32 $0xFFFFFF80  }
0x5a: {  	_ =	swait.ge [sflag:s24], $0x80  }
0x5b: {  	[sflag:s24] =	ssyncset.done $0x0  }
0x5c: {  	[sflag:s24] =	ssyncadd.s32 $0xFFFFFF80  }
0x5d: {  	_ =	swait.ge [sflag:s24], $0x80  }
0x5e: {  	[sflag:s24] =	ssyncset.done $0x0  }
0x5f: {  	[sflag:s24] =	ssyncadd.s32 $0xFFFFFF80  }
0x60: {  	_ =	swait.ge [sflag:s24], $0x80  }
0x61: {  	[sflag:s24] =	ssyncset.done $0x0  }
0x62: {  	[sflag:s24] =	ssyncadd.s32 $0xFFFFFF80  }
0x63: {  	_ =	swait.ge [sflag:s24], $0x80  }
0x64: {  	s29 =	simm.s32 $0x2000;
	s26 =	simm.s32 $0x1000;
	[sflag:s24] =	ssyncset.done $0x0  }
.LBB2_2:
0x65: {  	s30 =	sshra.s32 s26, $0x2  }
0x66: {  	[sflag:s24] =	ssyncadd.s32 $0xFFFFFF80;
	s26 =	smov.u32 s29;
	s28 =	sadd.s32 $0x1000, s29  }
0x67: {  	[spmem:s1] =	stream.indirect.scatter.add.f32 [tilespmem:s21], [sflag:$0x1], $0x1, s30, s23, $0xb8;
	[tilespmem:$0x2B00] =	vst v63  }
0x68: {  	p0 =	sne.s32 s29, $0x9000;
	s29 =	sadd.s32 $0x80, s30  }
0x69: {  	[spmem:s1] =	stream.indirect.scatter.add.f32 [tilespmem:s21], [sflag:$0x1], $0x1, s29, s23, $0xb8;
	[tilespmem:$0x2B00] =	vst v63  }
0x6a: {  	s29 =	sadd.s32 $0x100, s30  }
0x6b: {  	[spmem:s1] =	stream.indirect.scatter.add.f32 [tilespmem:s21], [sflag:$0x1], $0x1, s29, s23, $0xb8;
	[tilespmem:$0x2B00] =	vst v63  }
0x6c: {  	s29 =	sadd.s32 $0x180, s30  }
0x6d: {  	[spmem:s1] =	stream.indirect.scatter.add.f32 [tilespmem:s21], [sflag:$0x1], $0x1, s29, s23, $0xb8;
	[tilespmem:$0x2B00] =	vst v63  }
0x6e: {  	s29 =	sadd.s32 $0x200, s30  }
0x6f: {  	[spmem:s1] =	stream.indirect.scatter.add.f32 [tilespmem:s21], [sflag:$0x1], $0x1, s29, s23, $0xb8;
	[tilespmem:$0x2B00] =	vst v63  }
0x70: {  	s29 =	sadd.s32 $0x280, s30  }
0x71: {  	[spmem:s1] =	stream.indirect.scatter.add.f32 [tilespmem:s21], [sflag:$0x1], $0x1, s29, s23, $0xb8;
	[tilespmem:$0x2B00] =	vst v63  }
0x72: {  	s29 =	sadd.s32 $0x300, s30  }
0x73: {  	[spmem:s1] =	stream.indirect.scatter.add.f32 [tilespmem:s21], [sflag:$0x1], $0x1, s29, s23, $0xb8;
	[tilespmem:$0x2B00] =	vst v63  }
0x74: {  	s29 =	sadd.s32 $0x380, s30  }
0x75: {  	[spmem:s1] =	stream.indirect.scatter.add.f32 [tilespmem:s21], [sflag:$0x1], $0x1, s29, s23, $0xb8;
	[tilespmem:$0x2B00] =	vst v63  }
0x76: {  	_ =	swait.ge [sflag:s24], $0x80  }
0x77: {  	[sflag:s24] =	ssyncset.done $0x0  }
0x78: {  	[sflag:s24] =	ssyncadd.s32 $0xFFFFFF80  }
0x79: {  	_ =	swait.ge [sflag:s24], $0x80  }
0x7a: {  	[sflag:s24] =	ssyncset.done $0x0  }
0x7b: {  	[sflag:s24] =	ssyncadd.s32 $0xFFFFFF80  }
0x7c: {  	_ =	swait.ge [sflag:s24], $0x80  }
0x7d: {  	[sflag:s24] =	ssyncset.done $0x0  }
0x7e: {  	[sflag:s24] =	ssyncadd.s32 $0xFFFFFF80  }
0x7f: {  	_ =	swait.ge [sflag:s24], $0x80  }
0x80: {  	[sflag:s24] =	ssyncset.done $0x0  }
0x81: {  	[sflag:s24] =	ssyncadd.s32 $0xFFFFFF80  }
0x82: {  	_ =	swait.ge [sflag:s24], $0x80  }
0x83: {  	[sflag:s24] =	ssyncset.done $0x0  }
0x84: {  	[sflag:s24] =	ssyncadd.s32 $0xFFFFFF80  }
0x85: {  	_ =	swait.ge [sflag:s24], $0x80  }
0x86: {  	[sflag:s24] =	ssyncset.done $0x0  }
0x87: {  	[sflag:s24] =	ssyncadd.s32 $0xFFFFFF80  }
.Ltmp0:
0x88: {  	_ =	swait.ge [sflag:s24], $0x80;
	(pc) =	sbr.rel @p0 .LBB2_2-.Ltmp0, $4  }
0x89: {  	[sflag:s24] =	ssyncset.done $0x0  }
0x8a: {  	[sflag:s24] =	ssyncadd.s32 $0xFFFFFF80  }
0x8b: {  	_ =	swait.ge [sflag:s24], $0x80  }
0x8c: {  	s29 =	smov.u32 s28;
	[sflag:s24] =	ssyncset.done $0x0  }
0x8d: {  	s26 =	sshra.s32 s26, $0x2;
	[sflag:s24] =	ssyncadd.s32 $0xFFFFFF80  }
0x8e: {  	[spmem:s1] =	stream.indirect.scatter.add.f32 [tilespmem:s21], [sflag:$0x1], $0x1, s26, s23, $0xb8;
	[tilespmem:$0x2B00] =	vst v63  }
0x8f: {  	s28 =	sadd.s32 $0x80, s26  }
0x90: {  	[spmem:s1] =	stream.indirect.scatter.add.f32 [tilespmem:s21], [sflag:$0x1], $0x1, s28, s23, $0xb8;
	[tilespmem:$0x2B00] =	vst v63  }
0x91: {  	s30 =	sadd.s32 $0x100, s26  }
0x92: {  	[spmem:s1] =	stream.indirect.scatter.add.f32 [tilespmem:s21], [sflag:$0x1], $0x1, s30, s23, $0xb8;
	[tilespmem:$0x2B00] =	vst v63  }
0x93: {  	s31 =	sadd.s32 $0x180, s26  }
0x94: {  	[spmem:s1] =	stream.indirect.scatter.add.f32 [tilespmem:s21], [sflag:$0x1], $0x1, s31, s23, $0xb8;
	[tilespmem:$0x2B00] =	vst v63  }
0x95: {  	s29 =	sadd.s32 $0x200, s26  }
0x96: {  	[spmem:s1] =	stream.indirect.scatter.add.f32 [tilespmem:s21], [sflag:$0x1], $0x1, s29, s23, $0xb8;
	[tilespmem:$0x2B00] =	vst v63  }
0x97: {  	s30 =	sadd.s32 $0x280, s26  }
0x98: {  	[spmem:s1] =	stream.indirect.scatter.add.f32 [tilespmem:s21], [sflag:$0x1], $0x1, s30, s23, $0xb8;
	[tilespmem:$0x2B00] =	vst v63  }
0x99: {  	s31 =	sadd.s32 $0x300, s26  }
0x9a: {  	[spmem:s1] =	stream.indirect.scatter.add.f32 [tilespmem:s21], [sflag:$0x1], $0x1, s31, s23, $0xb8;
	[tilespmem:$0x2B00] =	vst v63  }
0x9b: {  	s26 =	sadd.s32 $0x380, s26  }
0x9c: {  	[spmem:s1] =	stream.indirect.scatter.add.f32 [tilespmem:s21], [sflag:$0x1], $0x1, s26, s23, $0xb8;
	[tilespmem:$0x2B00] =	vst v63  }
0x9d: {  	_ =	swait.ge [sflag:s24], $0x80  }
0x9e: {  	[sflag:s24] =	ssyncset.done $0x0  }
0x9f: {  	[sflag:s24] =	ssyncadd.s32 $0xFFFFFF80  }
0xa0: {  	_ =	swait.ge [sflag:s24], $0x80  }
0xa1: {  	[sflag:s24] =	ssyncset.done $0x0  }
0xa2: {  	[sflag:s24] =	ssyncadd.s32 $0xFFFFFF80  }
0xa3: {  	_ =	swait.ge [sflag:s24], $0x80  }
0xa4: {  	[sflag:s24] =	ssyncset.done $0x0  }
0xa5: {  	[sflag:s24] =	ssyncadd.s32 $0xFFFFFF80  }
0xa6: {  	_ =	swait.ge [sflag:s24], $0x80  }
0xa7: {  	[sflag:s24] =	ssyncset.done $0x0  }
0xa8: {  	[sflag:s24] =	ssyncadd.s32 $0xFFFFFF80  }
0xa9: {  	_ =	swait.ge [sflag:s24], $0x80  }
0xaa: {  	[sflag:s24] =	ssyncset.done $0x0  }
0xab: {  	[sflag:s24] =	ssyncadd.s32 $0xFFFFFF80  }
0xac: {  	_ =	swait.ge [sflag:s24], $0x80  }
0xad: {  	[sflag:s24] =	ssyncset.done $0x0  }
0xae: {  	[sflag:s24] =	ssyncadd.s32 $0xFFFFFF80  }
0xaf: {  	_ =	swait.ge [sflag:s24], $0x80  }
0xb0: {  	[sflag:s24] =	ssyncset.done $0x0  }
0xb1: {  	[sflag:s24] =	ssyncadd.s32 $0xFFFFFF80  }
0xb2: {  	_ =	swait.ge [sflag:s24], $0x80  }
0xb3: {  	[sflag:s24] =	ssyncset.done $0x0  }
0xb4: {  	[sflag:s24] =	ssyncadd.s32 $0xFFFFFF80  }
0xb5: {  	[bflag:$0x0] =	sbarrier.arrive $0xFFFF  }
0xb6: {  	[tilespmem:s21], [sflag:$0x2] =	stream.linear.gather [spmem:s6], $0x80, $0x38;
	[tilespmem:$0x2B00] =	vst v63  }
0xb7: {  	_ =	swait.ge [sflag:s22], $0x80  }
0xb8: {  	[sflag:s22] =	ssyncset.done $0x0  }
0xb9: {  	[sflag:s22] =	ssyncadd.s32 $0xFFFFFF80  }
0xba: {  	[hbm4b:s12+s3] =	stream.linear.scatter [tilespmem:s21], [sflag:$0x2], $0x80, $0x38;
	[tilespmem:$0x2B00] =	vst v63  }
0xbb: {  	_ =	swait.ge [sflag:s22], $0x80  }
0xbc: {  	[sflag:s22] =	ssyncset.done $0x0  }
0xbd: {  	[sflag:s22] =	ssyncadd.s32 $0xFFFFFF80  }
0xbe: {  	[tilespmem:s21], [sflag:$0x2] =	stream.linear.gather [spmem:s13], $0x80, $0x38;
	[tilespmem:$0x2B00] =	vst v63  }
0xbf: {  	_ =	swait.ge [sflag:s22], $0x80  }
0xc0: {  	[sflag:s22] =	ssyncset.done $0x0  }
0xc1: {  	[sflag:s22] =	ssyncadd.s32 $0xFFFFFF80  }
0xc2: {  	[hbm4b:s14+s3] =	stream.linear.scatter [tilespmem:s21], [sflag:$0x2], $0x80, $0x38;
	[tilespmem:$0x2B00] =	vst v63  }
0xc3: {  	_ =	swait.ge [sflag:s22], $0x80  }
0xc4: {  	[sflag:s22] =	ssyncset.done $0x0  }
0xc5: {  	[sflag:s22] =	ssyncadd.s32 $0xFFFFFF80  }
0xc6: {  	[tilespmem:s21], [sflag:$0x2] =	stream.linear.gather [spmem:s15], $0x80, $0x38;
	[tilespmem:$0x2B00] =	vst v63  }
0xc7: {  	_ =	swait.ge [sflag:s22], $0x80  }
0xc8: {  	[sflag:s22] =	ssyncset.done $0x0  }
0xc9: {  	[sflag:s22] =	ssyncadd.s32 $0xFFFFFF80  }
0xca: {  	[hbm4b:s16+s3] =	stream.linear.scatter [tilespmem:s21], [sflag:$0x2], $0x80, $0x38;
	[tilespmem:$0x2B00] =	vst v63  }
0xcb: {  	_ =	swait.ge [sflag:s22], $0x80  }
0xcc: {  	[sflag:s22] =	ssyncset.done $0x0  }
0xcd: {  	[sflag:s22] =	ssyncadd.s32 $0xFFFFFF80  }
0xce: {  	[tilespmem:s21], [sflag:$0x2] =	stream.linear.gather [spmem:s17], $0x80, $0x38;
	[tilespmem:$0x2B00] =	vst v63  }
0xcf: {  	_ =	swait.ge [sflag:s22], $0x80  }
0xd0: {  	[sflag:s22] =	ssyncset.done $0x0  }
0xd1: {  	[sflag:s22] =	ssyncadd.s32 $0xFFFFFF80  }
0xd2: {  	[hbm4b:s18+s3] =	stream.linear.scatter [tilespmem:s21], [sflag:$0x2], $0x80, $0x38;
	[tilespmem:$0x2B00] =	vst v63  }
0xd3: {  	_ =	swait.ge [sflag:s22], $0x80  }
0xd4: {  	[sflag:s22] =	ssyncset.done $0x0  }
0xd5: {  	[sflag:s22] =	ssyncadd.s32 $0xFFFFFF80  }
0xd6: {  	[tilespmem:s21], [sflag:$0x2] =	stream.linear.gather [spmem:s19], $0x80, $0x38;
	[tilespmem:$0x2B00] =	vst v63  }
0xd7: {  	s25 =	sadd.s32 $0x1, s25;
	_ =	swait.ge [sflag:s22], $0x80  }
0xd8: {  	p0 =	sne.s32 s25, s7;
	[sflag:s22] =	ssyncset.done $0x0  }
.Ltmp1:
0xd9: {  	[sflag:s22] =	ssyncadd.s32 $0xFFFFFF80;
	(pc) =	sbr.rel @p0 .LBB2_1-.Ltmp1, $4  }
0xda: {  	[hbm4b:s20+s3] =	stream.linear.scatter [tilespmem:s21], [sflag:$0x2], $0x80, $0x38;
	[tilespmem:$0x2B00] =	vst v63  }
0xdb: {  	_ =	swait.ge [sflag:s22], $0x80  }
0xdc: {  	[sflag:s22] =	ssyncset.done $0x0  }
0xdd: {  	[sflag:s22] =	ssyncadd.s32 $0xFFFFFF80  }
0xde: {  	_ =	sfence.sel $0x180000  }
0xdf: {  	[bflag:$0x0] =	sbarrier.arrive $0xFFFF  }
0xe0: {  	p0 =	sne.s32 s2, $0x0;
	_ =	strace $0x90000047  }
0xe1: {  	s0 =	sadd.s32 @!p0 $0x100000, s0;
	[bflag:$0x2] =	sbarrier.arrive $0xFFFF  }
0xe2: {  	[sflag:s0] =	ssyncadd.tile.s32 @!p0 $0x1;
	_ =	shalt  }
.Lfunc_end2:
_tile_overlayer_lowered:
.L_overlay_start_2:
0xe3: {  	(tag) =	ssettag $0x2  }
0xe4: {  	s0 =	rddreg [dreg:$0x0];
	s2 =	stileid.u32  }
0xe5: {  	s1 =	rddreg [dreg:$0x1];
	p0 =	sne.s32 s2, $0x0  }
0xe6: {  	s3 =	rddreg [dreg:$0x2];
	[bflag:$0x3] =	sbarrier.arrive $0xFFFF;
	s2 =	simm.s32 @!p0 $0x1C02  }
0xe7: {  	[timem:s3], [sflag:s2] =	dma.local @!p0 [hbm:s0], s1  }
0xe8: {  	s0 =	simm.s32 @!p0 $0x2  }
0xe9: {  	_ =	swait.ge @!p0 [sflag:s0], s1  }
0xea: {  	s1 =	ssub.s32 @!p0 $0x0, s1;
	[sflag:s0] =	ssyncset.done @!p0 $0x0  }
0xeb: {  	[sflag:s0] =	ssyncadd.s32 @!p0 s1  }
0xec: {  	[bflag:$0x3] =	sbarrier.arrive $0xFFFF  }
0xed: {  	_ =	shalt  }

// kernel: kernel.9.cloned.1.call-start
scs
__scs_entry_jumppad:
0x0: {  	(pc) =	sbr.rel $0x88, $3  }
0x1: {  	(tag) =	ssettag $0x0;
	lr =	simm.s32 $0x1  }
0x2: {  	[smem:$0x3F9D] =	sst lr;
	_ =	strace $0xD0000000  }
0x3: {  	_ = 	snop  }
0x4: {  	_ = 	snop  }
0x5: {  	_ = 	snop  }
0x6: {  	_ = 	snop  }
0x7: {  	_ = 	snop  }
__scs_overlays_trampoline_lowered:
0x8: {  	[smem:$0x3FAC] =	sst s0  }
0x9: {  	[smem:$0x3FAD] =	sst s1  }
0xa: {  	[smem:$0x3FAE] =	sst s2  }
0xb: {  	[smem:$0x3FAF] =	sst s3  }
0xc: {  	[smem:$0x3FB0] =	sst s4  }
0xd: {  	[smem:$0x3FB1] =	sst s5  }
0xe: {  	[smem:$0x3FB2] =	sst s6  }
0xf: {  	[smem:$0x3FB3] =	sst s7  }
0x10: {  	[smem:$0x3FB4] =	sst s8  }
0x11: {  	[smem:$0x3FB5] =	sst s9;
	s0 =	simm.s32 @!p0 $0x0  }
0x12: {  	s1 =	sld [smem:$0x3F9B];
	s0 =	simm.s32 @p0 $0x1  }
0x13: {  	[smem:$0x3FB6] =	sst s0;
	s0 =	simm.s32 @!p1 $0x0  }
0x14: {  	s2 =	sld [smem:$0x3F9A];
	s0 =	simm.s32 @p1 $0x1  }
0x15: {  	[smem:$0x3FB7] =	sst s0;
	s0 =	simm.s32 @!p2 $0x0  }
0x16: {  	s3 =	sld [smem:$0x3FDB];
	s0 =	simm.s32 @p2 $0x1  }
0x17: {  	s4 =	simm.s32 $0x1BF5;
	[smem:$0x3FB9] =	sst s0  }
0x18: {  	s0 =	sld [smem:$0x3F9C];
	_ =	swait.ge [sflag:s4], $0x0  }
0x19: {  	s7 =	sld [smem:$0x3F9D]  }
0x1a: {  	s8 =	sadd.s32 $0xFFFFE003, lr  }
0x1b: {  	s9 =	sadd.s32 $0xFFFFFEF7, lr;
	s5 =	simm.s32 $0xFFFFFFFF;
	p2 =	slt.u32 s8, $0xFFFFF086  }
0x1c: {  	p1 =	slt.u32 s9, $0xF7A;
	s5 =	simm.s32 @!p2 $0x0  }
0x1d: {  	s5 =	simm.s32 @p1 $0x1;
	p0 =	seq.s32 s7, s2  }
0x1e: {  	s7 =	smul.u32 @!p0 $0xF7A, s2;
	p2 =	seq.s32 @!p0 s5, $0x0  }
0x1f: {  	s9 =	smul.u32 $0xF7A, s1;
	s8 =	simm.s32 @!p0 $0x1BF5;
	p2 =	por !p2, p0  }
0x20: {  	[sflag:s8] =	ssyncset.s32 @!p0 $0xFFFFF086;
	s6 =	sadd.s32 @!p0 s3, s7;
	s7 =	simm.s32 @!p0 $0x108  }
0x21: {  	s3 =	sadd.s32 s3, s9;
	s6 =	sadd.s32 @!p0 $0x88, s6;
	s7 =	simm.s32 @p2 $0x1082  }
0x22: {  	[simem:s7], [sflag:s8] =	dma.local @!p0 [hbm:s6], $0xF7A  }
0x23: {  	s9 =	sor.u32 $0xD0000000, s2;
	s6 =	simm.s32 $0x108;
	_ =	swait.ge @!p0 [sflag:s8], $0x0  }
0x24: {  	s3 =	sadd.s32 $0x88, s3;
	s6 =	simm.s32 @!p1 $0x1082;
	[sflag:s4] =	ssyncset.s32 $0xFFFFF086  }
0x25: {  	[simem:s6], [sflag:s4] =	dma.local [hbm:s3], $0xF7A  }
0x26: {  	[smem:$0x3F9D] =	sst s1;
	(tag) =	ssettag s2;
	_ =	strace s9  }
0x27: {  	s1 =	sld [smem:$0x3FAD]  }
0x28: {  	s2 =	sld [smem:$0x3FAE]  }
0x29: {  	s4 =	sld [smem:$0x3FB0]  }
0x2a: {  	p0 =	seq.s32 s5, $0x0;
	s5 =	sld [smem:$0x3FB1]  }
0x2b: {  	s6 =	sld [smem:$0x3FB2]  }
0x2c: {  	s7 =	sld [smem:$0x3FB3]  }
0x2d: {  	s3 =	simm.s32 $0x108;
	s8 =	sld [smem:$0x3FB4]  }
0x2e: {  	s3 =	simm.s32 @!p0 $0x1082;
	s9 =	sld [smem:$0x3FB5]  }
0x2f: {  	lr =	sadd.s32 s0, s3;
	s0 =	sld [smem:$0x3FAC]  }
0x30: {  	s3 =	sld [smem:$0x3FAF]  }
0x31: {  	[smem:$0x3FB8] =	sst s10  }
0x32: {  	s10 =	sld [smem:$0x3FB6];
	_ =	sdelay $0x3  }
0x33: {  	p0 =	seq.s32 s10, $0x1;
	s10 =	sld [smem:$0x3FB8];
	_ =	sdelay $0x3  }
0x34: {  	[smem:$0x3FB8] =	sst s10  }
0x35: {  	s10 =	sld [smem:$0x3FB7];
	_ =	sdelay $0x3  }
0x36: {  	p1 =	seq.s32 s10, $0x1;
	s10 =	sld [smem:$0x3FB8];
	_ =	sdelay $0x3  }
0x37: {  	[smem:$0x3FB8] =	sst s10  }
0x38: {  	s10 =	sld [smem:$0x3FB9]  }
0x39: {  	_ = 	snop;
	(pc) =	sbr.ind lr, $3  }
0x3a: {  	_ = 	snop  }
0x3b: {  	_ = 	snop  }
0x3c: {  	p2 =	seq.s32 s10, $0x1;
	s10 =	sld [smem:$0x3FB8]  }
0x3d: {  	_ =	shalt  }
0x3e: {  	_ =	shalt  }
0x3f: {  	_ =	shalt  }
0x40: {  	_ =	shalt  }
0x41: {  	_ =	shalt  }
0x42: {  	_ =	shalt  }
0x43: {  	_ =	shalt  }
0x44: {  	_ =	shalt  }
0x45: {  	_ =	shalt  }
0x46: {  	_ =	shalt  }
0x47: {  	_ =	shalt  }
0x48: {  	_ =	shalt  }
0x49: {  	_ =	shalt  }
0x4a: {  	_ =	shalt  }
0x4b: {  	_ =	shalt  }
0x4c: {  	_ =	shalt  }
0x4d: {  	_ =	shalt  }
0x4e: {  	_ =	shalt  }
0x4f: {  	_ =	shalt  }
0x50: {  	_ =	shalt  }
0x51: {  	_ =	shalt  }
0x52: {  	_ =	shalt  }
0x53: {  	_ =	shalt  }
0x54: {  	_ =	shalt  }
0x55: {  	_ =	shalt  }
0x56: {  	_ =	shalt  }
0x57: {  	_ =	shalt  }
0x58: {  	_ =	shalt  }
0x59: {  	_ =	shalt  }
0x5a: {  	_ =	shalt  }
0x5b: {  	_ =	shalt  }
0x5c: {  	_ =	shalt  }
0x5d: {  	_ =	shalt  }
0x5e: {  	_ =	shalt  }
0x5f: {  	_ =	shalt  }
0x60: {  	_ =	shalt  }
0x61: {  	_ =	shalt  }
0x62: {  	_ =	shalt  }
0x63: {  	_ =	shalt  }
0x64: {  	_ =	shalt  }
0x65: {  	_ =	shalt  }
0x66: {  	_ =	shalt  }
0x67: {  	_ =	shalt  }
0x68: {  	_ =	shalt  }
0x69: {  	_ =	shalt  }
0x6a: {  	_ =	shalt  }
0x6b: {  	_ =	shalt  }
0x6c: {  	_ =	shalt  }
0x6d: {  	_ =	shalt  }
0x6e: {  	_ =	shalt  }
0x6f: {  	_ =	shalt  }
0x70: {  	_ =	shalt  }
0x71: {  	_ =	shalt  }
0x72: {  	_ =	shalt  }
0x73: {  	_ =	shalt  }
0x74: {  	_ =	shalt  }
0x75: {  	_ =	shalt  }
0x76: {  	_ =	shalt  }
0x77: {  	_ =	shalt  }
0x78: {  	_ =	shalt  }
0x79: {  	_ =	shalt  }
0x7a: {  	_ =	shalt  }
0x7b: {  	_ =	shalt  }
0x7c: {  	_ =	shalt  }
0x7d: {  	_ =	shalt  }
0x7e: {  	_ =	shalt  }
0x7f: {  	_ =	shalt  }
0x80: {  	_ =	shalt  }
0x81: {  	_ =	shalt  }
0x82: {  	_ =	shalt  }
0x83: {  	_ =	shalt  }
0x84: {  	_ =	shalt  }
0x85: {  	_ =	shalt  }
0x86: {  	_ =	shalt  }
0x87: {  	_ =	shalt  }
.Lfunc_end0:
.L_simem_size_0:
called_computation.1_lowered:
.L_overlay_start_0:
0x88: {  	s2 =	sld [smem:$0x3FD9]  }
0x89: {  	s3 =	sld [smem:$0x3FFE];
	_ =	sdelay $0x1  }
0x8a: {  	s1 =	srdreg.scid  }
0x8b: {  	s0 =	sand.u32 $0x1, s1  }
0x8c: {  	s17 =	sshll.u32 s0, $0xA;
	s2 =	sadd.s32 s3, s2  }
0x8d: {  	s2 =	sadd.s32 s2, s17  }
0x8e: {  	[smem:$0x3FC4] =	sst s2  }
0x8f: {  	_ = 	snop  }
0x90: {  	s2 =	sld [smem:$0x3FD0];
	(tm) =	ssettm $0x1  }
0x91: {  	s18 =	sld [smem:$0x3FFB];
	_ =	sdelay $0x3  }
0x92: {  	_ =	strace s18  }
0x93: {  	s3 =	sld [smem:$0x3FFC];
	_ =	sdelay $0x3  }
0x94: {  	_ =	strace s3  }
0x95: {  	s3 =	sld [smem:$0x3FFD];
	_ =	sdelay $0x3  }
0x96: {  	_ =	strace s3  }
0x97: {  	_ =	strace $0x8FFFFFFF  }
0x98: {  	s19 =	sld [smem:$0x3FDB];
	_ =	sdelay $0x1  }
0x99: {  	s4 =	simm.s32 $_scs_section_size  }
0x9a: {  	s5 =	simm.s32 $_size__tile_overlayer_lowered;
	s6 =	simm.s32 $_tile_overlayer_lowered  }
0x9b: {  	s22 =	simm.s32 $0x1BFF;
	s21 =	sshll.u32 s6, $0x1;
	s3 =	sadd.s32 s4, s19  }
0x9c: {  	s7 =	simm.s32 $0x0;
	s20 =	sshll.u32 s5, $0x1;
	s5 =	sadd.s32 s21, s3  }
0x9d: {  	[timem:s7], [sflag:s22] =	dma.local [hbm:s5], s20  }
0x9e: {  	_ =	swait.ge [sflag:s22], s20  }
0x9f: {  	s4 =	ssub.s32 $0x0, s20;
	[sflag:s22] =	ssyncset.done $0x0  }
0xa0: {  	[sflag:s22] =	ssyncadd.s32 s4;
	_ =	sdelay $0x1  }
0xa1: {  	s23 =	simm.s32 $0x1B8B  }
0xa2: {  	_ =	swait.ge [sflag:s23], $0x1  }
0xa3: {  	[sflag:s23] =	ssyncset.done $0x0  }
0xa4: {  	s25 =	simm.s32 $0x1B8E;
	s24 =	sld [smem:$0x3FFE];
	[sflag:s23] =	ssyncadd.s32 $0xFFFFFFFF  }
0xa5: {  	s26 =	simm.s32 $execute0_lowered;
	[smem:$0x3FD2] =	sst s25  }
0xa6: {  	s5 =	sshll.u32 s26, $0x1;
	_ =	strace $0x80000049;
	[dreg:$0x1] =	wrdreg $0xFFFFFFFF  }
0xa7: {  	s28 =	simm.s32 $_size_execute0_lowered;
	s3 =	sadd.s32 s3, s5;
	[dreg:$0x0] =	wrdreg $0x0  }
0xa8: {  	s5 =	sshll.u32 s28, $0x1;
	[dreg:$0x2] =	wrdreg s3  }
0xa9: {  	[dreg:$0x3] =	wrdreg s5  }
0xaa: {  	[dreg:$0x4] =	wrdreg $0xC0  }
0xab: {  	_ =	task [dreg:s7], $0x5FFFF  }
0xac: {  	[dreg:$0x1] =	wrdreg $0xFFFFFFFF  }
0xad: {  	[dreg:$0x0] =	wrdreg $0x60  }
0xae: {  	[dreg:$0x2] =	wrdreg s24  }
0xaf: {  	[dreg:$0x3] =	wrdreg s2  }
0xb0: {  	[dreg:$0x4] =	wrdreg $0x52000  }
0xb1: {  	[dreg:$0x5] =	wrdreg $0xF2000  }
0xb2: {  	[dreg:$0x6] =	wrdreg $0x9  }
0xb3: {  	_ =	task.clear_ibuf [dreg:s7], $0x7FFFF;
	_ =	strace $0x90000049  }
0xb4: {  	s29 =	simm.s32 $0x9;
	_ =	strace $0x8000004B  }
0xb5: {  	_ =	swait.ge [sflag:s29], $0x1  }
0xb6: {  	[sflag:s29] =	ssyncadd.s32 $0xFFFFFFFF  }
0xb7: {  	_ =	strace $0x9000004B  }
0xb8: {  	_ =	sfence  }
0xb9: {  	s30 =	sld [smem:$0x0];
	_ =	sdelay $0x2  }
0xba: {  	s31 =	sshll.u32 s1, $0xD;
	s1 =	sshrl.u32 s1, $0x2  }
0xbb: {  	s3 =	sand.u32 $0x4000, s31;
	s1 =	sadd.s32 s1, s30  }
0xbc: {  	s0 =	sor.u32 s3, s0;
	s1 =	sshll.u32 s1, $0x11  }
0xbd: {  	s0 =	sor.u32 s1, s0  }
0xbe: {  	s0 =	sadd.s32 $0x8F2B, s0  }
0xbf: {  	[sflag:s0] =	ssyncadd.remote.s32 $0x1  }
0xc0: {  	_ =	sfence.sel $0xFFFF  }
0xc1: {  	[dreg:$0x0] =	wrdreg $0xFFFFFFFF;
	(pc) =	sbr.abs _section_cstart, $3  }
0xc2: {  	[dreg:$0x1] =	wrdreg $0xFFFFFFFF  }
0xc3: {  	_ =	task.clear_ibuf [dreg:s7], $0x2FFFF;
	_ =	strace $0x9FFFFFFF  }
0xc4: {  	(tm) =	ssettm $0x7FFFFFFF  }
0xc5: {  	_ =	shalt  }
tec
execute0_lowered:
.L_overlay_start_1:
0x0: {  	(tag) =	ssettag $0x1  }
0x1: {  	s0 =	rddreg [dreg:$0x0]  }
0x2: {  	s1 =	rddreg [dreg:$0x1]  }
0x3: {  	s2 =	rddreg [dreg:$0x2]  }
0x4: {  	s3 =	rddreg [dreg:$0x3]  }
0x5: {  	s4 =	simm.s32 $0x0;
	s7 =	srdreg.scid;
	s15 =	stileid.u32  }
0x6: {  	[smem:$0x7FF] =	sst s4;
	s5 =	sadd.s32 $0x5B400, s0;
	s8 =	smul.u32 $0xA000, s15  }
0x7: {  	s6 =	sadd.s32 $0x1400, s0;
	s7 =	sand.u32 $0x1, s7;
	s11 =	smul.u32 $0x28000, s15  }
0x8: {  	s0 =	sadd.s32 $0x83400, s0;
	s9 =	ssub.s32 $0x2, s7;
	s10 =	smul.u32 $0xA0000, s7  }
0x9: {  	_ =	strace $0x8000004A;
	s7 =	smul.u32 $0x5000, s15;
	s21 =	sshrl.u32 s9, $0x1  }
0xa: {  	s12 =	sadd.s32 $0x2000, s8;
	s11 =	sshrl.u32 s11, $0x2;
	s15 =	sadd.s32 $0x4000, s8  }
0xb: {  	s16 =	sadd.s32 $0x6000, s8;
	s17 =	sadd.s32 $0x8000, s8;
	s9 =	ssub.s32 s9, s21  }
0xc: {  	s22 =	sadd.s32 s10, s8;
	s13 =	sadd.s32 s10, s12;
	s18 =	sadd.s32 s10, s15  }
0xd: {  	s19 =	sadd.s32 s10, s16;
	s10 =	sadd.s32 s10, s17;
	s21 =	sshrl.u32 s7, $0x3  }
0xe: {  	s28 =	sadd.s32 s15, s2;
	s14 =	sshrl.u32 s22, $0x3;
	s22 =	sadd.s32 s6, s21  }
0xf: {  	s13 =	sshrl.u32 s13, $0x3;
	s23 =	sadd.s32 s5, s14;
	[dreg:$0xf] =	wrdreg s22  }
0x10: {  	s18 =	sshrl.u32 s18, $0x3;
	s24 =	sadd.s32 s5, s13;
	[dreg:$0x5] =	wrdreg s23  }
0x11: {  	s19 =	sshrl.u32 s19, $0x3;
	s20 =	sadd.s32 s5, s18;
	[dreg:$0x6] =	wrdreg s24  }
0x12: {  	s10 =	sshrl.u32 s10, $0x3;
	s25 =	sadd.s32 s5, s19;
	[dreg:$0x7] =	wrdreg s20  }
0x13: {  	s29 =	sadd.s32 s16, s3;
	s5 =	sadd.s32 s5, s10;
	[dreg:$0x8] =	wrdreg s25  }
0x14: {  	s30 =	sadd.s32 s16, s2;
	s26 =	sadd.s32 s0, s14;
	[dreg:$0x9] =	wrdreg s5  }
0x15: {  	s31 =	sadd.s32 s17, s3;
	s14 =	sadd.s32 s0, s13;
	[dreg:$0xa] =	wrdreg s26  }
0x16: {  	s18 =	sadd.s32 s0, s18;
	s13 =	simm.s32 $0x2;
	[dreg:$0xb] =	wrdreg s14  }
0x17: {  	[dreg:$0xc] =	wrdreg s18;
	s20 =	sadd.s32 s0, s19;
	s0 =	sadd.s32 s0, s10  }
0x18: {  	s18 =	sadd.s32 s11, s2;
	s23 =	smax.u32 s9, $0x1;
	[dreg:$0xd] =	wrdreg s20  }
0x19: {  	s24 =	sadd.s32 s8, s2;
	s25 =	sadd.s32 s8, s3;
	[dreg:$0xe] =	wrdreg s0  }
0x1a: {  	s26 =	sadd.s32 s12, s3;
	s5 =	simm.s32 $0x5000;
	[dreg:$0x11] =	wrdreg s23  }
0x1b: {  	s8 =	simm.s32 $0x4;
	s9 =	simm.s32 $0x1000;
	[dreg:$0x12] =	wrdreg s24  }
0x1c: {  	s10 =	simm.s32 $0x80;
	s11 =	simm.s32 $0x3000;
	[dreg:$0x13] =	wrdreg s25  }
0x1d: {  	s14 =	simm.s32 $0x3;
	s0 =	sadd.s32 s1, s21;
	[dreg:$0x14] =	wrdreg s26  }
0x1e: {  	s25 =	sadd.s32 s12, s2;
	s26 =	sadd.s32 s15, s3;
	s12 =	simm.s32 $0x1  }
0x1f: {  	v0 =	vimm.f32 $0.0e+00;
	s15 =	simm.s32 $0x0;
	[dreg:$0x10] =	wrdreg s0;
	s0 =	sadd.s32 s17, s2  }
.LBB2_1:
0x20: {  	[tilespmem:$0x5000] =	vst v0  }
0x21: {  	[tilespmem:$0x5010] =	vst v0  }
0x22: {  	[tilespmem:$0x5020] =	vst v0  }
0x23: {  	[tilespmem:$0x5030] =	vst v0  }
0x24: {  	[tilespmem:$0x5040] =	vst v0  }
0x25: {  	[tilespmem:$0x5050] =	vst v0  }
0x26: {  	[tilespmem:$0x5060] =	vst v0  }
0x27: {  	[tilespmem:$0x5070] =	vst v0  }
0x28: {  	[tilespmem:$0x5080] =	vst v0  }
0x29: {  	[tilespmem:$0x5090] =	vst v0  }
0x2a: {  	[tilespmem:$0x50A0] =	vst v0  }
0x2b: {  	[tilespmem:$0x50B0] =	vst v0  }
0x2c: {  	[tilespmem:$0x50C0] =	vst v0  }
0x2d: {  	[tilespmem:$0x50D0] =	vst v0  }
0x2e: {  	[tilespmem:$0x50E0] =	vst v0  }
0x2f: {  	[tilespmem:$0x50F0] =	vst v0  }
0x30: {  	[tilespmem:$0x5100] =	vst v0  }
0x31: {  	[tilespmem:$0x5110] =	vst v0  }
0x32: {  	[tilespmem:$0x5120] =	vst v0  }
0x33: {  	[tilespmem:$0x5130] =	vst v0  }
0x34: {  	[tilespmem:$0x5140] =	vst v0  }
0x35: {  	[tilespmem:$0x5150] =	vst v0  }
0x36: {  	[tilespmem:$0x5160] =	vst v0  }
0x37: {  	[tilespmem:$0x5170] =	vst v0  }
0x38: {  	[tilespmem:$0x5180] =	vst v0  }
0x39: {  	[tilespmem:$0x5190] =	vst v0  }
0x3a: {  	[tilespmem:$0x51A0] =	vst v0  }
0x3b: {  	[tilespmem:$0x51B0] =	vst v0  }
0x3c: {  	[tilespmem:$0x51C0] =	vst v0  }
0x3d: {  	[tilespmem:$0x51D0] =	vst v0  }
0x3e: {  	[tilespmem:$0x51E0] =	vst v0  }
0x3f: {  	[tilespmem:$0x51F0] =	vst v0;
	s16 =	sadd.s32 $0x0, s18  }
0x40: {  	[spmem:s16] =	stream.linear.scatter [tilespmem:s5], [sflag:$0x4], $0x200, $0x38;
	[tilespmem:$0x19200] =	vst v63  }
0x41: {  	s16 =	simm.s32 $0x800;
	_ =	swait.ge [sflag:s8], $0x200  }
.LBB2_2:
0x42: {  	s17 =	sshra.s32 s16, $0x2;
	[sflag:s8] =	ssyncset.done $0x0;
	p0 =	seq.s32 s16, $0x27800  }
.Ltmp0:
0x43: {  	s17 =	sadd.s32 s17, s18;
	[sflag:s8] =	ssyncadd.s32 $0xFFFFFE00;
	(pc) =	sbr.rel @!p0 .LBB2_2-.Ltmp0, $3  }
0x44: {  	[spmem:s17] =	stream.linear.scatter [tilespmem:s5], [sflag:$0x4], $0x200, $0x38;
	[tilespmem:$0x19200] =	vst v63  }
0x45: {  	s16 =	sadd.s32 $0x800, s16;
	_ =	sdelay $0x1  }
0x46: {  	_ =	swait.ge [sflag:s8], $0x200  }
0x47: {  	[sflag:s8] =	ssyncset.done $0x0  }
0x48: {  	s16 =	rddreg [dreg:$0x5];
	[sflag:s8] =	ssyncadd.s32 $0xFFFFFE00  }
0x49: {  	[tilespmem:s9], [sflag:$0x4] =	stream.linear.gather [hbm4b:s16+s4], $0x2000, $0x38;
	[tilespmem:$0x19200] =	vst v63  }
0x4a: {  	_ =	swait.ge [sflag:s8], $0x2000  }
0x4b: {  	[sflag:s8] =	ssyncset.done $0x0  }
0x4c: {  	s22 =	rddreg [dreg:$0x13];
	[sflag:s8] =	ssyncadd.s32 $0xFFFFE000  }
0x4d: {  	[spmem:s22] =	stream.linear.scatter [tilespmem:s9], [sflag:$0x4], $0x2000, $0x38;
	[tilespmem:$0x19200] =	vst v63  }
0x4e: {  	_ =	swait.ge [sflag:s8], $0x2000  }
0x4f: {  	[sflag:s8] =	ssyncset.done $0x0  }
0x50: {  	s23 =	rddreg [dreg:$0x6];
	[sflag:s8] =	ssyncadd.s32 $0xFFFFE000  }
0x51: {  	[tilespmem:s9], [sflag:$0x4] =	stream.linear.gather [hbm4b:s23+s4], $0x2000, $0x38;
	[tilespmem:$0x19200] =	vst v63  }
0x52: {  	_ =	swait.ge [sflag:s8], $0x2000  }
0x53: {  	[sflag:s8] =	ssyncset.done $0x0  }
0x54: {  	s24 =	rddreg [dreg:$0x14];
	[sflag:s8] =	ssyncadd.s32 $0xFFFFE000  }
0x55: {  	[spmem:s24] =	stream.linear.scatter [tilespmem:s9], [sflag:$0x4], $0x2000, $0x38;
	[tilespmem:$0x19200] =	vst v63  }
0x56: {  	_ =	swait.ge [sflag:s8], $0x2000  }
0x57: {  	[sflag:s8] =	ssyncset.done $0x0  }
0x58: {  	s17 =	rddreg [dreg:$0x7];
	[sflag:s8] =	ssyncadd.s32 $0xFFFFE000  }
0x59: {  	[tilespmem:s9], [sflag:$0x4] =	stream.linear.gather [hbm4b:s17+s4], $0x2000, $0x38;
	[tilespmem:$0x19200] =	vst v63  }
0x5a: {  	_ =	swait.ge [sflag:s8], $0x2000  }
0x5b: {  	[sflag:s8] =	ssyncset.done $0x0  }
0x5c: {  	[sflag:s8] =	ssyncadd.s32 $0xFFFFE000  }
0x5d: {  	[spmem:s26] =	stream.linear.scatter [tilespmem:s9], [sflag:$0x4], $0x2000, $0x38;
	[tilespmem:$0x19200] =	vst v63  }
0x5e: {  	_ =	swait.ge [sflag:s8], $0x2000  }
0x5f: {  	[sflag:s8] =	ssyncset.done $0x0  }
0x60: {  	s19 =	rddreg [dreg:$0x8];
	[sflag:s8] =	ssyncadd.s32 $0xFFFFE000  }
0x61: {  	[tilespmem:s9], [sflag:$0x4] =	stream.linear.gather [hbm4b:s19+s4], $0x2000, $0x38;
	[tilespmem:$0x19200] =	vst v63  }
0x62: {  	_ =	swait.ge [sflag:s8], $0x2000  }
0x63: {  	[sflag:s8] =	ssyncset.done $0x0  }
0x64: {  	[sflag:s8] =	ssyncadd.s32 $0xFFFFE000  }
0x65: {  	[spmem:s29] =	stream.linear.scatter [tilespmem:s9], [sflag:$0x4], $0x2000, $0x38;
	[tilespmem:$0x19200] =	vst v63  }
0x66: {  	_ =	swait.ge [sflag:s8], $0x2000  }
0x67: {  	[sflag:s8] =	ssyncset.done $0x0  }
0x68: {  	s20 =	rddreg [dreg:$0x9];
	[sflag:s8] =	ssyncadd.s32 $0xFFFFE000  }
0x69: {  	[tilespmem:s9], [sflag:$0x4] =	stream.linear.gather [hbm4b:s20+s4], $0x2000, $0x38;
	[tilespmem:$0x19200] =	vst v63  }
0x6a: {  	_ =	swait.ge [sflag:s8], $0x2000  }
0x6b: {  	[sflag:s8] =	ssyncset.done $0x0  }
0x6c: {  	[sflag:s8] =	ssyncadd.s32 $0xFFFFE000  }
0x6d: {  	[spmem:s31] =	stream.linear.scatter [tilespmem:s9], [sflag:$0x4], $0x2000, $0x38;
	[tilespmem:$0x19200] =	vst v63  }
0x6e: {  	_ =	swait.ge [sflag:s8], $0x2000  }
0x6f: {  	[sflag:s8] =	ssyncset.done $0x0  }
0x70: {  	[sflag:s8] =	ssyncadd.s32 $0xFFFFE000  }
0x71: {  	[bflag:$0x0] =	sbarrier.arrive $0xFFFF  }
0x72: {  	s21 =	rddreg [dreg:$0xf]  }
0x73: {  	[tilespmem:s4], [sflag:$0x4] =	stream.linear.gather [hbm4b:s21+s4], $0x400, $0x38;
	[tilespmem:$0x19200] =	vst v63  }
0x74: {  	_ =	swait.ge [sflag:s8], $0x400  }
0x75: {  	p0 =	por $0x0, $0x0;
	s16 =	simm.s32 $0x400;
	[sflag:s8] =	ssyncset.done $0x0  }
0x76: {  	s17 =	simm.s32 $0x800;
	s22 =	rddreg [dreg:$0x10];
	[sflag:s8] =	ssyncadd.s32 $0xFFFFFC00  }
0x77: {  	[tilespmem:s17], [sflag:$0x4] =	stream.linear.gather [hbm4b:s22+s4], $0x400, $0x38;
	[tilespmem:$0x19200] =	vst v63  }
0x78: {  	s16 =	simm.s32 @p0 $0x0;
	_ =	swait.ge [sflag:s8], $0x400  }
0x79: {  	s23 =	simm.s32 $0x0;
	s19 =	sadd.s32 s7, s16;
	[sflag:s8] =	ssyncset.done $0x0  }
0x7a: {  	s16 =	sand.u32 $0x400, s23;
	s19 =	sshrl.u32 s19, $0x3;
	[sflag:s8] =	ssyncadd.s32 $0xFFFFFC00  }
0x7b: {  	[tilespmem:s9], [sflag:$0x1] =	stream.indirect.gather [spmem:s3], $0x40, s4, s10, $0xb8;
	[tilespmem:$0x19200] =	vst v63  }
0x7c: {  	s20 =	sadd.s32 s6, s19;
	s17 =	sxor.u32 $0x400, s16  }
0x7d: {  	[tilespmem:s17], [sflag:$0x3] =	stream.linear.gather [hbm4b:s20+s4], $0x400, $0x38;
	[tilespmem:$0x19200] =	vst v63  }
0x7e: {  	s24 =	sxor.u32 $0xC00, s16;
	s19 =	sadd.s32 s1, s19  }
0x7f: {  	[tilespmem:s24], [sflag:$0x3] =	stream.linear.gather [hbm4b:s19+s4], $0x400, $0x38;
	[tilespmem:$0x19200] =	vst v63  }
0x80: {  	s20 =	sor.u32 $0x80, s16  }
0x81: {  	[tilespmem:s11], [sflag:$0x2] =	stream.indirect.gather [spmem:s3], $0x40, s20, s10, $0xb8;
	[tilespmem:$0x19200] =	vst v63  }
0x82: {  	_ =	swait.ge [sflag:s12], $0x2000  }
0x83: {  	[sflag:s12] =	ssyncset.done $0x0  }
0x84: {  	s21 =	sor.u32 $0x800, s16;
	[sflag:s12] =	ssyncadd.s32 $0xFFFFE000  }
0x85: {  	[spmem:s2] =	stream.indirect.scatter.add.f32 [tilespmem:s9], [sflag:$0x4], $0x40, s21, s10, $0xb8;
	[tilespmem:$0x19200] =	vst v63  }
0x86: {  	_ =	swait.ge [sflag:s8], $0x2000  }
0x87: {  	[sflag:s8] =	ssyncset.done $0x0  }
0x88: {  	s22 =	sor.u32 $0x100, s16;
	[sflag:s8] =	ssyncadd.s32 $0xFFFFE000  }
0x89: {  	[tilespmem:s9], [sflag:$0x1] =	stream.indirect.gather [spmem:s3], $0x40, s22, s10, $0xb8;
	[tilespmem:$0x19200] =	vst v63  }
0x8a: {  	_ =	swait.ge [sflag:s13], $0x2000  }
0x8b: {  	[sflag:s13] =	ssyncset.done $0x0  }
0x8c: {  	s23 =	sor.u32 $0x880, s16;
	[sflag:s13] =	ssyncadd.s32 $0xFFFFE000  }
0x8d: {  	[spmem:s2] =	stream.indirect.scatter.add.f32 [tilespmem:s11], [sflag:$0x4], $0x40, s23, s10, $0xb8;
	[tilespmem:$0x19200] =	vst v63  }
0x8e: {  	_ =	swait.ge [sflag:s8], $0x2000  }
0x8f: {  	[sflag:s8] =	ssyncset.done $0x0  }
0x90: {  	s24 =	sor.u32 $0x180, s16;
	[sflag:s8] =	ssyncadd.s32 $0xFFFFE000  }
0x91: {  	[tilespmem:s11], [sflag:$0x2] =	stream.indirect.gather [spmem:s3], $0x40, s24, s10, $0xb8;
	[tilespmem:$0x19200] =	vst v63  }
0x92: {  	_ =	swait.ge [sflag:s12], $0x2000  }
0x93: {  	[sflag:s12] =	ssyncset.done $0x0  }
0x94: {  	s20 =	sor.u32 $0x900, s16;
	[sflag:s12] =	ssyncadd.s32 $0xFFFFE000  }
0x95: {  	[spmem:s2] =	stream.indirect.scatter.add.f32 [tilespmem:s9], [sflag:$0x4], $0x40, s20, s10, $0xb8;
	[tilespmem:$0x19200] =	vst v63  }
0x96: {  	_ =	swait.ge [sflag:s8], $0x2000  }
0x97: {  	[sflag:s8] =	ssyncset.done $0x0  }
0x98: {  	s21 =	sor.u32 $0x200, s16;
	[sflag:s8] =	ssyncadd.s32 $0xFFFFE000  }
0x99: {  	[tilespmem:s9], [sflag:$0x1] =	stream.indirect.gather [spmem:s3], $0x40, s21, s10, $0xb8;
	[tilespmem:$0x19200] =	vst v63  }
0x9a: {  	_ =	swait.ge [sflag:s13], $0x2000  }
0x9b: {  	[sflag:s13] =	ssyncset.done $0x0  }
0x9c: {  	s22 =	sor.u32 $0x980, s16;
	[sflag:s13] =	ssyncadd.s32 $0xFFFFE000  }
0x9d: {  	[spmem:s2] =	stream.indirect.scatter.add.f32 [tilespmem:s11], [sflag:$0x4], $0x40, s22, s10, $0xb8;
	[tilespmem:$0x19200] =	vst v63  }
0x9e: {  	_ =	swait.ge [sflag:s8], $0x2000  }
0x9f: {  	[sflag:s8] =	ssyncset.done $0x0  }
0xa0: {  	s23 =	sor.u32 $0x280, s16;
	[sflag:s8] =	ssyncadd.s32 $0xFFFFE000  }
0xa1: {  	[tilespmem:s11], [sflag:$0x2] =	stream.indirect.gather [spmem:s3], $0x40, s23, s10, $0xb8;
	[tilespmem:$0x19200] =	vst v63  }
0xa2: {  	_ =	swait.ge [sflag:s12], $0x2000  }
0xa3: {  	[sflag:s12] =	ssyncset.done $0x0  }
0xa4: {  	s24 =	sor.u32 $0xA00, s16;
	[sflag:s12] =	ssyncadd.s32 $0xFFFFE000  }
0xa5: {  	[spmem:s2] =	stream.indirect.scatter.add.f32 [tilespmem:s9], [sflag:$0x4], $0x40, s24, s10, $0xb8;
	[tilespmem:$0x19200] =	vst v63  }
0xa6: {  	_ =	swait.ge [sflag:s8], $0x2000  }
0xa7: {  	[sflag:s8] =	ssyncset.done $0x0  }
0xa8: {  	s20 =	sor.u32 $0x300, s16;
	[sflag:s8] =	ssyncadd.s32 $0xFFFFE000  }
0xa9: {  	[tilespmem:s9], [sflag:$0x1] =	stream.indirect.gather [spmem:s3], $0x40, s20, s10, $0xb8;
	[tilespmem:$0x19200] =	vst v63  }
0xaa: {  	_ =	swait.ge [sflag:s13], $0x2000  }
0xab: {  	[sflag:s13] =	ssyncset.done $0x0  }
0xac: {  	s21 =	sor.u32 $0xA80, s16;
	[sflag:s13] =	ssyncadd.s32 $0xFFFFE000  }
0xad: {  	[spmem:s2] =	stream.indirect.scatter.add.f32 [tilespmem:s11], [sflag:$0x4], $0x40, s21, s10, $0xb8;
	[tilespmem:$0x19200] =	vst v63  }
0xae: {  	_ =	swait.ge [sflag:s8], $0x2000  }
0xaf: {  	[sflag:s8] =	ssyncset.done $0x0  }
0xb0: {  	s22 =	sor.u32 $0x380, s16;
	[sflag:s8] =	ssyncadd.s32 $0xFFFFE000  }
0xb1: {  	[tilespmem:s11], [sflag:$0x2] =	stream.indirect.gather [spmem:s3], $0x40, s22, s10, $0xb8;
	[tilespmem:$0x19200] =	vst v63  }
0xb2: {  	_ =	swait.ge [sflag:s12], $0x2000  }
0xb3: {  	[sflag:s12] =	ssyncset.done $0x0  }
0xb4: {  	s23 =	sor.u32 $0xB00, s16;
	[sflag:s12] =	ssyncadd.s32 $0xFFFFE000  }
0xb5: {  	[spmem:s2] =	stream.indirect.scatter.add.f32 [tilespmem:s9], [sflag:$0x4], $0x40, s23, s10, $0xb8;
	[tilespmem:$0x19200] =	vst v63  }
0xb6: {  	_ =	swait.ge [sflag:s8], $0x2000  }
0xb7: {  	[sflag:s8] =	ssyncset.done $0x0  }
0xb8: {  	[sflag:s8] =	ssyncadd.s32 $0xFFFFE000  }
0xb9: {  	_ =	swait.ge [sflag:s14], $0x400  }
0xba: {  	[sflag:s14] =	ssyncset.done $0x0  }
0xbb: {  	[sflag:s14] =	ssyncadd.s32 $0xFFFFFC00  }
0xbc: {  	_ =	swait.ge [sflag:s14], $0x400  }
0xbd: {  	[sflag:s14] =	ssyncset.done $0x0  }
0xbe: {  	[sflag:s14] =	ssyncadd.s32 $0xFFFFFC00  }
0xbf: {  	[tilespmem:s9], [sflag:$0x1] =	stream.indirect.gather [spmem:s3], $0x40, s17, s10, $0xb8;
	[tilespmem:$0x19200] =	vst v63  }
0xc0: {  	p0 =	por $0x0, $0x0;
	s19 =	simm.s32 $0xC00;
	_ =	swait.ge [sflag:s13], $0x2000  }
0xc1: {  	s16 =	sor.u32 $0xB80, s16;
	s17 =	simm.s32 $0x800;
	[sflag:s13] =	ssyncset.done $0x0  }
0xc2: {  	s24 =	simm.s32 $0x400;
	s17 =	simm.s32 @p0 $0x0;
	[sflag:s13] =	ssyncadd.s32 $0xFFFFE000  }
0xc3: {  	[spmem:s2] =	stream.indirect.scatter.add.f32 [tilespmem:s11], [sflag:$0x4], $0x40, s16, s10, $0xb8;
	[tilespmem:$0x19200] =	vst v63  }
0xc4: {  	s17 =	sadd.s32 s7, s17;
	s16 =	sand.u32 $0x400, s24;
	_ =	swait.ge [sflag:s8], $0x2000  }
.LBB2_4:
0xc5: {  	s20 =	sxor.u32 $0x400, s16  }
0xc6: {  	s21 =	sshrl.u32 s17, $0x3;
	[sflag:s8] =	ssyncset.done $0x0;
	s17 =	smov.u32 s19  }
0xc7: {  	s22 =	sadd.s32 s6, s21;
	s23 =	sadd.s32 s1, s21;
	[sflag:s8] =	ssyncadd.s32 $0xFFFFE000  }
0xc8: {  	[tilespmem:s20], [sflag:$0x3] =	stream.linear.gather [hbm4b:s22+s4], $0x400, $0x38;
	[tilespmem:$0x19200] =	vst v63  }
0xc9: {  	s24 =	sor.u32 $0x80, s16;
	s21 =	sadd.s32 $0x400, s19;
	s22 =	sxor.u32 $0xC00, s16  }
0xca: {  	[tilespmem:s22], [sflag:$0x3] =	stream.linear.gather [hbm4b:s23+s4], $0x400, $0x38;
	[tilespmem:$0x19200] =	vst v63  }
0xcb: {  	p0 =	sne.s32 s19, $0x5000  }
0xcc: {  	[tilespmem:s11], [sflag:$0x2] =	stream.indirect.gather [spmem:s3], $0x40, s24, s10, $0xb8;
	[tilespmem:$0x19200] =	vst v63  }
0xcd: {  	_ =	swait.ge [sflag:s12], $0x2000  }
0xce: {  	s19 =	sor.u32 $0x800, s16;
	[sflag:s12] =	ssyncset.done $0x0  }
0xcf: {  	[sflag:s12] =	ssyncadd.s32 $0xFFFFE000  }
0xd0: {  	[spmem:s2] =	stream.indirect.scatter.add.f32 [tilespmem:s9], [sflag:$0x4], $0x40, s19, s10, $0xb8;
	[tilespmem:$0x19200] =	vst v63  }
0xd1: {  	_ =	swait.ge [sflag:s8], $0x2000  }
0xd2: {  	s19 =	sor.u32 $0x100, s16;
	[sflag:s8] =	ssyncset.done $0x0  }
0xd3: {  	[sflag:s8] =	ssyncadd.s32 $0xFFFFE000  }
0xd4: {  	[tilespmem:s9], [sflag:$0x1] =	stream.indirect.gather [spmem:s3], $0x40, s19, s10, $0xb8;
	[tilespmem:$0x19200] =	vst v63  }
0xd5: {  	_ =	swait.ge [sflag:s13], $0x2000  }
0xd6: {  	s19 =	sor.u32 $0x880, s16;
	[sflag:s13] =	ssyncset.done $0x0  }
0xd7: {  	[sflag:s13] =	ssyncadd.s32 $0xFFFFE000  }
0xd8: {  	[spmem:s2] =	stream.indirect.scatter.add.f32 [tilespmem:s11], [sflag:$0x4], $0x40, s19, s10, $0xb8;
	[tilespmem:$0x19200] =	vst v63  }
0xd9: {  	_ =	swait.ge [sflag:s8], $0x2000  }
0xda: {  	s19 =	sor.u32 $0x180, s16;
	[sflag:s8] =	ssyncset.done $0x0  }
0xdb: {  	[sflag:s8] =	ssyncadd.s32 $0xFFFFE000  }
0xdc: {  	[tilespmem:s11], [sflag:$0x2] =	stream.indirect.gather [spmem:s3], $0x40, s19, s10, $0xb8;
	[tilespmem:$0x19200] =	vst v63  }
0xdd: {  	_ =	swait.ge [sflag:s12], $0x2000  }
0xde: {  	s19 =	sor.u32 $0x900, s16;
	[sflag:s12] =	ssyncset.done $0x0  }
0xdf: {  	[sflag:s12] =	ssyncadd.s32 $0xFFFFE000  }
0xe0: {  	[spmem:s2] =	stream.indirect.scatter.add.f32 [tilespmem:s9], [sflag:$0x4], $0x40, s19, s10, $0xb8;
	[tilespmem:$0x19200] =	vst v63  }
0xe1: {  	_ =	swait.ge [sflag:s8], $0x2000  }
0xe2: {  	s19 =	sor.u32 $0x200, s16;
	[sflag:s8] =	ssyncset.done $0x0  }
0xe3: {  	[sflag:s8] =	ssyncadd.s32 $0xFFFFE000  }
0xe4: {  	[tilespmem:s9], [sflag:$0x1] =	stream.indirect.gather [spmem:s3], $0x40, s19, s10, $0xb8;
	[tilespmem:$0x19200] =	vst v63  }
0xe5: {  	_ =	swait.ge [sflag:s13], $0x2000  }
0xe6: {  	s19 =	sor.u32 $0x980, s16;
	[sflag:s13] =	ssyncset.done $0x0  }
0xe7: {  	[sflag:s13] =	ssyncadd.s32 $0xFFFFE000  }
0xe8: {  	[spmem:s2] =	stream.indirect.scatter.add.f32 [tilespmem:s11], [sflag:$0x4], $0x40, s19, s10, $0xb8;
	[tilespmem:$0x19200] =	vst v63  }
0xe9: {  	_ =	swait.ge [sflag:s8], $0x2000  }
0xea: {  	s19 =	sor.u32 $0x280, s16;
	[sflag:s8] =	ssyncset.done $0x0  }
0xeb: {  	[sflag:s8] =	ssyncadd.s32 $0xFFFFE000  }
0xec: {  	[tilespmem:s11], [sflag:$0x2] =	stream.indirect.gather [spmem:s3], $0x40, s19, s10, $0xb8;
	[tilespmem:$0x19200] =	vst v63  }
0xed: {  	_ =	swait.ge [sflag:s12], $0x2000  }
0xee: {  	s19 =	sor.u32 $0xA00, s16;
	[sflag:s12] =	ssyncset.done $0x0  }
0xef: {  	[sflag:s12] =	ssyncadd.s32 $0xFFFFE000  }
0xf0: {  	[spmem:s2] =	stream.indirect.scatter.add.f32 [tilespmem:s9], [sflag:$0x4], $0x40, s19, s10, $0xb8;
	[tilespmem:$0x19200] =	vst v63  }
0xf1: {  	_ =	swait.ge [sflag:s8], $0x2000  }
0xf2: {  	s19 =	sor.u32 $0x300, s16;
	[sflag:s8] =	ssyncset.done $0x0  }
0xf3: {  	[sflag:s8] =	ssyncadd.s32 $0xFFFFE000  }
0xf4: {  	[tilespmem:s9], [sflag:$0x1] =	stream.indirect.gather [spmem:s3], $0x40, s19, s10, $0xb8;
	[tilespmem:$0x19200] =	vst v63  }
0xf5: {  	_ =	swait.ge [sflag:s13], $0x2000  }
0xf6: {  	s19 =	sor.u32 $0xA80, s16;
	[sflag:s13] =	ssyncset.done $0x0  }
0xf7: {  	[sflag:s13] =	ssyncadd.s32 $0xFFFFE000  }
0xf8: {  	[spmem:s2] =	stream.indirect.scatter.add.f32 [tilespmem:s11], [sflag:$0x4], $0x40, s19, s10, $0xb8;
	[tilespmem:$0x19200] =	vst v63  }
0xf9: {  	_ =	swait.ge [sflag:s8], $0x2000  }
0xfa: {  	s19 =	sor.u32 $0x380, s16;
	[sflag:s8] =	ssyncset.done $0x0  }
0xfb: {  	[sflag:s8] =	ssyncadd.s32 $0xFFFFE000  }
0xfc: {  	[tilespmem:s11], [sflag:$0x2] =	stream.indirect.gather [spmem:s3], $0x40, s19, s10, $0xb8;
	[tilespmem:$0x19200] =	vst v63  }
0xfd: {  	_ =	swait.ge [sflag:s12], $0x2000  }
0xfe: {  	s19 =	sor.u32 $0xB00, s16;
	[sflag:s12] =	ssyncset.done $0x0  }
0xff: {  	[sflag:s12] =	ssyncadd.s32 $0xFFFFE000  }
0x100: {  	[spmem:s2] =	stream.indirect.scatter.add.f32 [tilespmem:s9], [sflag:$0x4], $0x40, s19, s10, $0xb8;
	[tilespmem:$0x19200] =	vst v63  }
0x101: {  	_ =	swait.ge [sflag:s8], $0x2000  }
0x102: {  	[sflag:s8] =	ssyncset.done $0x0  }
0x103: {  	[sflag:s8] =	ssyncadd.s32 $0xFFFFE000  }
0x104: {  	_ =	swait.ge [sflag:s14], $0x400  }
0x105: {  	[sflag:s14] =	ssyncset.done $0x0  }
0x106: {  	[sflag:s14] =	ssyncadd.s32 $0xFFFFFC00  }
0x107: {  	_ =	swait.ge [sflag:s14], $0x400  }
0x108: {  	[sflag:s14] =	ssyncset.done $0x0  }
0x109: {  	p1 =	seq.s32 s17, $0x5000;
	[sflag:s14] =	ssyncadd.s32 $0xFFFFFC00  }
0x10a: {  	[tilespmem:s9], [sflag:$0x1] =	stream.indirect.gather [spmem:s3], $0x40, s20, s10, $0xb8;
	[tilespmem:$0x19200] =	vst v63  }
.Ltmp1:
0x10b: {  	s16 =	sor.u32 $0xB80, s16;
	_ =	swait.ge [sflag:s13], $0x2000;
	(pc) =	sbr.rel @p0 .LBB2_4-.Ltmp1, $4  }
0x10c: {  	s19 =	sadd.s32 $0xFFFFFC00, s17;
	s17 =	simm.s32 @p1 $0x0;
	[sflag:s13] =	ssyncset.done $0x0  }
0x10d: {  	s17 =	sadd.s32 s7, s17;
	[sflag:s13] =	ssyncadd.s32 $0xFFFFE000  }
0x10e: {  	[spmem:s2] =	stream.indirect.scatter.add.f32 [tilespmem:s11], [sflag:$0x4], $0x40, s16, s10, $0xb8;
	[tilespmem:$0x19200] =	vst v63  }
0x10f: {  	s16 =	sand.u32 $0x400, s19;
	s19 =	smov.u32 s21;
	_ =	swait.ge [sflag:s8], $0x2000  }
0x110: {  	s19 =	sshrl.u32 s17, $0x3;
	[sflag:s8] =	ssyncset.done $0x0  }
0x111: {  	s17 =	sxor.u32 $0x400, s16;
	s20 =	sadd.s32 s6, s19;
	[sflag:s8] =	ssyncadd.s32 $0xFFFFE000  }
0x112: {  	[tilespmem:s17], [sflag:$0x3] =	stream.linear.gather [hbm4b:s20+s4], $0x400, $0x38;
	[tilespmem:$0x19200] =	vst v63  }
0x113: {  	s24 =	sxor.u32 $0xC00, s16;
	s19 =	sadd.s32 s1, s19  }
0x114: {  	[tilespmem:s24], [sflag:$0x3] =	stream.linear.gather [hbm4b:s19+s4], $0x400, $0x38;
	[tilespmem:$0x19200] =	vst v63  }
0x115: {  	s20 =	sor.u32 $0x80, s16  }
0x116: {  	[tilespmem:s11], [sflag:$0x2] =	stream.indirect.gather [spmem:s3], $0x40, s20, s10, $0xb8;
	[tilespmem:$0x19200] =	vst v63  }
0x117: {  	_ =	swait.ge [sflag:s12], $0x2000  }
0x118: {  	[sflag:s12] =	ssyncset.done $0x0  }
0x119: {  	s21 =	sor.u32 $0x800, s16;
	[sflag:s12] =	ssyncadd.s32 $0xFFFFE000  }
0x11a: {  	[spmem:s2] =	stream.indirect.scatter.add.f32 [tilespmem:s9], [sflag:$0x4], $0x40, s21, s10, $0xb8;
	[tilespmem:$0x19200] =	vst v63  }
0x11b: {  	_ =	swait.ge [sflag:s8], $0x2000  }
0x11c: {  	[sflag:s8] =	ssyncset.done $0x0  }
0x11d: {  	s22 =	sor.u32 $0x100, s16;
	[sflag:s8] =	ssyncadd.s32 $0xFFFFE000  }
0x11e: {  	[tilespmem:s9], [sflag:$0x1] =	stream.indirect.gather [spmem:s3], $0x40, s22, s10, $0xb8;
	[tilespmem:$0x19200] =	vst v63  }
0x11f: {  	_ =	swait.ge [sflag:s13], $0x2000  }
0x120: {  	[sflag:s13] =	ssyncset.done $0x0  }
0x121: {  	s23 =	sor.u32 $0x880, s16;
	[sflag:s13] =	ssyncadd.s32 $0xFFFFE000  }
0x122: {  	[spmem:s2] =	stream.indirect.scatter.add.f32 [tilespmem:s11], [sflag:$0x4], $0x40, s23, s10, $0xb8;
	[tilespmem:$0x19200] =	vst v63  }
0x123: {  	_ =	swait.ge [sflag:s8], $0x2000  }
0x124: {  	[sflag:s8] =	ssyncset.done $0x0  }
0x125: {  	s24 =	sor.u32 $0x180, s16;
	[sflag:s8] =	ssyncadd.s32 $0xFFFFE000  }
0x126: {  	[tilespmem:s11], [sflag:$0x2] =	stream.indirect.gather [spmem:s3], $0x40, s24, s10, $0xb8;
	[tilespmem:$0x19200] =	vst v63  }
0x127: {  	_ =	swait.ge [sflag:s12], $0x2000  }
0x128: {  	[sflag:s12] =	ssyncset.done $0x0  }
0x129: {  	s20 =	sor.u32 $0x900, s16;
	[sflag:s12] =	ssyncadd.s32 $0xFFFFE000  }
0x12a: {  	[spmem:s2] =	stream.indirect.scatter.add.f32 [tilespmem:s9], [sflag:$0x4], $0x40, s20, s10, $0xb8;
	[tilespmem:$0x19200] =	vst v63  }
0x12b: {  	_ =	swait.ge [sflag:s8], $0x2000  }
0x12c: {  	[sflag:s8] =	ssyncset.done $0x0  }
0x12d: {  	s21 =	sor.u32 $0x200, s16;
	[sflag:s8] =	ssyncadd.s32 $0xFFFFE000  }
0x12e: {  	[tilespmem:s9], [sflag:$0x1] =	stream.indirect.gather [spmem:s3], $0x40, s21, s10, $0xb8;
	[tilespmem:$0x19200] =	vst v63  }
0x12f: {  	_ =	swait.ge [sflag:s13], $0x2000  }
0x130: {  	[sflag:s13] =	ssyncset.done $0x0  }
0x131: {  	s22 =	sor.u32 $0x980, s16;
	[sflag:s13] =	ssyncadd.s32 $0xFFFFE000  }
0x132: {  	[spmem:s2] =	stream.indirect.scatter.add.f32 [tilespmem:s11], [sflag:$0x4], $0x40, s22, s10, $0xb8;
	[tilespmem:$0x19200] =	vst v63  }
0x133: {  	_ =	swait.ge [sflag:s8], $0x2000  }
0x134: {  	[sflag:s8] =	ssyncset.done $0x0  }
0x135: {  	s23 =	sor.u32 $0x280, s16;
	[sflag:s8] =	ssyncadd.s32 $0xFFFFE000  }
0x136: {  	[tilespmem:s11], [sflag:$0x2] =	stream.indirect.gather [spmem:s3], $0x40, s23, s10, $0xb8;
	[tilespmem:$0x19200] =	vst v63  }
0x137: {  	_ =	swait.ge [sflag:s12], $0x2000  }
0x138: {  	[sflag:s12] =	ssyncset.done $0x0  }
0x139: {  	s24 =	sor.u32 $0xA00, s16;
	[sflag:s12] =	ssyncadd.s32 $0xFFFFE000  }
0x13a: {  	[spmem:s2] =	stream.indirect.scatter.add.f32 [tilespmem:s9], [sflag:$0x4], $0x40, s24, s10, $0xb8;
	[tilespmem:$0x19200] =	vst v63  }
0x13b: {  	_ =	swait.ge [sflag:s8], $0x2000  }
0x13c: {  	[sflag:s8] =	ssyncset.done $0x0  }
0x13d: {  	s20 =	sor.u32 $0x300, s16;
	[sflag:s8] =	ssyncadd.s32 $0xFFFFE000  }
0x13e: {  	[tilespmem:s9], [sflag:$0x1] =	stream.indirect.gather [spmem:s3], $0x40, s20, s10, $0xb8;
	[tilespmem:$0x19200] =	vst v63  }
0x13f: {  	_ =	swait.ge [sflag:s13], $0x2000  }
0x140: {  	[sflag:s13] =	ssyncset.done $0x0  }
0x141: {  	s21 =	sor.u32 $0xA80, s16;
	[sflag:s13] =	ssyncadd.s32 $0xFFFFE000  }
0x142: {  	[spmem:s2] =	stream.indirect.scatter.add.f32 [tilespmem:s11], [sflag:$0x4], $0x40, s21, s10, $0xb8;
	[tilespmem:$0x19200] =	vst v63  }
0x143: {  	_ =	swait.ge [sflag:s8], $0x2000  }
0x144: {  	[sflag:s8] =	ssyncset.done $0x0  }
0x145: {  	s22 =	sor.u32 $0x380, s16;
	[sflag:s8] =	ssyncadd.s32 $0xFFFFE000  }
0x146: {  	[tilespmem:s11], [sflag:$0x2] =	stream.indirect.gather [spmem:s3], $0x40, s22, s10, $0xb8;
	[tilespmem:$0x19200] =	vst v63  }
0x147: {  	_ =	swait.ge [sflag:s12], $0x2000  }
0x148: {  	[sflag:s12] =	ssyncset.done $0x0  }
0x149: {  	s23 =	sor.u32 $0xB00, s16;
	[sflag:s12] =	ssyncadd.s32 $0xFFFFE000  }
0x14a: {  	[spmem:s2] =	stream.indirect.scatter.add.f32 [tilespmem:s9], [sflag:$0x4], $0x40, s23, s10, $0xb8;
	[tilespmem:$0x19200] =	vst v63  }
0x14b: {  	_ =	swait.ge [sflag:s8], $0x2000  }
0x14c: {  	[sflag:s8] =	ssyncset.done $0x0  }
0x14d: {  	[sflag:s8] =	ssyncadd.s32 $0xFFFFE000  }
0x14e: {  	_ =	swait.ge [sflag:s14], $0x400  }
0x14f: {  	[sflag:s14] =	ssyncset.done $0x0  }
0x150: {  	[sflag:s14] =	ssyncadd.s32 $0xFFFFFC00  }
0x151: {  	_ =	swait.ge [sflag:s14], $0x400  }
0x152: {  	[sflag:s14] =	ssyncset.done $0x0  }
0x153: {  	[sflag:s14] =	ssyncadd.s32 $0xFFFFFC00  }
0x154: {  	[tilespmem:s9], [sflag:$0x1] =	stream.indirect.gather [spmem:s3], $0x40, s17, s10, $0xb8;
	[tilespmem:$0x19200] =	vst v63  }
0x155: {  	_ =	swait.ge [sflag:s13], $0x2000  }
0x156: {  	[sflag:s13] =	ssyncset.done $0x0  }
0x157: {  	s24 =	sor.u32 $0xB80, s16;
	[sflag:s13] =	ssyncadd.s32 $0xFFFFE000  }
0x158: {  	[spmem:s2] =	stream.indirect.scatter.add.f32 [tilespmem:s11], [sflag:$0x4], $0x40, s24, s10, $0xb8;
	[tilespmem:$0x19200] =	vst v63  }
0x159: {  	_ =	swait.ge [sflag:s8], $0x2000  }
0x15a: {  	[sflag:s8] =	ssyncset.done $0x0  }
0x15b: {  	[sflag:s8] =	ssyncadd.s32 $0xFFFFE000  }
0x15c: {  	_ =	swait.ge [sflag:s12], $0x2000  }
0x15d: {  	[sflag:s12] =	ssyncset.done $0x0  }
0x15e: {  	[sflag:s12] =	ssyncadd.s32 $0xFFFFE000  }
0x15f: {  	[bflag:$0x0] =	sbarrier.arrive $0xFFFF  }
0x160: {  	s17 =	rddreg [dreg:$0x12]  }
0x161: {  	[tilespmem:s9], [sflag:$0x4] =	stream.linear.gather [spmem:s17], $0x2000, $0x38;
	[tilespmem:$0x19200] =	vst v63  }
0x162: {  	_ =	swait.ge [sflag:s8], $0x2000  }
0x163: {  	[sflag:s8] =	ssyncset.done $0x0  }
0x164: {  	s19 =	rddreg [dreg:$0xa];
	[sflag:s8] =	ssyncadd.s32 $0xFFFFE000  }
0x165: {  	[hbm4b:s19+s4] =	stream.linear.scatter [tilespmem:s9], [sflag:$0x4], $0x2000, $0x38;
	[tilespmem:$0x19200] =	vst v63  }
0x166: {  	_ =	swait.ge [sflag:s8], $0x2000  }
0x167: {  	[sflag:s8] =	ssyncset.done $0x0  }
0x168: {  	[sflag:s8] =	ssyncadd.s32 $0xFFFFE000  }
0x169: {  	[tilespmem:s9], [sflag:$0x4] =	stream.linear.gather [spmem:s25], $0x2000, $0x38;
	[tilespmem:$0x19200] =	vst v63  }
0x16a: {  	_ =	swait.ge [sflag:s8], $0x2000  }
0x16b: {  	[sflag:s8] =	ssyncset.done $0x0  }
0x16c: {  	s20 =	rddreg [dreg:$0xb];
	[sflag:s8] =	ssyncadd.s32 $0xFFFFE000  }
0x16d: {  	[hbm4b:s20+s4] =	stream.linear.scatter [tilespmem:s9], [sflag:$0x4], $0x2000, $0x38;
	[tilespmem:$0x19200] =	vst v63  }
0x16e: {  	_ =	swait.ge [sflag:s8], $0x2000  }
0x16f: {  	[sflag:s8] =	ssyncset.done $0x0  }
0x170: {  	[sflag:s8] =	ssyncadd.s32 $0xFFFFE000  }
0x171: {  	[tilespmem:s9], [sflag:$0x4] =	stream.linear.gather [spmem:s28], $0x2000, $0x38;
	[tilespmem:$0x19200] =	vst v63  }
0x172: {  	_ =	swait.ge [sflag:s8], $0x2000  }
0x173: {  	[sflag:s8] =	ssyncset.done $0x0  }
0x174: {  	s21 =	rddreg [dreg:$0xc];
	[sflag:s8] =	ssyncadd.s32 $0xFFFFE000  }
0x175: {  	[hbm4b:s21+s4] =	stream.linear.scatter [tilespmem:s9], [sflag:$0x4], $0x2000, $0x38;
	[tilespmem:$0x19200] =	vst v63  }
0x176: {  	_ =	swait.ge [sflag:s8], $0x2000  }
0x177: {  	[sflag:s8] =	ssyncset.done $0x0  }
0x178: {  	[sflag:s8] =	ssyncadd.s32 $0xFFFFE000  }
0x179: {  	[tilespmem:s9], [sflag:$0x4] =	stream.linear.gather [spmem:s30], $0x2000, $0x38;
	[tilespmem:$0x19200] =	vst v63  }
0x17a: {  	_ =	swait.ge [sflag:s8], $0x2000  }
0x17b: {  	[sflag:s8] =	ssyncset.done $0x0  }
0x17c: {  	s22 =	rddreg [dreg:$0xd];
	[sflag:s8] =	ssyncadd.s32 $0xFFFFE000  }
0x17d: {  	[hbm4b:s22+s4] =	stream.linear.scatter [tilespmem:s9], [sflag:$0x4], $0x2000, $0x38;
	[tilespmem:$0x19200] =	vst v63  }
0x17e: {  	_ =	swait.ge [sflag:s8], $0x2000  }
0x17f: {  	[sflag:s8] =	ssyncset.done $0x0  }
0x180: {  	[sflag:s8] =	ssyncadd.s32 $0xFFFFE000  }
0x181: {  	[tilespmem:s9], [sflag:$0x4] =	stream.linear.gather [spmem:s0], $0x2000, $0x38;
	[tilespmem:$0x19200] =	vst v63  }
0x182: {  	_ =	swait.ge [sflag:s8], $0x2000  }
0x183: {  	[sflag:s8] =	ssyncset.done $0x0  }
0x184: {  	s23 =	rddreg [dreg:$0xe];
	[sflag:s8] =	ssyncadd.s32 $0xFFFFE000  }
0x185: {  	[hbm4b:s23+s4] =	stream.linear.scatter [tilespmem:s9], [sflag:$0x4], $0x2000, $0x38;
	[tilespmem:$0x19200] =	vst v63  }
0x186: {  	_ =	swait.ge [sflag:s8], $0x2000  }
0x187: {  	s15 =	sadd.s32 $0x1, s15;
	s24 =	rddreg [dreg:$0x11]  }
0x188: {  	p0 =	sne.s32 s15, s24  }
.Ltmp2:
0x189: {  	_ = 	snop;
	(pc) =	sbr.rel @p0 .LBB2_1-.Ltmp2, $3  }
0x18a: {  	_ =	sdelay $0x1  }
0x18b: {  	[sflag:s8] =	ssyncset.done $0x0  }
0x18c: {  	[sflag:s8] =	ssyncadd.s32 $0xFFFFE000  }
0x18d: {  	_ =	sfence.sel $0x180000  }
0x18e: {  	[bflag:$0x0] =	sbarrier.arrive $0xFFFF  }
0x18f: {  	_ =	strace $0x9000004A  }
0x190: {  	s0 =	stileid.u32;
	[bflag:$0x2] =	sbarrier.arrive $0xFFFF  }
0x191: {  	p0 =	sne.s32 s0, $0x0;
	s0 =	rddreg [dreg:$0x4]  }
0x192: {  	s0 =	sadd.s32 @!p0 $0x100000, s0  }
0x193: {  	[sflag:s0] =	ssyncadd.tile.s32 @!p0 $0x1;
	_ =	shalt  }
.Lfunc_end2:
_tile_overlayer_lowered:
.L_overlay_start_2:
0x194: {  	(tag) =	ssettag $0x2  }
0x195: {  	s0 =	rddreg [dreg:$0x0];
	s2 =	stileid.u32  }
0x196: {  	s1 =	rddreg [dreg:$0x1];
	p0 =	sne.s32 s2, $0x0  }
0x197: {  	s3 =	rddreg [dreg:$0x2];
	[bflag:$0x3] =	sbarrier.arrive $0xFFFF;
	s2 =	simm.s32 @!p0 $0x1C04  }
0x198: {  	[timem:s3], [sflag:s2] =	dma.local @!p0 [hbm:s0], s1  }
0x199: {  	s0 =	simm.s32 @!p0 $0x4  }
0x19a: {  	_ =	swait.ge @!p0 [sflag:s0], s1  }
0x19b: {  	s1 =	ssub.s32 @!p0 $0x0, s1;
	[sflag:s0] =	ssyncset.done @!p0 $0x0  }
0x19c: {  	[sflag:s0] =	ssyncadd.s32 @!p0 s1  }
0x19d: {  	[bflag:$0x3] =	sbarrier.arrive $0xFFFF  }
0x19e: {  	_ =	shalt  }

</sc_bundles>
